<compile_context>
chip_gen: v7x
topology: tpu7x:2x2x1
jax: 0.10.2.dev20260603
libtpu: 0.0.44.dev20260713+nightly
codegen_flags: <defaults>
</compile_context>

<pallas_src>
import functools
import math

import jax
import jax.numpy as jnp
from jax import lax
from jax.experimental import pallas as pl
from jax.experimental.pallas import tpu as pltpu
from jax.experimental.pallas import tpu_sc as plsc

L = 2048
GEO = 1536
SEM = 512
RSA = 64
OUT = 256
H = 8
DH = 32
K = 10
BLK = 256
GRID = L // BLK

NC = 2
NS = 16
NW = NC * NS
RPW = L // NW
SPW = RPW * K
CH = 80
NCH = SPW // CH


def _ln(x, g, b):
    m = jnp.mean(x, axis=-1, keepdims=True)
    v = jnp.mean((x - m) ** 2, axis=-1, keepdims=True)
    return (x - m) * jax.lax.rsqrt(v + 1e-5) * g + b


def _leaky(x):
    return jnp.where(x >= 0, x, 0.01 * x)


def _projqkv_body(geo_ref, sem_ref, rsa_ref, pos_ref, pos_t_ref,
                  geo_w, geo_b, geo_g, geo_bb,
                  sem_w, sem_b, sem_g, sem_bb,
                  rsa_w, rsa_b, rsa_g, rsa_bb,
                  rt_w, rt_b, rt_g, rt_bb,
                  wq, bq, wkv, bkv,
                  geo_p_o, sem_p_o, rsa_o_o,
                  q_geo_o, kv_geo_o, q_sem_o, kv_sem_o, idx_o):
    f32 = jnp.float32
    _topk_block(pos_ref, pos_t_ref, idx_o)
    geo_p = _ln(jnp.dot(geo_ref[...], geo_w[...], preferred_element_type=f32)
                + geo_b[...], geo_g[...], geo_bb[...])
    sem_p = _ln(jnp.dot(sem_ref[...], sem_w[...], preferred_element_type=f32)
                + sem_b[...], sem_g[...], sem_bb[...])
    rsa_p = _ln(jnp.dot(rsa_ref[...], rsa_w[...], preferred_element_type=f32)
                + rsa_b[...], rsa_g[...], rsa_bb[...])
    rsa_o_o[...] = _leaky(_ln(
        jnp.dot(rsa_p, rt_w[...], preferred_element_type=f32) + rt_b[...],
        rt_g[...], rt_bb[...]))
    geo_p_o[...] = geo_p
    sem_p_o[...] = sem_p
    q_geo_o[...] = jnp.dot(geo_p, wq[...], preferred_element_type=f32) + bq[...]
    q_sem_o[...] = jnp.dot(sem_p, wq[...], preferred_element_type=f32) + bq[...]
    kv_geo_o[...] = jnp.dot(geo_p, wkv[...], preferred_element_type=f32) + bkv[...]
    kv_sem_o[...] = jnp.dot(sem_p, wkv[...], preferred_element_type=f32) + bkv[...]


def _topk_block(pos_ref, pos_t_ref, idx_o):
    i = pl.program_id(0)
    rows = pl.ds(i * BLK, BLK)

    x_r = pos_ref[rows, 0:1]
    y_r = pos_ref[rows, 1:2]
    z_r = pos_ref[rows, 2:3]
    x_c = pos_t_ref[0:1, :]
    y_c = pos_t_ref[1:2, :]
    z_c = pos_t_ref[2:3, :]
    sq_r = x_r * x_r + y_r * y_r + z_r * z_r
    sq_c = x_c * x_c + y_c * y_c + z_c * z_c
    dot_rc = x_r * x_c + y_r * y_c + z_r * z_c
    d2 = sq_r + sq_c - 2.0 * dot_rc
    d = jnp.sqrt(jnp.maximum(d2, 0.0))

    colid = jax.lax.broadcasted_iota(jnp.int32, (BLK, L), 1).astype(jnp.float32)
    idxs = []
    for _ in range(K):
        m = jnp.min(d, axis=1, keepdims=True)
        cand = jnp.where(d == m, colid, jnp.float32(3e8))
        imin = jnp.min(cand, axis=1, keepdims=True)
        sel = colid == imin
        idxs.append(imin)
        d = jnp.where(sel, jnp.inf, d)
    idx_o[...] = jnp.concatenate(idxs, axis=1).astype(jnp.int32)


def _make_sc_gather(row0, nrows):
    spw = (nrows // NW) * K
    nch = spw // CH

    nbuf = 3

    def body(idx_hbm, kvs_hbm, kvg_hbm,
             kvcg_hbm, kvcs_hbm,
             idx_v, buf0, buf1, buf2, sg0, sg1, sg2, ss0, ss1, ss2):
        wid = lax.axis_index("s") * NC + lax.axis_index("c")
        base = wid * spw
        pltpu.sync_copy(idx_hbm.at[pl.ds(row0 * K + base, spw)], idx_v)
        bufs = (buf0, buf1, buf2)
        sgs = (sg0, sg1, sg2)
        sss = (ss0, ss1, ss2)

        def do_dir(kv_hbm, out_hbm):
            gets = [None] * nch
            puts = [None] * nch
            for c in range(nch):
                b = c % nbuf
                if c >= nbuf:
                    puts[c - nbuf].wait()
                gets[c] = pltpu.async_copy(
                    kv_hbm.at[idx_v.at[pl.ds(c * CH, CH)]], bufs[b], sgs[b])
                if c >= 1:
                    gets[c - 1].wait()
                    puts[c - 1] = pltpu.async_copy(
                        bufs[(c - 1) % nbuf],
                        out_hbm.at[pl.ds(base + (c - 1) * CH, CH)],
                        sss[(c - 1) % nbuf])
            gets[nch - 1].wait()
            puts[nch - 1] = pltpu.async_copy(
                bufs[(nch - 1) % nbuf],
                out_hbm.at[pl.ds(base + (nch - 1) * CH, CH)],
                sss[(nch - 1) % nbuf])
            for c in range(max(0, nch - nbuf), nch):
                puts[c].wait()

        do_dir(kvs_hbm, kvcg_hbm)
        do_dir(kvg_hbm, kvcs_hbm)

    return pl.kernel(
        body,
        out_type=[jax.ShapeDtypeStruct((nrows * K, 2 * OUT), jnp.float32),
                  jax.ShapeDtypeStruct((nrows * K, 2 * OUT), jnp.float32)],
        mesh=plsc.VectorSubcoreMesh(core_axis_name="c", subcore_axis_name="s",
                                    num_cores=NC, num_subcores=NS),
        compiler_params=pltpu.CompilerParams(use_tc_tiling_on_sc=False,
                                             needs_layout_passes=False),
        scratch_types=[
            pltpu.VMEM((spw,), jnp.int32),
            pltpu.VMEM((CH, 2 * OUT), jnp.float32),
            pltpu.VMEM((CH, 2 * OUT), jnp.float32),
            pltpu.VMEM((CH, 2 * OUT), jnp.float32),
            pltpu.SemaphoreType.DMA,
            pltpu.SemaphoreType.DMA,
            pltpu.SemaphoreType.DMA,
            pltpu.SemaphoreType.DMA,
            pltpu.SemaphoreType.DMA,
            pltpu.SemaphoreType.DMA,
        ],
    )


def _attend_compact(q, kvc_ref, segh, expand):
    f32 = jnp.float32
    scale = jnp.float32(1.0 / math.sqrt(DH))
    qs = q * scale
    svals = []
    for j in range(K):
        pr = qs * kvc_ref[:, j * 2 * OUT:j * 2 * OUT + OUT]
        svals.append(jnp.dot(pr, segh, preferred_element_type=f32))
    m = svals[0]
    for j in range(1, K):
        m = jnp.maximum(m, svals[j])
    ps = [jnp.exp(s - m) for s in svals]
    den = ps[0]
    for j in range(1, K):
        den = den + ps[j]
    inv = 1.0 / den
    a_small = jnp.concatenate([p * inv for p in ps], axis=1)
    a_full = jnp.dot(a_small, expand, preferred_element_type=f32)
    out = a_full[:, 0:OUT] * kvc_ref[:, OUT:2 * OUT]
    for j in range(1, K):
        out = out + (a_full[:, j * OUT:(j + 1) * OUT]
                     * kvc_ref[:, j * 2 * OUT + OUT:(j + 1) * 2 * OUT])
    return out


def _attn_head_body(q_geo_ref, q_sem_ref, kvcg_ref, kvcs_ref,
                    geo_p_ref, sem_p_ref, rsa_o_ref, segh_ref, expand_ref,
                    o_w, o_b, ab_ref, ln1_g, ln1_b, ln2_g, ln2_b,
                    f1_w, f1_b, f1_g, f1_bb, f2_w, f2_b, f2_g, f2_bb,
                    out_o):
    f32 = jnp.float32
    segh = segh_ref[...]
    expand = expand_ref[...]
    attn_geo = _attend_compact(q_geo_ref[...], kvcg_ref, segh, expand)
    attn_sem = _attend_compact(q_sem_ref[...], kvcs_ref, segh, expand)
    a_geo = ab_ref[0, 0]
    b_geo = ab_ref[0, 1]
    a_sem = ab_ref[0, 2]
    b_sem = ab_ref[0, 3]
    ag = jnp.dot(attn_geo, o_w[...], preferred_element_type=f32) + o_b[...]
    geo_out = _ln(a_geo * geo_p_ref[...] + b_geo * ag, ln1_g[...], ln1_b[...])
    asm = jnp.dot(attn_sem, o_w[...], preferred_element_type=f32) + o_b[...]
    sem_out = _ln(a_sem * sem_p_ref[...] + b_sem * asm, ln2_g[...], ln2_b[...])
    h = (jnp.dot(geo_out, f1_w[0:OUT, :], preferred_element_type=f32)
         + jnp.dot(sem_out, f1_w[OUT:2 * OUT, :], preferred_element_type=f32)
         + jnp.dot(rsa_o_ref[...], f1_w[2 * OUT:3 * OUT, :], preferred_element_type=f32)
         + f1_b[...])
    h = _leaky(_ln(h, f1_g[...], f1_bb[...]))
    f = _leaky(_ln(jnp.dot(h, f2_w[...], preferred_element_type=f32) + f2_b[...],
                   f2_g[...], f2_bb[...]))
    out_o[...] = f


def _row_spec(d):
    return pl.BlockSpec((BLK, d), lambda i: (i, 0))


def _full_spec(shape):
    n = len(shape)
    return pl.BlockSpec(shape, lambda i: (0,) * n)


@jax.jit
def kernel(geo_feat, sem_feat, rsa_feat, pos, params):
    p = params
    f32 = jnp.float32
    row = lambda v: jnp.reshape(v, (1, -1)).astype(f32)

    wkv = jnp.concatenate([p['k_w'], p['v_w']], axis=1)
    bkv = jnp.concatenate([p['k_b'], p['v_b']]).reshape(1, -1)
    pos_t = pos.T

    (geo_p, sem_p, rsa_out,
     q_geo, kv_geo, q_sem, kv_sem, idx) = pl.pallas_call(
        _projqkv_body,
        grid=(GRID,),
        in_specs=[
            _row_spec(GEO), _row_spec(SEM), _row_spec(RSA),
            _full_spec((L, 3)), _full_spec((3, L)),
            _full_spec((GEO, OUT)), _full_spec((1, OUT)), _full_spec((1, OUT)), _full_spec((1, OUT)),
            _full_spec((SEM, OUT)), _full_spec((1, OUT)), _full_spec((1, OUT)), _full_spec((1, OUT)),
            _full_spec((RSA, OUT)), _full_spec((1, OUT)), _full_spec((1, OUT)), _full_spec((1, OUT)),
            _full_spec((OUT, OUT)), _full_spec((1, OUT)), _full_spec((1, OUT)), _full_spec((1, OUT)),
            _full_spec((OUT, OUT)), _full_spec((1, OUT)),
            _full_spec((OUT, 2 * OUT)), _full_spec((1, 2 * OUT)),
        ],
        out_specs=[_row_spec(OUT), _row_spec(OUT), _row_spec(OUT),
                   _row_spec(OUT), _row_spec(2 * OUT),
                   _row_spec(OUT), _row_spec(2 * OUT), _row_spec(K)],
        out_shape=[
            jax.ShapeDtypeStruct((L, OUT), f32),
            jax.ShapeDtypeStruct((L, OUT), f32),
            jax.ShapeDtypeStruct((L, OUT), f32),
            jax.ShapeDtypeStruct((L, OUT), f32),
            jax.ShapeDtypeStruct((L, 2 * OUT), f32),
            jax.ShapeDtypeStruct((L, OUT), f32),
            jax.ShapeDtypeStruct((L, 2 * OUT), f32),
            jax.ShapeDtypeStruct((L, K), jnp.int32),
        ],
    )(geo_feat, sem_feat, rsa_feat, pos, pos_t,
      p['geo_w'], row(p['geo_b']), row(p['geo_g']), row(p['geo_bb']),
      p['sem_w'], row(p['sem_b']), row(p['sem_g']), row(p['sem_bb']),
      p['rsa_w'], row(p['rsa_b']), row(p['rsa_g']), row(p['rsa_bb']),
      p['rt_w'], row(p['rt_b']), row(p['rt_g']), row(p['rt_bb']),
      p['q_w'], row(p['q_b']), wkv, bkv)

    idx_flat = idx.reshape(-1)
    kvc_geo, kvc_sem = _make_sc_gather(0, L)(idx_flat, kv_sem, kv_geo)
    kvc_halves = [(kvc_geo.reshape(L, K * 2 * OUT),
                   kvc_sem.reshape(L, K * 2 * OUT))]
    half = L

    lanes = jnp.arange(OUT)
    segh = (lanes[:, None] // DH == jnp.arange(H)[None, :]).astype(f32)
    jh = jnp.arange(K * H)
    co = jnp.arange(K * OUT)
    expand = ((jh[:, None] // H == co[None, :] // OUT)
              & (jh[:, None] % H == (co[None, :] % OUT) // DH)).astype(f32)

    ab = jnp.stack([p['a_geo'], p['b_geo'], p['a_sem'], p['b_sem']]).reshape(1, 4)
    grid_h = half // BLK
    fused_halves = []
    for hix, (kvcg2, kvcs2) in enumerate(kvc_halves):
        off = hix * grid_h
        rs = lambda d, o=off: pl.BlockSpec((BLK, d), lambda i, oo=o: (i + oo, 0))
        fused_h = pl.pallas_call(
            _attn_head_body,
            grid=(grid_h,),
            in_specs=[rs(OUT), rs(OUT),
                      _row_spec(K * 2 * OUT),
                      _row_spec(K * 2 * OUT),
                      rs(OUT), rs(OUT), rs(OUT),
                      _full_spec((OUT, H)), _full_spec((K * H, K * OUT)),
                      _full_spec((OUT, OUT)), _full_spec((1, OUT)),
                      _full_spec((1, 4)),
                      _full_spec((1, OUT)), _full_spec((1, OUT)),
                      _full_spec((1, OUT)), _full_spec((1, OUT)),
                      _full_spec((3 * OUT, 2 * OUT)), _full_spec((1, 2 * OUT)),
                      _full_spec((1, 2 * OUT)), _full_spec((1, 2 * OUT)),
                      _full_spec((2 * OUT, OUT)), _full_spec((1, OUT)),
                      _full_spec((1, OUT)), _full_spec((1, OUT))],
            out_specs=_row_spec(OUT),
            out_shape=jax.ShapeDtypeStruct((half, OUT), f32),
        )(q_geo, q_sem, kvcg2, kvcs2,
          geo_p, sem_p, rsa_out, segh, expand,
          p['o_w'], row(p['o_b']), ab,
          row(p['ln1_g']), row(p['ln1_b']), row(p['ln2_g']), row(p['ln2_b']),
          p['f1_w'], row(p['f1_b']), row(p['f1_g']), row(p['f1_bb']),
          p['f2_w'], row(p['f2_b']), row(p['f2_g']), row(p['f2_bb']))
        fused_halves.append(fused_h)
    return jnp.concatenate(fused_halves, axis=0)

# --- scband reference (transcript-rebuilt; emitter-appended) ---
"""Pipeline reference for scband-benchmark-28398323761484 (READ-ONLY COPY).

The authoritative reference and input builder live on the scoring server;
editing this copy changes nothing except your own understanding.
"""

import jax, jax.numpy as jnp
import numpy as np

L = 2048; GEO = 1536; SEM = 512; RSA = 64; OUT = 256; H = 8; DH = 32; K = 10


def _ln(x, g, b):
    m = jnp.mean(x, axis=-1, keepdims=True)
    v = jnp.mean((x - m) ** 2, axis=-1, keepdims=True)
    return (x - m) / jnp.sqrt(v + 1e-5) * g + b


def _leaky(x):
    return jnp.where(x >= 0, x, 0.01 * x)


def _knn_mask(pos):
    sq = jnp.sum(pos * pos, axis=1)
    d2 = sq[:, None] + sq[None, :] - 2.0 * (pos @ pos.T)
    d = jnp.sqrt(jnp.clip(d2, 0.0, None))
    _, idx = jax.lax.top_k(-d, K)
    n = pos.shape[0]
    mask = jnp.zeros((n, n), dtype=bool).at[jnp.arange(n)[:, None], idx].set(True)
    return mask


def _attn(q, k, v, mask):
    q = jnp.transpose(q, (1, 0, 2))
    k = jnp.transpose(k, (1, 0, 2))
    v = jnp.transpose(v, (1, 0, 2))
    s = jnp.einsum('hld,hmd->hlm', q, k) / np.sqrt(DH)
    s = jnp.where(mask[None, :, :], s, -jnp.inf)
    a = jax.nn.softmax(s, axis=-1)
    o = jnp.einsum('hlm,hmd->hld', a, v)
    return jnp.transpose(o, (1, 0, 2))


def _forward(geo_feat, sem_feat, rsa_feat, p, mask):
    n = geo_feat.shape[0]
    geo_p = _ln(geo_feat @ p['geo_w'] + p['geo_b'], p['geo_g'], p['geo_bb'])
    sem_p = _ln(sem_feat @ p['sem_w'] + p['sem_b'], p['sem_g'], p['sem_bb'])
    rsa_p = _ln(rsa_feat @ p['rsa_w'] + p['rsa_b'], p['rsa_g'], p['rsa_bb'])
    geo_q = (geo_p @ p['q_w'] + p['q_b']).reshape(n, H, DH)
    sem_k = (sem_p @ p['k_w'] + p['k_b']).reshape(n, H, DH)
    sem_v = (sem_p @ p['v_w'] + p['v_b']).reshape(n, H, DH)
    geo_attn = _attn(geo_q, sem_k, sem_v, mask).reshape(n, OUT)
    geo_attn = geo_attn @ p['o_w'] + p['o_b']
    geo_out = _ln(p['a_geo'] * geo_p + p['b_geo'] * geo_attn, p['ln1_g'], p['ln1_b'])
    sem_q = (sem_p @ p['q_w'] + p['q_b']).reshape(n, H, DH)
    geo_k = (geo_p @ p['k_w'] + p['k_b']).reshape(n, H, DH)
    geo_v = (geo_p @ p['v_w'] + p['v_b']).reshape(n, H, DH)
    sem_attn = _attn(sem_q, geo_k, geo_v, mask).reshape(n, OUT)
    sem_attn = sem_attn @ p['o_w'] + p['o_b']
    sem_out = _ln(p['a_sem'] * sem_p + p['b_sem'] * sem_attn, p['ln2_g'], p['ln2_b'])
    rsa_out = _leaky(_ln(rsa_p @ p['rt_w'] + p['rt_b'], p['rt_g'], p['rt_bb']))
    combined = jnp.concatenate([geo_out, sem_out, rsa_out], axis=1)
    h = _leaky(_ln(combined @ p['f1_w'] + p['f1_b'], p['f1_g'], p['f1_bb']))
    fused = _leaky(_ln(h @ p['f2_w'] + p['f2_b'], p['f2_g'], p['f2_bb']))
    return fused


def setup_inputs(seed: int = 0):
    key = jax.random.key(seed)
    ks = jax.random.split(key, 16)
    def nrm(i, shape, s=0.02):
        return jax.random.normal(ks[i], shape, dtype=jnp.float32) * s
    p = {}
    p['geo_w'] = nrm(0, (GEO, OUT)); p['geo_b'] = jnp.zeros((OUT,)); p['geo_g'] = jnp.ones((OUT,)); p['geo_bb'] = jnp.zeros((OUT,))
    p['sem_w'] = nrm(1, (SEM, OUT)); p['sem_b'] = jnp.zeros((OUT,)); p['sem_g'] = jnp.ones((OUT,)); p['sem_bb'] = jnp.zeros((OUT,))
    p['rsa_w'] = nrm(2, (RSA, OUT)); p['rsa_b'] = jnp.zeros((OUT,)); p['rsa_g'] = jnp.ones((OUT,)); p['rsa_bb'] = jnp.zeros((OUT,))
    p['q_w'] = nrm(3, (OUT, OUT)); p['q_b'] = jnp.zeros((OUT,))
    p['k_w'] = nrm(4, (OUT, OUT)); p['k_b'] = jnp.zeros((OUT,))
    p['v_w'] = nrm(5, (OUT, OUT)); p['v_b'] = jnp.zeros((OUT,))
    p['o_w'] = nrm(6, (OUT, OUT)); p['o_b'] = jnp.zeros((OUT,))
    p['a_geo'] = jnp.float32(1.0); p['b_geo'] = jnp.float32(0.5)
    p['a_sem'] = jnp.float32(1.0); p['b_sem'] = jnp.float32(0.5)
    p['rt_w'] = nrm(7, (OUT, OUT)); p['rt_b'] = jnp.zeros((OUT,)); p['rt_g'] = jnp.ones((OUT,)); p['rt_bb'] = jnp.zeros((OUT,))
    p['f1_w'] = nrm(8, (OUT * 3, OUT * 2)); p['f1_b'] = jnp.zeros((OUT * 2,)); p['f1_g'] = jnp.ones((OUT * 2,)); p['f1_bb'] = jnp.zeros((OUT * 2,))
    p['f2_w'] = nrm(9, (OUT * 2, OUT)); p['f2_b'] = jnp.zeros((OUT,)); p['f2_g'] = jnp.ones((OUT,)); p['f2_bb'] = jnp.zeros((OUT,))
    p['ln1_g'] = jnp.ones((OUT,)); p['ln1_b'] = jnp.zeros((OUT,))
    p['ln2_g'] = jnp.ones((OUT,)); p['ln2_b'] = jnp.zeros((OUT,))
    return {'geo_feat': jax.random.normal(ks[10], (L, GEO), dtype=jnp.float32),
            'sem_feat': jax.random.normal(ks[11], (L, SEM), dtype=jnp.float32),
            'rsa_feat': jax.random.normal(ks[12], (L, RSA), dtype=jnp.float32),
            'pos': jax.random.normal(ks[13], (L, 3), dtype=jnp.float32),
            'params': p}


def reference(geo_feat, sem_feat, rsa_feat, pos, params):
    mask = _knn_mask(pos)
    return _forward(geo_feat, sem_feat, rsa_feat, params, mask)

if __name__ == "__main__":
    import jax
    _d = setup_inputs()
    print(jax.jit(kernel)(*tuple(_d.values())))

</pallas_src>

<mosaic_0001>
#map = affine_map<(d0, d1) -> (0)>
#map1 = affine_map<(d0, d1) -> (0, 0)>
module attributes {stable_mosaic.version = 14 : i64} {
  func.func @body(%arg0: i32, %arg1: i32, %arg2: memref<20480xi32, #tpu.memory_space<hbm>>, %arg3: memref<2048x512xf32, #tpu.memory_space<hbm>>, %arg4: memref<2048x512xf32, #tpu.memory_space<hbm>>, %arg5: memref<20480x512xf32, #tpu.memory_space<hbm>>, %arg6: memref<20480x512xf32, #tpu.memory_space<hbm>>, %arg7: memref<640xi32, #tpu.memory_space<vmem>>, %arg8: memref<80x512xf32, #tpu.memory_space<vmem>>, %arg9: memref<80x512xf32, #tpu.memory_space<vmem>>, %arg10: memref<80x512xf32, #tpu.memory_space<vmem>>, %arg11: memref<!tpu.dma_semaphore, #tpu.memory_space<semaphore_mem>>, %arg12: memref<!tpu.dma_semaphore, #tpu.memory_space<semaphore_mem>>, %arg13: memref<!tpu.dma_semaphore, #tpu.memory_space<semaphore_mem>>, %arg14: memref<!tpu.dma_semaphore, #tpu.memory_space<semaphore_mem>>, %arg15: memref<!tpu.dma_semaphore, #tpu.memory_space<semaphore_mem>>, %arg16: memref<!tpu.dma_semaphore, #tpu.memory_space<semaphore_mem>>) attributes {dimension_semantics = [#tpu.dimension_semantics<core_parallel>, #tpu.dimension_semantics<subcore_parallel>], iteration_bounds = array<i64: 2, 16>, scalar_prefetch = 0 : i64, scratch_operands = 10 : i64, tpu.core_type = #tpu.core_type<sc_vector_subcore>, window_params = [{transform_indices = #map}, {transform_indices = #map1}, {transform_indices = #map1}, {transform_indices = #map1}, {transform_indices = #map1}]} {
    %mul3A = arith.constant 2 : i32
    %mul3A_0 = arith.muli %arg1, %mul3A : i32
    %add3A = arith.addi %mul3A_0, %arg0 : i32
    %mul3A_1 = arith.constant 640 : i32
    %mul3A_2 = arith.muli %add3A, %mul3A_1 : i32
    %add3A_3 = arith.constant 0 : i32
    %add3A_4 = arith.addi %add3A_3, %mul3A_2 : i32
    "tpu.region"() ({
      %run_scoped3A = tpu.sem_alloc : memref<!tpu.dma_semaphore, #tpu.memory_space<semaphore_mem>>
      %dma_start3A_323 = tpu.memref_slice %arg2[%add3A_4] : memref<20480xi32, #tpu.memory_space<hbm>> -> memref<640xi32, #tpu.memory_space<hbm>>
      %dma_start3A_324 = tpu.memref_slice %arg2[%add3A_4] : memref<20480xi32, #tpu.memory_space<hbm>> -> memref<640xi32, #tpu.memory_space<hbm>>
      tpu.enqueue_dma source(%dma_start3A_324 : memref<640xi32, #tpu.memory_space<hbm>>) target(%arg7 : memref<640xi32, #tpu.memory_space<vmem>>) target_semaphore(%run_scoped3A : memref<!tpu.dma_semaphore, #tpu.memory_space<semaphore_mem>>)
      %dma_wait3A_325 = tpu.memref_slice %arg2[%add3A_4] : memref<20480xi32, #tpu.memory_space<hbm>> -> memref<640xi32, #tpu.memory_space<hbm>>
      %dma_wait3A_326 = tpu.memref_slice %arg2[%add3A_4] : memref<20480xi32, #tpu.memory_space<hbm>> -> memref<640xi32, #tpu.memory_space<hbm>>
      tpu.wait_dma2 semaphore(%run_scoped3A : memref<!tpu.dma_semaphore, #tpu.memory_space<semaphore_mem>>) src(%dma_wait3A_326 : memref<640xi32, #tpu.memory_space<hbm>>) dst(%arg7 : memref<640xi32, #tpu.memory_space<vmem>>)
      tpu.yield
    }) : () -> ()
    %dma_start3A = arith.constant 0 : i32
    %dma_start3A_5 = tpu.memref_slice %arg7[%dma_start3A] : memref<640xi32, #tpu.memory_space<vmem>> -> memref<80xi32, #tpu.memory_space<vmem>>
    %dma_start3A_6 = arith.constant 0 : i32
    %dma_start3A_7 = arith.constant 0 : i32
    %dma_start3A_8 = tpu.memref_slice %arg3[%dma_start3A_6, %dma_start3A_7] : memref<2048x512xf32, #tpu.memory_space<hbm>> -> memref<2048x512xf32, #tpu.memory_space<hbm>>
    tpu.enqueue_indirect_dma source(%dma_start3A_8 : memref<2048x512xf32, #tpu.memory_space<hbm>>) target(%arg8 : memref<80x512xf32, #tpu.memory_space<vmem>>) offsets(%dma_start3A_5 : memref<80xi32, #tpu.memory_space<vmem>>) semaphore(%arg11 : memref<!tpu.dma_semaphore, #tpu.memory_space<semaphore_mem>>)
    %dma_start3A_9 = arith.constant 80 : i32
    %dma_start3A_10 = tpu.memref_slice %arg7[%dma_start3A_9] : memref<640xi32, #tpu.memory_space<vmem>> -> memref<80xi32, #tpu.memory_space<vmem>>
    %dma_start3A_11 = arith.constant 0 : i32
    %dma_start3A_12 = arith.constant 0 : i32
    %dma_start3A_13 = tpu.memref_slice %arg3[%dma_start3A_11, %dma_start3A_12] : memref<2048x512xf32, #tpu.memory_space<hbm>> -> memref<2048x512xf32, #tpu.memory_space<hbm>>
    tpu.enqueue_indirect_dma source(%dma_start3A_13 : memref<2048x512xf32, #tpu.memory_space<hbm>>) target(%arg9 : memref<80x512xf32, #tpu.memory_space<vmem>>) offsets(%dma_start3A_10 : memref<80xi32, #tpu.memory_space<vmem>>) semaphore(%arg12 : memref<!tpu.dma_semaphore, #tpu.memory_space<semaphore_mem>>)
    %dma_wait3A = arith.constant 0 : i32
    %dma_wait3A_14 = tpu.memref_slice %arg7[%dma_wait3A] : memref<640xi32, #tpu.memory_space<vmem>> -> memref<80xi32, #tpu.memory_space<vmem>>
    %dma_wait3A_15 = arith.constant 0 : i32
    %dma_wait3A_16 = arith.constant 0 : i32
    %dma_wait3A_17 = tpu.memref_slice %arg3[%dma_wait3A_15, %dma_wait3A_16] : memref<2048x512xf32, #tpu.memory_space<hbm>> -> memref<2048x512xf32, #tpu.memory_space<hbm>>
    tpu.wait_indirect_dma semaphore(%arg11 : memref<!tpu.dma_semaphore, #tpu.memory_space<semaphore_mem>>) src(%dma_wait3A_17 : memref<2048x512xf32, #tpu.memory_space<hbm>>) dst(%arg8 : memref<80x512xf32, #tpu.memory_space<vmem>>)
    %add3A_18 = arith.constant 0 : i32
    %add3A_19 = arith.addi %mul3A_2, %add3A_18 : i32
    %dma_start3A_20 = arith.constant 0 : i32
    %dma_start3A_21 = tpu.memref_slice %arg5[%add3A_19, %dma_start3A_20] : memref<20480x512xf32, #tpu.memory_space<hbm>> -> memref<80x512xf32, #tpu.memory_space<hbm>>
    %dma_start3A_22 = arith.constant 0 : i32
    %dma_start3A_23 = tpu.memref_slice %arg5[%add3A_19, %dma_start3A_22] : memref<20480x512xf32, #tpu.memory_space<hbm>> -> memref<80x512xf32, #tpu.memory_space<hbm>>
    tpu.enqueue_dma source(%arg8 : memref<80x512xf32, #tpu.memory_space<vmem>>) target(%dma_start3A_23 : memref<80x512xf32, #tpu.memory_space<hbm>>) target_semaphore(%arg14 : memref<!tpu.dma_semaphore, #tpu.memory_space<semaphore_mem>>)
    %dma_start3A_24 = arith.constant 160 : i32
    %dma_start3A_25 = tpu.memref_slice %arg7[%dma_start3A_24] : memref<640xi32, #tpu.memory_space<vmem>> -> memref<80xi32, #tpu.memory_space<vmem>>
    %dma_start3A_26 = arith.constant 0 : i32
    %dma_start3A_27 = arith.constant 0 : i32
    %dma_start3A_28 = tpu.memref_slice %arg3[%dma_start3A_26, %dma_start3A_27] : memref<2048x512xf32, #tpu.memory_space<hbm>> -> memref<2048x512xf32, #tpu.memory_space<hbm>>
    tpu.enqueue_indirect_dma source(%dma_start3A_28 : memref<2048x512xf32, #tpu.memory_space<hbm>>) target(%arg10 : memref<80x512xf32, #tpu.memory_space<vmem>>) offsets(%dma_start3A_25 : memref<80xi32, #tpu.memory_space<vmem>>) semaphore(%arg13 : memref<!tpu.dma_semaphore, #tpu.memory_space<semaphore_mem>>)
    %dma_wait3A_29 = arith.constant 80 : i32
    %dma_wait3A_30 = tpu.memref_slice %arg7[%dma_wait3A_29] : memref<640xi32, #tpu.memory_space<vmem>> -> memref<80xi32, #tpu.memory_space<vmem>>
    %dma_wait3A_31 = arith.constant 0 : i32
    %dma_wait3A_32 = arith.constant 0 : i32
    %dma_wait3A_33 = tpu.memref_slice %arg3[%dma_wait3A_31, %dma_wait3A_32] : memref<2048x512xf32, #tpu.memory_space<hbm>> -> memref<2048x512xf32, #tpu.memory_space<hbm>>
    tpu.wait_indirect_dma semaphore(%arg12 : memref<!tpu.dma_semaphore, #tpu.memory_space<semaphore_mem>>) src(%dma_wait3A_33 : memref<2048x512xf32, #tpu.memory_space<hbm>>) dst(%arg9 : memref<80x512xf32, #tpu.memory_space<vmem>>)
    %add3A_34 = arith.constant 80 : i32
    %add3A_35 = arith.addi %mul3A_2, %add3A_34 : i32
    %dma_start3A_36 = arith.constant 0 : i32
    %dma_start3A_37 = tpu.memref_slice %arg5[%add3A_35, %dma_start3A_36] : memref<20480x512xf32, #tpu.memory_space<hbm>> -> memref<80x512xf32, #tpu.memory_space<hbm>>
    %dma_start3A_38 = arith.constant 0 : i32
    %dma_start3A_39 = tpu.memref_slice %arg5[%add3A_35, %dma_start3A_38] : memref<20480x512xf32, #tpu.memory_space<hbm>> -> memref<80x512xf32, #tpu.memory_space<hbm>>
    tpu.enqueue_dma source(%arg9 : memref<80x512xf32, #tpu.memory_space<vmem>>) target(%dma_start3A_39 : memref<80x512xf32, #tpu.memory_space<hbm>>) target_semaphore(%arg15 : memref<!tpu.dma_semaphore, #tpu.memory_space<semaphore_mem>>)
    %dma_wait3A_40 = arith.constant 0 : i32
    %dma_wait3A_41 = tpu.memref_slice %arg5[%add3A_19, %dma_wait3A_40] : memref<20480x512xf32, #tpu.memory_space<hbm>> -> memref<80x512xf32, #tpu.memory_space<hbm>>
    %dma_wait3A_42 = arith.constant 0 : i32
    %dma_wait3A_43 = tpu.memref_slice %arg5[%add3A_19, %dma_wait3A_42] : memref<20480x512xf32, #tpu.memory_space<hbm>> -> memref<80x512xf32, #tpu.memory_space<hbm>>
    tpu.wait_dma2 semaphore(%arg14 : memref<!tpu.dma_semaphore, #tpu.memory_space<semaphore_mem>>) src(%arg8 : memref<80x512xf32, #tpu.memory_space<vmem>>) dst(%dma_wait3A_43 : memref<80x512xf32, #tpu.memory_space<hbm>>)
    %dma_start3A_44 = arith.constant 240 : i32
    %dma_start3A_45 = tpu.memref_slice %arg7[%dma_start3A_44] : memref<640xi32, #tpu.memory_space<vmem>> -> memref<80xi32, #tpu.memory_space<vmem>>
    %dma_start3A_46 = arith.constant 0 : i32
    %dma_start3A_47 = arith.constant 0 : i32
    %dma_start3A_48 = tpu.memref_slice %arg3[%dma_start3A_46, %dma_start3A_47] : memref<2048x512xf32, #tpu.memory_space<hbm>> -> memref<2048x512xf32, #tpu.memory_space<hbm>>
    tpu.enqueue_indirect_dma source(%dma_start3A_48 : memref<2048x512xf32, #tpu.memory_space<hbm>>) target(%arg8 : memref<80x512xf32, #tpu.memory_space<vmem>>) offsets(%dma_start3A_45 : memref<80xi32, #tpu.memory_space<vmem>>) semaphore(%arg11 : memref<!tpu.dma_semaphore, #tpu.memory_space<semaphore_mem>>)
    %dma_wait3A_49 = arith.constant 160 : i32
    %dma_wait3A_50 = tpu.memref_slice %arg7[%dma_wait3A_49] : memref<640xi32, #tpu.memory_space<vmem>> -> memref<80xi32, #tpu.memory_space<vmem>>
    %dma_wait3A_51 = arith.constant 0 : i32
    %dma_wait3A_52 = arith.constant 0 : i32
    %dma_wait3A_53 = tpu.memref_slice %arg3[%dma_wait3A_51, %dma_wait3A_52] : memref<2048x512xf32, #tpu.memory_space<hbm>> -> memref<2048x512xf32, #tpu.memory_space<hbm>>
    tpu.wait_indirect_dma semaphore(%arg13 : memref<!tpu.dma_semaphore, #tpu.memory_space<semaphore_mem>>) src(%dma_wait3A_53 : memref<2048x512xf32, #tpu.memory_space<hbm>>) dst(%arg10 : memref<80x512xf32, #tpu.memory_space<vmem>>)
    %add3A_54 = arith.constant 160 : i32
    %add3A_55 = arith.addi %mul3A_2, %add3A_54 : i32
    %dma_start3A_56 = arith.constant 0 : i32
    %dma_start3A_57 = tpu.memref_slice %arg5[%add3A_55, %dma_start3A_56] : memref<20480x512xf32, #tpu.memory_space<hbm>> -> memref<80x512xf32, #tpu.memory_space<hbm>>
    %dma_start3A_58 = arith.constant 0 : i32
    %dma_start3A_59 = tpu.memref_slice %arg5[%add3A_55, %dma_start3A_58] : memref<20480x512xf32, #tpu.memory_space<hbm>> -> memref<80x512xf32, #tpu.memory_space<hbm>>
    tpu.enqueue_dma source(%arg10 : memref<80x512xf32, #tpu.memory_space<vmem>>) target(%dma_start3A_59 : memref<80x512xf32, #tpu.memory_space<hbm>>) target_semaphore(%arg16 : memref<!tpu.dma_semaphore, #tpu.memory_space<semaphore_mem>>)
    %dma_wait3A_60 = arith.constant 0 : i32
    %dma_wait3A_61 = tpu.memref_slice %arg5[%add3A_35, %dma_wait3A_60] : memref<20480x512xf32, #tpu.memory_space<hbm>> -> memref<80x512xf32, #tpu.memory_space<hbm>>
    %dma_wait3A_62 = arith.constant 0 : i32
    %dma_wait3A_63 = tpu.memref_slice %arg5[%add3A_35, %dma_wait3A_62] : memref<20480x512xf32, #tpu.memory_space<hbm>> -> memref<80x512xf32, #tpu.memory_space<hbm>>
    tpu.wait_dma2 semaphore(%arg15 : memref<!tpu.dma_semaphore, #tpu.memory_space<semaphore_mem>>) src(%arg9 : memref<80x512xf32, #tpu.memory_space<vmem>>) dst(%dma_wait3A_63 : memref<80x512xf32, #tpu.memory_space<hbm>>)
    %dma_start3A_64 = arith.constant 320 : i32
    %dma_start3A_65 = tpu.memref_slice %arg7[%dma_start3A_64] : memref<640xi32, #tpu.memory_space<vmem>> -> memref<80xi32, #tpu.memory_space<vmem>>
    %dma_start3A_66 = arith.constant 0 : i32
    %dma_start3A_67 = arith.constant 0 : i32
    %dma_start3A_68 = tpu.memref_slice %arg3[%dma_start3A_66, %dma_start3A_67] : memref<2048x512xf32, #tpu.memory_space<hbm>> -> memref<2048x512xf32, #tpu.memory_space<hbm>>
    tpu.enqueue_indirect_dma source(%dma_start3A_68 : memref<2048x512xf32, #tpu.memory_space<hbm>>) target(%arg9 : memref<80x512xf32, #tpu.memory_space<vmem>>) offsets(%dma_start3A_65 : memref<80xi32, #tpu.memory_space<vmem>>) semaphore(%arg12 : memref<!tpu.dma_semaphore, #tpu.memory_space<semaphore_mem>>)
    %dma_wait3A_69 = arith.constant 240 : i32
    %dma_wait3A_70 = tpu.memref_slice %arg7[%dma_wait3A_69] : memref<640xi32, #tpu.memory_space<vmem>> -> memref<80xi32, #tpu.memory_space<vmem>>
    %dma_wait3A_71 = arith.constant 0 : i32
    %dma_wait3A_72 = arith.constant 0 : i32
    %dma_wait3A_73 = tpu.memref_slice %arg3[%dma_wait3A_71, %dma_wait3A_72] : memref<2048x512xf32, #tpu.memory_space<hbm>> -> memref<2048x512xf32, #tpu.memory_space<hbm>>
    tpu.wait_indirect_dma semaphore(%arg11 : memref<!tpu.dma_semaphore, #tpu.memory_space<semaphore_mem>>) src(%dma_wait3A_73 : memref<2048x512xf32, #tpu.memory_space<hbm>>) dst(%arg8 : memref<80x512xf32, #tpu.memory_space<vmem>>)
    %add3A_74 = arith.constant 240 : i32
    %add3A_75 = arith.addi %mul3A_2, %add3A_74 : i32
    %dma_start3A_76 = arith.constant 0 : i32
    %dma_start3A_77 = tpu.memref_slice %arg5[%add3A_75, %dma_start3A_76] : memref<20480x512xf32, #tpu.memory_space<hbm>> -> memref<80x512xf32, #tpu.memory_space<hbm>>
    %dma_start3A_78 = arith.constant 0 : i32
    %dma_start3A_79 = tpu.memref_slice %arg5[%add3A_75, %dma_start3A_78] : memref<20480x512xf32, #tpu.memory_space<hbm>> -> memref<80x512xf32, #tpu.memory_space<hbm>>
    tpu.enqueue_dma source(%arg8 : memref<80x512xf32, #tpu.memory_space<vmem>>) target(%dma_start3A_79 : memref<80x512xf32, #tpu.memory_space<hbm>>) target_semaphore(%arg14 : memref<!tpu.dma_semaphore, #tpu.memory_space<semaphore_mem>>)
    %dma_wait3A_80 = arith.constant 0 : i32
    %dma_wait3A_81 = tpu.memref_slice %arg5[%add3A_55, %dma_wait3A_80] : memref<20480x512xf32, #tpu.memory_space<hbm>> -> memref<80x512xf32, #tpu.memory_space<hbm>>
    %dma_wait3A_82 = arith.constant 0 : i32
    %dma_wait3A_83 = tpu.memref_slice %arg5[%add3A_55, %dma_wait3A_82] : memref<20480x512xf32, #tpu.memory_space<hbm>> -> memref<80x512xf32, #tpu.memory_space<hbm>>
    tpu.wait_dma2 semaphore(%arg16 : memref<!tpu.dma_semaphore, #tpu.memory_space<semaphore_mem>>) src(%arg10 : memref<80x512xf32, #tpu.memory_space<vmem>>) dst(%dma_wait3A_83 : memref<80x512xf32, #tpu.memory_space<hbm>>)
    %dma_start3A_84 = arith.constant 400 : i32
    %dma_start3A_85 = tpu.memref_slice %arg7[%dma_start3A_84] : memref<640xi32, #tpu.memory_space<vmem>> -> memref<80xi32, #tpu.memory_space<vmem>>
    %dma_start3A_86 = arith.constant 0 : i32
    %dma_start3A_87 = arith.constant 0 : i32
    %dma_start3A_88 = tpu.memref_slice %arg3[%dma_start3A_86, %dma_start3A_87] : memref<2048x512xf32, #tpu.memory_space<hbm>> -> memref<2048x512xf32, #tpu.memory_space<hbm>>
    tpu.enqueue_indirect_dma source(%dma_start3A_88 : memref<2048x512xf32, #tpu.memory_space<hbm>>) target(%arg10 : memref<80x512xf32, #tpu.memory_space<vmem>>) offsets(%dma_start3A_85 : memref<80xi32, #tpu.memory_space<vmem>>) semaphore(%arg13 : memref<!tpu.dma_semaphore, #tpu.memory_space<semaphore_mem>>)
    %dma_wait3A_89 = arith.constant 320 : i32
    %dma_wait3A_90 = tpu.memref_slice %arg7[%dma_wait3A_89] : memref<640xi32, #tpu.memory_space<vmem>> -> memref<80xi32, #tpu.memory_space<vmem>>
    %dma_wait3A_91 = arith.constant 0 : i32
    %dma_wait3A_92 = arith.constant 0 : i32
    %dma_wait3A_93 = tpu.memref_slice %arg3[%dma_wait3A_91, %dma_wait3A_92] : memref<2048x512xf32, #tpu.memory_space<hbm>> -> memref<2048x512xf32, #tpu.memory_space<hbm>>
    tpu.wait_indirect_dma semaphore(%arg12 : memref<!tpu.dma_semaphore, #tpu.memory_space<semaphore_mem>>) src(%dma_wait3A_93 : memref<2048x512xf32, #tpu.memory_space<hbm>>) dst(%arg9 : memref<80x512xf32, #tpu.memory_space<vmem>>)
    %add3A_94 = arith.constant 320 : i32
    %add3A_95 = arith.addi %mul3A_2, %add3A_94 : i32
    %dma_start3A_96 = arith.constant 0 : i32
    %dma_start3A_97 = tpu.memref_slice %arg5[%add3A_95, %dma_start3A_96] : memref<20480x512xf32, #tpu.memory_space<hbm>> -> memref<80x512xf32, #tpu.memory_space<hbm>>
    %dma_start3A_98 = arith.constant 0 : i32
    %dma_start3A_99 = tpu.memref_slice %arg5[%add3A_95, %dma_start3A_98] : memref<20480x512xf32, #tpu.memory_space<hbm>> -> memref<80x512xf32, #tpu.memory_space<hbm>>
    tpu.enqueue_dma source(%arg9 : memref<80x512xf32, #tpu.memory_space<vmem>>) target(%dma_start3A_99 : memref<80x512xf32, #tpu.memory_space<hbm>>) target_semaphore(%arg15 : memref<!tpu.dma_semaphore, #tpu.memory_space<semaphore_mem>>)
    %dma_wait3A_100 = arith.constant 0 : i32
    %dma_wait3A_101 = tpu.memref_slice %arg5[%add3A_75, %dma_wait3A_100] : memref<20480x512xf32, #tpu.memory_space<hbm>> -> memref<80x512xf32, #tpu.memory_space<hbm>>
    %dma_wait3A_102 = arith.constant 0 : i32
    %dma_wait3A_103 = tpu.memref_slice %arg5[%add3A_75, %dma_wait3A_102] : memref<20480x512xf32, #tpu.memory_space<hbm>> -> memref<80x512xf32, #tpu.memory_space<hbm>>
    tpu.wait_dma2 semaphore(%arg14 : memref<!tpu.dma_semaphore, #tpu.memory_space<semaphore_mem>>) src(%arg8 : memref<80x512xf32, #tpu.memory_space<vmem>>) dst(%dma_wait3A_103 : memref<80x512xf32, #tpu.memory_space<hbm>>)
    %dma_start3A_104 = arith.constant 480 : i32
    %dma_start3A_105 = tpu.memref_slice %arg7[%dma_start3A_104] : memref<640xi32, #tpu.memory_space<vmem>> -> memref<80xi32, #tpu.memory_space<vmem>>
    %dma_start3A_106 = arith.constant 0 : i32
    %dma_start3A_107 = arith.constant 0 : i32
    %dma_start3A_108 = tpu.memref_slice %arg3[%dma_start3A_106, %dma_start3A_107] : memref<2048x512xf32, #tpu.memory_space<hbm>> -> memref<2048x512xf32, #tpu.memory_space<hbm>>
    tpu.enqueue_indirect_dma source(%dma_start3A_108 : memref<2048x512xf32, #tpu.memory_space<hbm>>) target(%arg8 : memref<80x512xf32, #tpu.memory_space<vmem>>) offsets(%dma_start3A_105 : memref<80xi32, #tpu.memory_space<vmem>>) semaphore(%arg11 : memref<!tpu.dma_semaphore, #tpu.memory_space<semaphore_mem>>)
    %dma_wait3A_109 = arith.constant 400 : i32
    %dma_wait3A_110 = tpu.memref_slice %arg7[%dma_wait3A_109] : memref<640xi32, #tpu.memory_space<vmem>> -> memref<80xi32, #tpu.memory_space<vmem>>
    %dma_wait3A_111 = arith.constant 0 : i32
    %dma_wait3A_112 = arith.constant 0 : i32
    %dma_wait3A_113 = tpu.memref_slice %arg3[%dma_wait3A_111, %dma_wait3A_112] : memref<2048x512xf32, #tpu.memory_space<hbm>> -> memref<2048x512xf32, #tpu.memory_space<hbm>>
    tpu.wait_indirect_dma semaphore(%arg13 : memref<!tpu.dma_semaphore, #tpu.memory_space<semaphore_mem>>) src(%dma_wait3A_113 : memref<2048x512xf32, #tpu.memory_space<hbm>>) dst(%arg10 : memref<80x512xf32, #tpu.memory_space<vmem>>)
    %add3A_114 = arith.constant 400 : i32
    %add3A_115 = arith.addi %mul3A_2, %add3A_114 : i32
    %dma_start3A_116 = arith.constant 0 : i32
    %dma_start3A_117 = tpu.memref_slice %arg5[%add3A_115, %dma_start3A_116] : memref<20480x512xf32, #tpu.memory_space<hbm>> -> memref<80x512xf32, #tpu.memory_space<hbm>>
    %dma_start3A_118 = arith.constant 0 : i32
    %dma_start3A_119 = tpu.memref_slice %arg5[%add3A_115, %dma_start3A_118] : memref<20480x512xf32, #tpu.memory_space<hbm>> -> memref<80x512xf32, #tpu.memory_space<hbm>>
    tpu.enqueue_dma source(%arg10 : memref<80x512xf32, #tpu.memory_space<vmem>>) target(%dma_start3A_119 : memref<80x512xf32, #tpu.memory_space<hbm>>) target_semaphore(%arg16 : memref<!tpu.dma_semaphore, #tpu.memory_space<semaphore_mem>>)
    %dma_wait3A_120 = arith.constant 0 : i32
    %dma_wait3A_121 = tpu.memref_slice %arg5[%add3A_95, %dma_wait3A_120] : memref<20480x512xf32, #tpu.memory_space<hbm>> -> memref<80x512xf32, #tpu.memory_space<hbm>>
    %dma_wait3A_122 = arith.constant 0 : i32
    %dma_wait3A_123 = tpu.memref_slice %arg5[%add3A_95, %dma_wait3A_122] : memref<20480x512xf32, #tpu.memory_space<hbm>> -> memref<80x512xf32, #tpu.memory_space<hbm>>
    tpu.wait_dma2 semaphore(%arg15 : memref<!tpu.dma_semaphore, #tpu.memory_space<semaphore_mem>>) src(%arg9 : memref<80x512xf32, #tpu.memory_space<vmem>>) dst(%dma_wait3A_123 : memref<80x512xf32, #tpu.memory_space<hbm>>)
    %dma_start3A_124 = arith.constant 560 : i32
    %dma_start3A_125 = tpu.memref_slice %arg7[%dma_start3A_124] : memref<640xi32, #tpu.memory_space<vmem>> -> memref<80xi32, #tpu.memory_space<vmem>>
    %dma_start3A_126 = arith.constant 0 : i32
    %dma_start3A_127 = arith.constant 0 : i32
    %dma_start3A_128 = tpu.memref_slice %arg3[%dma_start3A_126, %dma_start3A_127] : memref<2048x512xf32, #tpu.memory_space<hbm>> -> memref<2048x512xf32, #tpu.memory_space<hbm>>
    tpu.enqueue_indirect_dma source(%dma_start3A_128 : memref<2048x512xf32, #tpu.memory_space<hbm>>) target(%arg9 : memref<80x512xf32, #tpu.memory_space<vmem>>) offsets(%dma_start3A_125 : memref<80xi32, #tpu.memory_space<vmem>>) semaphore(%arg12 : memref<!tpu.dma_semaphore, #tpu.memory_space<semaphore_mem>>)
    %dma_wait3A_129 = arith.constant 480 : i32
    %dma_wait3A_130 = tpu.memref_slice %arg7[%dma_wait3A_129] : memref<640xi32, #tpu.memory_space<vmem>> -> memref<80xi32, #tpu.memory_space<vmem>>
    %dma_wait3A_131 = arith.constant 0 : i32
    %dma_wait3A_132 = arith.constant 0 : i32
    %dma_wait3A_133 = tpu.memref_slice %arg3[%dma_wait3A_131, %dma_wait3A_132] : memref<2048x512xf32, #tpu.memory_space<hbm>> -> memref<2048x512xf32, #tpu.memory_space<hbm>>
    tpu.wait_indirect_dma semaphore(%arg11 : memref<!tpu.dma_semaphore, #tpu.memory_space<semaphore_mem>>) src(%dma_wait3A_133 : memref<2048x512xf32, #tpu.memory_space<hbm>>) dst(%arg8 : memref<80x512xf32, #tpu.memory_space<vmem>>)
    %add3A_134 = arith.constant 480 : i32
    %add3A_135 = arith.addi %mul3A_2, %add3A_134 : i32
    %dma_start3A_136 = arith.constant 0 : i32
    %dma_start3A_137 = tpu.memref_slice %arg5[%add3A_135, %dma_start3A_136] : memref<20480x512xf32, #tpu.memory_space<hbm>> -> memref<80x512xf32, #tpu.memory_space<hbm>>
    %dma_start3A_138 = arith.constant 0 : i32
    %dma_start3A_139 = tpu.memref_slice %arg5[%add3A_135, %dma_start3A_138] : memref<20480x512xf32, #tpu.memory_space<hbm>> -> memref<80x512xf32, #tpu.memory_space<hbm>>
    tpu.enqueue_dma source(%arg8 : memref<80x512xf32, #tpu.memory_space<vmem>>) target(%dma_start3A_139 : memref<80x512xf32, #tpu.memory_space<hbm>>) target_semaphore(%arg14 : memref<!tpu.dma_semaphore, #tpu.memory_space<semaphore_mem>>)
    %dma_wait3A_140 = arith.constant 560 : i32
    %dma_wait3A_141 = tpu.memref_slice %arg7[%dma_wait3A_140] : memref<640xi32, #tpu.memory_space<vmem>> -> memref<80xi32, #tpu.memory_space<vmem>>
    %dma_wait3A_142 = arith.constant 0 : i32
    %dma_wait3A_143 = arith.constant 0 : i32
    %dma_wait3A_144 = tpu.memref_slice %arg3[%dma_wait3A_142, %dma_wait3A_143] : memref<2048x512xf32, #tpu.memory_space<hbm>> -> memref<2048x512xf32, #tpu.memory_space<hbm>>
    tpu.wait_indirect_dma semaphore(%arg12 : memref<!tpu.dma_semaphore, #tpu.memory_space<semaphore_mem>>) src(%dma_wait3A_144 : memref<2048x512xf32, #tpu.memory_space<hbm>>) dst(%arg9 : memref<80x512xf32, #tpu.memory_space<vmem>>)
    %add3A_145 = arith.constant 560 : i32
    %add3A_146 = arith.addi %mul3A_2, %add3A_145 : i32
    %dma_start3A_147 = arith.constant 0 : i32
    %dma_start3A_148 = tpu.memref_slice %arg5[%add3A_146, %dma_start3A_147] : memref<20480x512xf32, #tpu.memory_space<hbm>> -> memref<80x512xf32, #tpu.memory_space<hbm>>
    %dma_start3A_149 = arith.constant 0 : i32
    %dma_start3A_150 = tpu.memref_slice %arg5[%add3A_146, %dma_start3A_149] : memref<20480x512xf32, #tpu.memory_space<hbm>> -> memref<80x512xf32, #tpu.memory_space<hbm>>
    tpu.enqueue_dma source(%arg9 : memref<80x512xf32, #tpu.memory_space<vmem>>) target(%dma_start3A_150 : memref<80x512xf32, #tpu.memory_space<hbm>>) target_semaphore(%arg15 : memref<!tpu.dma_semaphore, #tpu.memory_space<semaphore_mem>>)
    %dma_wait3A_151 = arith.constant 0 : i32
    %dma_wait3A_152 = tpu.memref_slice %arg5[%add3A_115, %dma_wait3A_151] : memref<20480x512xf32, #tpu.memory_space<hbm>> -> memref<80x512xf32, #tpu.memory_space<hbm>>
    %dma_wait3A_153 = arith.constant 0 : i32
    %dma_wait3A_154 = tpu.memref_slice %arg5[%add3A_115, %dma_wait3A_153] : memref<20480x512xf32, #tpu.memory_space<hbm>> -> memref<80x512xf32, #tpu.memory_space<hbm>>
    tpu.wait_dma2 semaphore(%arg16 : memref<!tpu.dma_semaphore, #tpu.memory_space<semaphore_mem>>) src(%arg10 : memref<80x512xf32, #tpu.memory_space<vmem>>) dst(%dma_wait3A_154 : memref<80x512xf32, #tpu.memory_space<hbm>>)
    %dma_wait3A_155 = arith.constant 0 : i32
    %dma_wait3A_156 = tpu.memref_slice %arg5[%add3A_135, %dma_wait3A_155] : memref<20480x512xf32, #tpu.memory_space<hbm>> -> memref<80x512xf32, #tpu.memory_space<hbm>>
    %dma_wait3A_157 = arith.constant 0 : i32
    %dma_wait3A_158 = tpu.memref_slice %arg5[%add3A_135, %dma_wait3A_157] : memref<20480x512xf32, #tpu.memory_space<hbm>> -> memref<80x512xf32, #tpu.memory_space<hbm>>
    tpu.wait_dma2 semaphore(%arg14 : memref<!tpu.dma_semaphore, #tpu.memory_space<semaphore_mem>>) src(%arg8 : memref<80x512xf32, #tpu.memory_space<vmem>>) dst(%dma_wait3A_158 : memref<80x512xf32, #tpu.memory_space<hbm>>)
    %dma_wait3A_159 = arith.constant 0 : i32
    %dma_wait3A_160 = tpu.memref_slice %arg5[%add3A_146, %dma_wait3A_159] : memref<20480x512xf32, #tpu.memory_space<hbm>> -> memref<80x512xf32, #tpu.memory_space<hbm>>
    %dma_wait3A_161 = arith.constant 0 : i32
    %dma_wait3A_162 = tpu.memref_slice %arg5[%add3A_146, %dma_wait3A_161] : memref<20480x512xf32, #tpu.memory_space<hbm>> -> memref<80x512xf32, #tpu.memory_space<hbm>>
    tpu.wait_dma2 semaphore(%arg15 : memref<!tpu.dma_semaphore, #tpu.memory_space<semaphore_mem>>) src(%arg9 : memref<80x512xf32, #tpu.memory_space<vmem>>) dst(%dma_wait3A_162 : memref<80x512xf32, #tpu.memory_space<hbm>>)
    %dma_start3A_163 = arith.constant 0 : i32
    %dma_start3A_164 = tpu.memref_slice %arg7[%dma_start3A_163] : memref<640xi32, #tpu.memory_space<vmem>> -> memref<80xi32, #tpu.memory_space<vmem>>
    %dma_start3A_165 = arith.constant 0 : i32
    %dma_start3A_166 = arith.constant 0 : i32
    %dma_start3A_167 = tpu.memref_slice %arg4[%dma_start3A_165, %dma_start3A_166] : memref<2048x512xf32, #tpu.memory_space<hbm>> -> memref<2048x512xf32, #tpu.memory_space<hbm>>
    tpu.enqueue_indirect_dma source(%dma_start3A_167 : memref<2048x512xf32, #tpu.memory_space<hbm>>) target(%arg8 : memref<80x512xf32, #tpu.memory_space<vmem>>) offsets(%dma_start3A_164 : memref<80xi32, #tpu.memory_space<vmem>>) semaphore(%arg11 : memref<!tpu.dma_semaphore, #tpu.memory_space<semaphore_mem>>)
    %dma_start3A_168 = arith.constant 80 : i32
    %dma_start3A_169 = tpu.memref_slice %arg7[%dma_start3A_168] : memref<640xi32, #tpu.memory_space<vmem>> -> memref<80xi32, #tpu.memory_space<vmem>>
    %dma_start3A_170 = arith.constant 0 : i32
    %dma_start3A_171 = arith.constant 0 : i32
    %dma_start3A_172 = tpu.memref_slice %arg4[%dma_start3A_170, %dma_start3A_171] : memref<2048x512xf32, #tpu.memory_space<hbm>> -> memref<2048x512xf32, #tpu.memory_space<hbm>>
    tpu.enqueue_indirect_dma source(%dma_start3A_172 : memref<2048x512xf32, #tpu.memory_space<hbm>>) target(%arg9 : memref<80x512xf32, #tpu.memory_space<vmem>>) offsets(%dma_start3A_169 : memref<80xi32, #tpu.memory_space<vmem>>) semaphore(%arg12 : memref<!tpu.dma_semaphore, #tpu.memory_space<semaphore_mem>>)
    %dma_wait3A_173 = arith.constant 0 : i32
    %dma_wait3A_174 = tpu.memref_slice %arg7[%dma_wait3A_173] : memref<640xi32, #tpu.memory_space<vmem>> -> memref<80xi32, #tpu.memory_space<vmem>>
    %dma_wait3A_175 = arith.constant 0 : i32
    %dma_wait3A_176 = arith.constant 0 : i32
    %dma_wait3A_177 = tpu.memref_slice %arg4[%dma_wait3A_175, %dma_wait3A_176] : memref<2048x512xf32, #tpu.memory_space<hbm>> -> memref<2048x512xf32, #tpu.memory_space<hbm>>
    tpu.wait_indirect_dma semaphore(%arg11 : memref<!tpu.dma_semaphore, #tpu.memory_space<semaphore_mem>>) src(%dma_wait3A_177 : memref<2048x512xf32, #tpu.memory_space<hbm>>) dst(%arg8 : memref<80x512xf32, #tpu.memory_space<vmem>>)
    %add3A_178 = arith.constant 0 : i32
    %add3A_179 = arith.addi %mul3A_2, %add3A_178 : i32
    %dma_start3A_180 = arith.constant 0 : i32
    %dma_start3A_181 = tpu.memref_slice %arg6[%add3A_179, %dma_start3A_180] : memref<20480x512xf32, #tpu.memory_space<hbm>> -> memref<80x512xf32, #tpu.memory_space<hbm>>
    %dma_start3A_182 = arith.constant 0 : i32
    %dma_start3A_183 = tpu.memref_slice %arg6[%add3A_179, %dma_start3A_182] : memref<20480x512xf32, #tpu.memory_space<hbm>> -> memref<80x512xf32, #tpu.memory_space<hbm>>
    tpu.enqueue_dma source(%arg8 : memref<80x512xf32, #tpu.memory_space<vmem>>) target(%dma_start3A_183 : memref<80x512xf32, #tpu.memory_space<hbm>>) target_semaphore(%arg14 : memref<!tpu.dma_semaphore, #tpu.memory_space<semaphore_mem>>)
    %dma_start3A_184 = arith.constant 160 : i32
    %dma_start3A_185 = tpu.memref_slice %arg7[%dma_start3A_184] : memref<640xi32, #tpu.memory_space<vmem>> -> memref<80xi32, #tpu.memory_space<vmem>>
    %dma_start3A_186 = arith.constant 0 : i32
    %dma_start3A_187 = arith.constant 0 : i32
    %dma_start3A_188 = tpu.memref_slice %arg4[%dma_start3A_186, %dma_start3A_187] : memref<2048x512xf32, #tpu.memory_space<hbm>> -> memref<2048x512xf32, #tpu.memory_space<hbm>>
    tpu.enqueue_indirect_dma source(%dma_start3A_188 : memref<2048x512xf32, #tpu.memory_space<hbm>>) target(%arg10 : memref<80x512xf32, #tpu.memory_space<vmem>>) offsets(%dma_start3A_185 : memref<80xi32, #tpu.memory_space<vmem>>) semaphore(%arg13 : memref<!tpu.dma_semaphore, #tpu.memory_space<semaphore_mem>>)
    %dma_wait3A_189 = arith.constant 80 : i32
    %dma_wait3A_190 = tpu.memref_slice %arg7[%dma_wait3A_189] : memref<640xi32, #tpu.memory_space<vmem>> -> memref<80xi32, #tpu.memory_space<vmem>>
    %dma_wait3A_191 = arith.constant 0 : i32
    %dma_wait3A_192 = arith.constant 0 : i32
    %dma_wait3A_193 = tpu.memref_slice %arg4[%dma_wait3A_191, %dma_wait3A_192] : memref<2048x512xf32, #tpu.memory_space<hbm>> -> memref<2048x512xf32, #tpu.memory_space<hbm>>
    tpu.wait_indirect_dma semaphore(%arg12 : memref<!tpu.dma_semaphore, #tpu.memory_space<semaphore_mem>>) src(%dma_wait3A_193 : memref<2048x512xf32, #tpu.memory_space<hbm>>) dst(%arg9 : memref<80x512xf32, #tpu.memory_space<vmem>>)
    %add3A_194 = arith.constant 80 : i32
    %add3A_195 = arith.addi %mul3A_2, %add3A_194 : i32
    %dma_start3A_196 = arith.constant 0 : i32
    %dma_start3A_197 = tpu.memref_slice %arg6[%add3A_195, %dma_start3A_196] : memref<20480x512xf32, #tpu.memory_space<hbm>> -> memref<80x512xf32, #tpu.memory_space<hbm>>
    %dma_start3A_198 = arith.constant 0 : i32
    %dma_start3A_199 = tpu.memref_slice %arg6[%add3A_195, %dma_start3A_198] : memref<20480x512xf32, #tpu.memory_space<hbm>> -> memref<80x512xf32, #tpu.memory_space<hbm>>
    tpu.enqueue_dma source(%arg9 : memref<80x512xf32, #tpu.memory_space<vmem>>) target(%dma_start3A_199 : memref<80x512xf32, #tpu.memory_space<hbm>>) target_semaphore(%arg15 : memref<!tpu.dma_semaphore, #tpu.memory_space<semaphore_mem>>)
    %dma_wait3A_200 = arith.constant 0 : i32
    %dma_wait3A_201 = tpu.memref_slice %arg6[%add3A_179, %dma_wait3A_200] : memref<20480x512xf32, #tpu.memory_space<hbm>> -> memref<80x512xf32, #tpu.memory_space<hbm>>
    %dma_wait3A_202 = arith.constant 0 : i32
    %dma_wait3A_203 = tpu.memref_slice %arg6[%add3A_179, %dma_wait3A_202] : memref<20480x512xf32, #tpu.memory_space<hbm>> -> memref<80x512xf32, #tpu.memory_space<hbm>>
    tpu.wait_dma2 semaphore(%arg14 : memref<!tpu.dma_semaphore, #tpu.memory_space<semaphore_mem>>) src(%arg8 : memref<80x512xf32, #tpu.memory_space<vmem>>) dst(%dma_wait3A_203 : memref<80x512xf32, #tpu.memory_space<hbm>>)
    %dma_start3A_204 = arith.constant 240 : i32
    %dma_start3A_205 = tpu.memref_slice %arg7[%dma_start3A_204] : memref<640xi32, #tpu.memory_space<vmem>> -> memref<80xi32, #tpu.memory_space<vmem>>
    %dma_start3A_206 = arith.constant 0 : i32
    %dma_start3A_207 = arith.constant 0 : i32
    %dma_start3A_208 = tpu.memref_slice %arg4[%dma_start3A_206, %dma_start3A_207] : memref<2048x512xf32, #tpu.memory_space<hbm>> -> memref<2048x512xf32, #tpu.memory_space<hbm>>
    tpu.enqueue_indirect_dma source(%dma_start3A_208 : memref<2048x512xf32, #tpu.memory_space<hbm>>) target(%arg8 : memref<80x512xf32, #tpu.memory_space<vmem>>) offsets(%dma_start3A_205 : memref<80xi32, #tpu.memory_space<vmem>>) semaphore(%arg11 : memref<!tpu.dma_semaphore, #tpu.memory_space<semaphore_mem>>)
    %dma_wait3A_209 = arith.constant 160 : i32
    %dma_wait3A_210 = tpu.memref_slice %arg7[%dma_wait3A_209] : memref<640xi32, #tpu.memory_space<vmem>> -> memref<80xi32, #tpu.memory_space<vmem>>
    %dma_wait3A_211 = arith.constant 0 : i32
    %dma_wait3A_212 = arith.constant 0 : i32
    %dma_wait3A_213 = tpu.memref_slice %arg4[%dma_wait3A_211, %dma_wait3A_212] : memref<2048x512xf32, #tpu.memory_space<hbm>> -> memref<2048x512xf32, #tpu.memory_space<hbm>>
    tpu.wait_indirect_dma semaphore(%arg13 : memref<!tpu.dma_semaphore, #tpu.memory_space<semaphore_mem>>) src(%dma_wait3A_213 : memref<2048x512xf32, #tpu.memory_space<hbm>>) dst(%arg10 : memref<80x512xf32, #tpu.memory_space<vmem>>)
    %add3A_214 = arith.constant 160 : i32
    %add3A_215 = arith.addi %mul3A_2, %add3A_214 : i32
    %dma_start3A_216 = arith.constant 0 : i32
    %dma_start3A_217 = tpu.memref_slice %arg6[%add3A_215, %dma_start3A_216] : memref<20480x512xf32, #tpu.memory_space<hbm>> -> memref<80x512xf32, #tpu.memory_space<hbm>>
    %dma_start3A_218 = arith.constant 0 : i32
    %dma_start3A_219 = tpu.memref_slice %arg6[%add3A_215, %dma_start3A_218] : memref<20480x512xf32, #tpu.memory_space<hbm>> -> memref<80x512xf32, #tpu.memory_space<hbm>>
    tpu.enqueue_dma source(%arg10 : memref<80x512xf32, #tpu.memory_space<vmem>>) target(%dma_start3A_219 : memref<80x512xf32, #tpu.memory_space<hbm>>) target_semaphore(%arg16 : memref<!tpu.dma_semaphore, #tpu.memory_space<semaphore_mem>>)
    %dma_wait3A_220 = arith.constant 0 : i32
    %dma_wait3A_221 = tpu.memref_slice %arg6[%add3A_195, %dma_wait3A_220] : memref<20480x512xf32, #tpu.memory_space<hbm>> -> memref<80x512xf32, #tpu.memory_space<hbm>>
    %dma_wait3A_222 = arith.constant 0 : i32
    %dma_wait3A_223 = tpu.memref_slice %arg6[%add3A_195, %dma_wait3A_222] : memref<20480x512xf32, #tpu.memory_space<hbm>> -> memref<80x512xf32, #tpu.memory_space<hbm>>
    tpu.wait_dma2 semaphore(%arg15 : memref<!tpu.dma_semaphore, #tpu.memory_space<semaphore_mem>>) src(%arg9 : memref<80x512xf32, #tpu.memory_space<vmem>>) dst(%dma_wait3A_223 : memref<80x512xf32, #tpu.memory_space<hbm>>)
    %dma_start3A_224 = arith.constant 320 : i32
    %dma_start3A_225 = tpu.memref_slice %arg7[%dma_start3A_224] : memref<640xi32, #tpu.memory_space<vmem>> -> memref<80xi32, #tpu.memory_space<vmem>>
    %dma_start3A_226 = arith.constant 0 : i32
    %dma_start3A_227 = arith.constant 0 : i32
    %dma_start3A_228 = tpu.memref_slice %arg4[%dma_start3A_226, %dma_start3A_227] : memref<2048x512xf32, #tpu.memory_space<hbm>> -> memref<2048x512xf32, #tpu.memory_space<hbm>>
    tpu.enqueue_indirect_dma source(%dma_start3A_228 : memref<2048x512xf32, #tpu.memory_space<hbm>>) target(%arg9 : memref<80x512xf32, #tpu.memory_space<vmem>>) offsets(%dma_start3A_225 : memref<80xi32, #tpu.memory_space<vmem>>) semaphore(%arg12 : memref<!tpu.dma_semaphore, #tpu.memory_space<semaphore_mem>>)
    %dma_wait3A_229 = arith.constant 240 : i32
    %dma_wait3A_230 = tpu.memref_slice %arg7[%dma_wait3A_229] : memref<640xi32, #tpu.memory_space<vmem>> -> memref<80xi32, #tpu.memory_space<vmem>>
    %dma_wait3A_231 = arith.constant 0 : i32
    %dma_wait3A_232 = arith.constant 0 : i32
    %dma_wait3A_233 = tpu.memref_slice %arg4[%dma_wait3A_231, %dma_wait3A_232] : memref<2048x512xf32, #tpu.memory_space<hbm>> -> memref<2048x512xf32, #tpu.memory_space<hbm>>
    tpu.wait_indirect_dma semaphore(%arg11 : memref<!tpu.dma_semaphore, #tpu.memory_space<semaphore_mem>>) src(%dma_wait3A_233 : memref<2048x512xf32, #tpu.memory_space<hbm>>) dst(%arg8 : memref<80x512xf32, #tpu.memory_space<vmem>>)
    %add3A_234 = arith.constant 240 : i32
    %add3A_235 = arith.addi %mul3A_2, %add3A_234 : i32
    %dma_start3A_236 = arith.constant 0 : i32
    %dma_start3A_237 = tpu.memref_slice %arg6[%add3A_235, %dma_start3A_236] : memref<20480x512xf32, #tpu.memory_space<hbm>> -> memref<80x512xf32, #tpu.memory_space<hbm>>
    %dma_start3A_238 = arith.constant 0 : i32
    %dma_start3A_239 = tpu.memref_slice %arg6[%add3A_235, %dma_start3A_238] : memref<20480x512xf32, #tpu.memory_space<hbm>> -> memref<80x512xf32, #tpu.memory_space<hbm>>
    tpu.enqueue_dma source(%arg8 : memref<80x512xf32, #tpu.memory_space<vmem>>) target(%dma_start3A_239 : memref<80x512xf32, #tpu.memory_space<hbm>>) target_semaphore(%arg14 : memref<!tpu.dma_semaphore, #tpu.memory_space<semaphore_mem>>)
    %dma_wait3A_240 = arith.constant 0 : i32
    %dma_wait3A_241 = tpu.memref_slice %arg6[%add3A_215, %dma_wait3A_240] : memref<20480x512xf32, #tpu.memory_space<hbm>> -> memref<80x512xf32, #tpu.memory_space<hbm>>
    %dma_wait3A_242 = arith.constant 0 : i32
    %dma_wait3A_243 = tpu.memref_slice %arg6[%add3A_215, %dma_wait3A_242] : memref<20480x512xf32, #tpu.memory_space<hbm>> -> memref<80x512xf32, #tpu.memory_space<hbm>>
    tpu.wait_dma2 semaphore(%arg16 : memref<!tpu.dma_semaphore, #tpu.memory_space<semaphore_mem>>) src(%arg10 : memref<80x512xf32, #tpu.memory_space<vmem>>) dst(%dma_wait3A_243 : memref<80x512xf32, #tpu.memory_space<hbm>>)
    %dma_start3A_244 = arith.constant 400 : i32
    %dma_start3A_245 = tpu.memref_slice %arg7[%dma_start3A_244] : memref<640xi32, #tpu.memory_space<vmem>> -> memref<80xi32, #tpu.memory_space<vmem>>
    %dma_start3A_246 = arith.constant 0 : i32
    %dma_start3A_247 = arith.constant 0 : i32
    %dma_start3A_248 = tpu.memref_slice %arg4[%dma_start3A_246, %dma_start3A_247] : memref<2048x512xf32, #tpu.memory_space<hbm>> -> memref<2048x512xf32, #tpu.memory_space<hbm>>
    tpu.enqueue_indirect_dma source(%dma_start3A_248 : memref<2048x512xf32, #tpu.memory_space<hbm>>) target(%arg10 : memref<80x512xf32, #tpu.memory_space<vmem>>) offsets(%dma_start3A_245 : memref<80xi32, #tpu.memory_space<vmem>>) semaphore(%arg13 : memref<!tpu.dma_semaphore, #tpu.memory_space<semaphore_mem>>)
    %dma_wait3A_249 = arith.constant 320 : i32
    %dma_wait3A_250 = tpu.memref_slice %arg7[%dma_wait3A_249] : memref<640xi32, #tpu.memory_space<vmem>> -> memref<80xi32, #tpu.memory_space<vmem>>
    %dma_wait3A_251 = arith.constant 0 : i32
    %dma_wait3A_252 = arith.constant 0 : i32
    %dma_wait3A_253 = tpu.memref_slice %arg4[%dma_wait3A_251, %dma_wait3A_252] : memref<2048x512xf32, #tpu.memory_space<hbm>> -> memref<2048x512xf32, #tpu.memory_space<hbm>>
    tpu.wait_indirect_dma semaphore(%arg12 : memref<!tpu.dma_semaphore, #tpu.memory_space<semaphore_mem>>) src(%dma_wait3A_253 : memref<2048x512xf32, #tpu.memory_space<hbm>>) dst(%arg9 : memref<80x512xf32, #tpu.memory_space<vmem>>)
    %add3A_254 = arith.constant 320 : i32
    %add3A_255 = arith.addi %mul3A_2, %add3A_254 : i32
    %dma_start3A_256 = arith.constant 0 : i32
    %dma_start3A_257 = tpu.memref_slice %arg6[%add3A_255, %dma_start3A_256] : memref<20480x512xf32, #tpu.memory_space<hbm>> -> memref<80x512xf32, #tpu.memory_space<hbm>>
    %dma_start3A_258 = arith.constant 0 : i32
    %dma_start3A_259 = tpu.memref_slice %arg6[%add3A_255, %dma_start3A_258] : memref<20480x512xf32, #tpu.memory_space<hbm>> -> memref<80x512xf32, #tpu.memory_space<hbm>>
    tpu.enqueue_dma source(%arg9 : memref<80x512xf32, #tpu.memory_space<vmem>>) target(%dma_start3A_259 : memref<80x512xf32, #tpu.memory_space<hbm>>) target_semaphore(%arg15 : memref<!tpu.dma_semaphore, #tpu.memory_space<semaphore_mem>>)
    %dma_wait3A_260 = arith.constant 0 : i32
    %dma_wait3A_261 = tpu.memref_slice %arg6[%add3A_235, %dma_wait3A_260] : memref<20480x512xf32, #tpu.memory_space<hbm>> -> memref<80x512xf32, #tpu.memory_space<hbm>>
    %dma_wait3A_262 = arith.constant 0 : i32
    %dma_wait3A_263 = tpu.memref_slice %arg6[%add3A_235, %dma_wait3A_262] : memref<20480x512xf32, #tpu.memory_space<hbm>> -> memref<80x512xf32, #tpu.memory_space<hbm>>
    tpu.wait_dma2 semaphore(%arg14 : memref<!tpu.dma_semaphore, #tpu.memory_space<semaphore_mem>>) src(%arg8 : memref<80x512xf32, #tpu.memory_space<vmem>>) dst(%dma_wait3A_263 : memref<80x512xf32, #tpu.memory_space<hbm>>)
    %dma_start3A_264 = arith.constant 480 : i32
    %dma_start3A_265 = tpu.memref_slice %arg7[%dma_start3A_264] : memref<640xi32, #tpu.memory_space<vmem>> -> memref<80xi32, #tpu.memory_space<vmem>>
    %dma_start3A_266 = arith.constant 0 : i32
    %dma_start3A_267 = arith.constant 0 : i32
    %dma_start3A_268 = tpu.memref_slice %arg4[%dma_start3A_266, %dma_start3A_267] : memref<2048x512xf32, #tpu.memory_space<hbm>> -> memref<2048x512xf32, #tpu.memory_space<hbm>>
    tpu.enqueue_indirect_dma source(%dma_start3A_268 : memref<2048x512xf32, #tpu.memory_space<hbm>>) target(%arg8 : memref<80x512xf32, #tpu.memory_space<vmem>>) offsets(%dma_start3A_265 : memref<80xi32, #tpu.memory_space<vmem>>) semaphore(%arg11 : memref<!tpu.dma_semaphore, #tpu.memory_space<semaphore_mem>>)
    %dma_wait3A_269 = arith.constant 400 : i32
    %dma_wait3A_270 = tpu.memref_slice %arg7[%dma_wait3A_269] : memref<640xi32, #tpu.memory_space<vmem>> -> memref<80xi32, #tpu.memory_space<vmem>>
    %dma_wait3A_271 = arith.constant 0 : i32
    %dma_wait3A_272 = arith.constant 0 : i32
    %dma_wait3A_273 = tpu.memref_slice %arg4[%dma_wait3A_271, %dma_wait3A_272] : memref<2048x512xf32, #tpu.memory_space<hbm>> -> memref<2048x512xf32, #tpu.memory_space<hbm>>
    tpu.wait_indirect_dma semaphore(%arg13 : memref<!tpu.dma_semaphore, #tpu.memory_space<semaphore_mem>>) src(%dma_wait3A_273 : memref<2048x512xf32, #tpu.memory_space<hbm>>) dst(%arg10 : memref<80x512xf32, #tpu.memory_space<vmem>>)
    %add3A_274 = arith.constant 400 : i32
    %add3A_275 = arith.addi %mul3A_2, %add3A_274 : i32
    %dma_start3A_276 = arith.constant 0 : i32
    %dma_start3A_277 = tpu.memref_slice %arg6[%add3A_275, %dma_start3A_276] : memref<20480x512xf32, #tpu.memory_space<hbm>> -> memref<80x512xf32, #tpu.memory_space<hbm>>
    %dma_start3A_278 = arith.constant 0 : i32
    %dma_start3A_279 = tpu.memref_slice %arg6[%add3A_275, %dma_start3A_278] : memref<20480x512xf32, #tpu.memory_space<hbm>> -> memref<80x512xf32, #tpu.memory_space<hbm>>
    tpu.enqueue_dma source(%arg10 : memref<80x512xf32, #tpu.memory_space<vmem>>) target(%dma_start3A_279 : memref<80x512xf32, #tpu.memory_space<hbm>>) target_semaphore(%arg16 : memref<!tpu.dma_semaphore, #tpu.memory_space<semaphore_mem>>)
    %dma_wait3A_280 = arith.constant 0 : i32
    %dma_wait3A_281 = tpu.memref_slice %arg6[%add3A_255, %dma_wait3A_280] : memref<20480x512xf32, #tpu.memory_space<hbm>> -> memref<80x512xf32, #tpu.memory_space<hbm>>
    %dma_wait3A_282 = arith.constant 0 : i32
    %dma_wait3A_283 = tpu.memref_slice %arg6[%add3A_255, %dma_wait3A_282] : memref<20480x512xf32, #tpu.memory_space<hbm>> -> memref<80x512xf32, #tpu.memory_space<hbm>>
    tpu.wait_dma2 semaphore(%arg15 : memref<!tpu.dma_semaphore, #tpu.memory_space<semaphore_mem>>) src(%arg9 : memref<80x512xf32, #tpu.memory_space<vmem>>) dst(%dma_wait3A_283 : memref<80x512xf32, #tpu.memory_space<hbm>>)
    %dma_start3A_284 = arith.constant 560 : i32
    %dma_start3A_285 = tpu.memref_slice %arg7[%dma_start3A_284] : memref<640xi32, #tpu.memory_space<vmem>> -> memref<80xi32, #tpu.memory_space<vmem>>
    %dma_start3A_286 = arith.constant 0 : i32
    %dma_start3A_287 = arith.constant 0 : i32
    %dma_start3A_288 = tpu.memref_slice %arg4[%dma_start3A_286, %dma_start3A_287] : memref<2048x512xf32, #tpu.memory_space<hbm>> -> memref<2048x512xf32, #tpu.memory_space<hbm>>
    tpu.enqueue_indirect_dma source(%dma_start3A_288 : memref<2048x512xf32, #tpu.memory_space<hbm>>) target(%arg9 : memref<80x512xf32, #tpu.memory_space<vmem>>) offsets(%dma_start3A_285 : memref<80xi32, #tpu.memory_space<vmem>>) semaphore(%arg12 : memref<!tpu.dma_semaphore, #tpu.memory_space<semaphore_mem>>)
    %dma_wait3A_289 = arith.constant 480 : i32
    %dma_wait3A_290 = tpu.memref_slice %arg7[%dma_wait3A_289] : memref<640xi32, #tpu.memory_space<vmem>> -> memref<80xi32, #tpu.memory_space<vmem>>
    %dma_wait3A_291 = arith.constant 0 : i32
    %dma_wait3A_292 = arith.constant 0 : i32
    %dma_wait3A_293 = tpu.memref_slice %arg4[%dma_wait3A_291, %dma_wait3A_292] : memref<2048x512xf32, #tpu.memory_space<hbm>> -> memref<2048x512xf32, #tpu.memory_space<hbm>>
    tpu.wait_indirect_dma semaphore(%arg11 : memref<!tpu.dma_semaphore, #tpu.memory_space<semaphore_mem>>) src(%dma_wait3A_293 : memref<2048x512xf32, #tpu.memory_space<hbm>>) dst(%arg8 : memref<80x512xf32, #tpu.memory_space<vmem>>)
    %add3A_294 = arith.constant 480 : i32
    %add3A_295 = arith.addi %mul3A_2, %add3A_294 : i32
    %dma_start3A_296 = arith.constant 0 : i32
    %dma_start3A_297 = tpu.memref_slice %arg6[%add3A_295, %dma_start3A_296] : memref<20480x512xf32, #tpu.memory_space<hbm>> -> memref<80x512xf32, #tpu.memory_space<hbm>>
    %dma_start3A_298 = arith.constant 0 : i32
    %dma_start3A_299 = tpu.memref_slice %arg6[%add3A_295, %dma_start3A_298] : memref<20480x512xf32, #tpu.memory_space<hbm>> -> memref<80x512xf32, #tpu.memory_space<hbm>>
    tpu.enqueue_dma source(%arg8 : memref<80x512xf32, #tpu.memory_space<vmem>>) target(%dma_start3A_299 : memref<80x512xf32, #tpu.memory_space<hbm>>) target_semaphore(%arg14 : memref<!tpu.dma_semaphore, #tpu.memory_space<semaphore_mem>>)
    %dma_wait3A_300 = arith.constant 560 : i32
    %dma_wait3A_301 = tpu.memref_slice %arg7[%dma_wait3A_300] : memref<640xi32, #tpu.memory_space<vmem>> -> memref<80xi32, #tpu.memory_space<vmem>>
    %dma_wait3A_302 = arith.constant 0 : i32
    %dma_wait3A_303 = arith.constant 0 : i32
    %dma_wait3A_304 = tpu.memref_slice %arg4[%dma_wait3A_302, %dma_wait3A_303] : memref<2048x512xf32, #tpu.memory_space<hbm>> -> memref<2048x512xf32, #tpu.memory_space<hbm>>
    tpu.wait_indirect_dma semaphore(%arg12 : memref<!tpu.dma_semaphore, #tpu.memory_space<semaphore_mem>>) src(%dma_wait3A_304 : memref<2048x512xf32, #tpu.memory_space<hbm>>) dst(%arg9 : memref<80x512xf32, #tpu.memory_space<vmem>>)
    %add3A_305 = arith.constant 560 : i32
    %add3A_306 = arith.addi %mul3A_2, %add3A_305 : i32
    %dma_start3A_307 = arith.constant 0 : i32
    %dma_start3A_308 = tpu.memref_slice %arg6[%add3A_306, %dma_start3A_307] : memref<20480x512xf32, #tpu.memory_space<hbm>> -> memref<80x512xf32, #tpu.memory_space<hbm>>
    %dma_start3A_309 = arith.constant 0 : i32
    %dma_start3A_310 = tpu.memref_slice %arg6[%add3A_306, %dma_start3A_309] : memref<20480x512xf32, #tpu.memory_space<hbm>> -> memref<80x512xf32, #tpu.memory_space<hbm>>
    tpu.enqueue_dma source(%arg9 : memref<80x512xf32, #tpu.memory_space<vmem>>) target(%dma_start3A_310 : memref<80x512xf32, #tpu.memory_space<hbm>>) target_semaphore(%arg15 : memref<!tpu.dma_semaphore, #tpu.memory_space<semaphore_mem>>)
    %dma_wait3A_311 = arith.constant 0 : i32
    %dma_wait3A_312 = tpu.memref_slice %arg6[%add3A_275, %dma_wait3A_311] : memref<20480x512xf32, #tpu.memory_space<hbm>> -> memref<80x512xf32, #tpu.memory_space<hbm>>
    %dma_wait3A_313 = arith.constant 0 : i32
    %dma_wait3A_314 = tpu.memref_slice %arg6[%add3A_275, %dma_wait3A_313] : memref<20480x512xf32, #tpu.memory_space<hbm>> -> memref<80x512xf32, #tpu.memory_space<hbm>>
    tpu.wait_dma2 semaphore(%arg16 : memref<!tpu.dma_semaphore, #tpu.memory_space<semaphore_mem>>) src(%arg10 : memref<80x512xf32, #tpu.memory_space<vmem>>) dst(%dma_wait3A_314 : memref<80x512xf32, #tpu.memory_space<hbm>>)
    %dma_wait3A_315 = arith.constant 0 : i32
    %dma_wait3A_316 = tpu.memref_slice %arg6[%add3A_295, %dma_wait3A_315] : memref<20480x512xf32, #tpu.memory_space<hbm>> -> memref<80x512xf32, #tpu.memory_space<hbm>>
    %dma_wait3A_317 = arith.constant 0 : i32
    %dma_wait3A_318 = tpu.memref_slice %arg6[%add3A_295, %dma_wait3A_317] : memref<20480x512xf32, #tpu.memory_space<hbm>> -> memref<80x512xf32, #tpu.memory_space<hbm>>
    tpu.wait_dma2 semaphore(%arg14 : memref<!tpu.dma_semaphore, #tpu.memory_space<semaphore_mem>>) src(%arg8 : memref<80x512xf32, #tpu.memory_space<vmem>>) dst(%dma_wait3A_318 : memref<80x512xf32, #tpu.memory_space<hbm>>)
    %dma_wait3A_319 = arith.constant 0 : i32
    %dma_wait3A_320 = tpu.memref_slice %arg6[%add3A_306, %dma_wait3A_319] : memref<20480x512xf32, #tpu.memory_space<hbm>> -> memref<80x512xf32, #tpu.memory_space<hbm>>
    %dma_wait3A_321 = arith.constant 0 : i32
    %dma_wait3A_322 = tpu.memref_slice %arg6[%add3A_306, %dma_wait3A_321] : memref<20480x512xf32, #tpu.memory_space<hbm>> -> memref<80x512xf32, #tpu.memory_space<hbm>>
    tpu.wait_dma2 semaphore(%arg15 : memref<!tpu.dma_semaphore, #tpu.memory_space<semaphore_mem>>) src(%arg9 : memref<80x512xf32, #tpu.memory_space<vmem>>) dst(%dma_wait3A_322 : memref<80x512xf32, #tpu.memory_space<hbm>>)
    return
  }
}

module attributes {stable_mosaic.version = 14 : i64} {
  func.func @_projqkv_body(%arg0: i32, %arg1: memref<256x1536xf32, #tpu.memory_space<vmem>>, %arg2: memref<256x512xf32, #tpu.memory_space<vmem>>, %arg3: memref<256x64xf32, #tpu.memory_space<vmem>>, %arg4: memref<2048x3xf32, #tpu.memory_space<vmem>>, %arg5: memref<3x2048xf32, #tpu.memory_space<vmem>>, %arg6: memref<1536x256xf32, #tpu.memory_space<vmem>>, %arg7: memref<1x256xf32, #tpu.memory_space<vmem>>, %arg8: memref<1x256xf32, #tpu.memory_space<vmem>>, %arg9: memref<1x256xf32, #tpu.memory_space<vmem>>, %arg10: memref<512x256xf32, #tpu.memory_space<vmem>>, %arg11: memref<1x256xf32, #tpu.memory_space<vmem>>, %arg12: memref<1x256xf32, #tpu.memory_space<vmem>>, %arg13: memref<1x256xf32, #tpu.memory_space<vmem>>, %arg14: memref<64x256xf32, #tpu.memory_space<vmem>>, %arg15: memref<1x256xf32, #tpu.memory_space<vmem>>, %arg16: memref<1x256xf32, #tpu.memory_space<vmem>>, %arg17: memref<1x256xf32, #tpu.memory_space<vmem>>, %arg18: memref<256x256xf32, #tpu.memory_space<vmem>>, %arg19: memref<1x256xf32, #tpu.memory_space<vmem>>, %arg20: memref<1x256xf32, #tpu.memory_space<vmem>>, %arg21: memref<1x256xf32, #tpu.memory_space<vmem>>, %arg22: memref<256x256xf32, #tpu.memory_space<vmem>>, %arg23: memref<1x256xf32, #tpu.memory_space<vmem>>, %arg24: memref<256x512xf32, #tpu.memory_space<vmem>>, %arg25: memref<1x512xf32, #tpu.memory_space<vmem>>, %arg26: memref<256x256xf32, #tpu.memory_space<vmem>>, %arg27: memref<256x256xf32, #tpu.memory_space<vmem>>, %arg28: memref<256x256xf32, #tpu.memory_space<vmem>>, %arg29: memref<256x256xf32, #tpu.memory_space<vmem>>, %arg30: memref<256x512xf32, #tpu.memory_space<vmem>>, %arg31: memref<256x256xf32, #tpu.memory_space<vmem>>, %arg32: memref<256x512xf32, #tpu.memory_space<vmem>>, %arg33: memref<256x10xi32, #tpu.memory_space<vmem>>) attributes {dimension_semantics = [#tpu.dimension_semantics<arbitrary>], iteration_bounds = array<i64: 8>, scalar_prefetch = 0 : i64, scratch_operands = 0 : i64, tpu.core_type = #tpu.core_type<tc>, window_params = [{transform_indices = @transform_0, window_bounds = array<i64: 256, 1536>}, {transform_indices = @transform_1, window_bounds = array<i64: 256, 512>}, {transform_indices = @transform_2, window_bounds = array<i64: 256, 64>}, {pipeline_mode = #tpu.pipeline_mode<synchronous>, transform_indices = @transform_3, window_bounds = array<i64: 2048, 3>}, {pipeline_mode = #tpu.pipeline_mode<synchronous>, transform_indices = @transform_4, window_bounds = array<i64: 3, 2048>}, {pipeline_mode = #tpu.pipeline_mode<synchronous>, transform_indices = @transform_5, window_bounds = array<i64: 1536, 256>}, {pipeline_mode = #tpu.pipeline_mode<synchronous>, transform_indices = @transform_6, window_bounds = array<i64: 1, 256>}, {pipeline_mode = #tpu.pipeline_mode<synchronous>, transform_indices = @transform_7, window_bounds = array<i64: 1, 256>}, {pipeline_mode = #tpu.pipeline_mode<synchronous>, transform_indices = @transform_8, window_bounds = array<i64: 1, 256>}, {pipeline_mode = #tpu.pipeline_mode<synchronous>, transform_indices = @transform_9, window_bounds = array<i64: 512, 256>}, {pipeline_mode = #tpu.pipeline_mode<synchronous>, transform_indices = @transform_10, window_bounds = array<i64: 1, 256>}, {pipeline_mode = #tpu.pipeline_mode<synchronous>, transform_indices = @transform_11, window_bounds = array<i64: 1, 256>}, {pipeline_mode = #tpu.pipeline_mode<synchronous>, transform_indices = @transform_12, window_bounds = array<i64: 1, 256>}, {pipeline_mode = #tpu.pipeline_mode<synchronous>, transform_indices = @transform_13, window_bounds = array<i64: 64, 256>}, {pipeline_mode = #tpu.pipeline_mode<synchronous>, transform_indices = @transform_14, window_bounds = array<i64: 1, 256>}, {pipeline_mode = #tpu.pipeline_mode<synchronous>, transform_indices = @transform_15, window_bounds = array<i64: 1, 256>}, {pipeline_mode = #tpu.pipeline_mode<synchronous>, transform_indices = @transform_16, window_bounds = array<i64: 1, 256>}, {pipeline_mode = #tpu.pipeline_mode<synchronous>, transform_indices = @transform_17, window_bounds = array<i64: 256, 256>}, {pipeline_mode = #tpu.pipeline_mode<synchronous>, transform_indices = @transform_18, window_bounds = array<i64: 1, 256>}, {pipeline_mode = #tpu.pipeline_mode<synchronous>, transform_indices = @transform_19, window_bounds = array<i64: 1, 256>}, {pipeline_mode = #tpu.pipeline_mode<synchronous>, transform_indices = @transform_20, window_bounds = array<i64: 1, 256>}, {pipeline_mode = #tpu.pipeline_mode<synchronous>, transform_indices = @transform_21, window_bounds = array<i64: 256, 256>}, {pipeline_mode = #tpu.pipeline_mode<synchronous>, transform_indices = @transform_22, window_bounds = array<i64: 1, 256>}, {pipeline_mode = #tpu.pipeline_mode<synchronous>, transform_indices = @transform_23, window_bounds = array<i64: 256, 512>}, {pipeline_mode = #tpu.pipeline_mode<synchronous>, transform_indices = @transform_24, window_bounds = array<i64: 1, 512>}, {transform_indices = @transform_25, window_bounds = array<i64: 256, 256>}, {transform_indices = @transform_26, window_bounds = array<i64: 256, 256>}, {transform_indices = @transform_27, window_bounds = array<i64: 256, 256>}, {transform_indices = @transform_28, window_bounds = array<i64: 256, 256>}, {transform_indices = @transform_29, window_bounds = array<i64: 256, 512>}, {transform_indices = @transform_30, window_bounds = array<i64: 256, 256>}, {transform_indices = @transform_31, window_bounds = array<i64: 256, 512>}, {transform_indices = @transform_32, window_bounds = array<i64: 256, 10>}]} {
    %mul3A = arith.constant 256 : i32
    %mul3A_0 = arith.muli %arg0, %mul3A : i32
    %get3A = arith.index_cast %mul3A_0 : i32 to index
    %get3A_1 = arith.constant 0 : index
    %get3A_2 = vector.load %arg4[%get3A, %get3A_1] : memref<2048x3xf32, #tpu.memory_space<vmem>>, vector<256x1xf32>
    %get3A_3 = arith.index_cast %mul3A_0 : i32 to index
    %get3A_4 = arith.constant 1 : index
    %get3A_5 = vector.load %arg4[%get3A_3, %get3A_4] : memref<2048x3xf32, #tpu.memory_space<vmem>>, vector<256x1xf32>
    %get3A_6 = arith.index_cast %mul3A_0 : i32 to index
    %get3A_7 = arith.constant 2 : index
    %get3A_8 = vector.load %arg4[%get3A_6, %get3A_7] : memref<2048x3xf32, #tpu.memory_space<vmem>>, vector<256x1xf32>
    %get3A_9 = arith.constant 0 : index
    %get3A_10 = arith.constant 0 : index
    %get3A_11 = vector.load %arg5[%get3A_9, %get3A_10] : memref<3x2048xf32, #tpu.memory_space<vmem>>, vector<1x2048xf32>
    %get3A_12 = arith.constant 1 : index
    %get3A_13 = arith.constant 0 : index
    %get3A_14 = vector.load %arg5[%get3A_12, %get3A_13] : memref<3x2048xf32, #tpu.memory_space<vmem>>, vector<1x2048xf32>
    %get3A_15 = arith.constant 2 : index
    %get3A_16 = arith.constant 0 : index
    %get3A_17 = vector.load %arg5[%get3A_15, %get3A_16] : memref<3x2048xf32, #tpu.memory_space<vmem>>, vector<1x2048xf32>
    %mul3A_18 = arith.mulf %get3A_2, %get3A_2 : vector<256x1xf32>
    %mul3A_19 = arith.mulf %get3A_5, %get3A_5 : vector<256x1xf32>
    %add3A = arith.addf %mul3A_18, %mul3A_19 : vector<256x1xf32>
    %mul3A_20 = arith.mulf %get3A_8, %get3A_8 : vector<256x1xf32>
    %add3A_21 = arith.addf %add3A, %mul3A_20 : vector<256x1xf32>
    %mul3A_22 = arith.mulf %get3A_11, %get3A_11 : vector<1x2048xf32>
    %mul3A_23 = arith.mulf %get3A_14, %get3A_14 : vector<1x2048xf32>
    %add3A_24 = arith.addf %mul3A_22, %mul3A_23 : vector<1x2048xf32>
    %mul3A_25 = arith.mulf %get3A_17, %get3A_17 : vector<1x2048xf32>
    %add3A_26 = arith.addf %add3A_24, %mul3A_25 : vector<1x2048xf32>
    %mul3A_27 = vector.broadcast %get3A_2 : vector<256x1xf32> to vector<256x2048xf32>
    %mul3A_28 = vector.broadcast %get3A_11 : vector<1x2048xf32> to vector<256x2048xf32>
    %mul3A_29 = arith.mulf %mul3A_27, %mul3A_28 : vector<256x2048xf32>
    %mul3A_30 = vector.broadcast %get3A_5 : vector<256x1xf32> to vector<256x2048xf32>
    %mul3A_31 = vector.broadcast %get3A_14 : vector<1x2048xf32> to vector<256x2048xf32>
    %mul3A_32 = arith.mulf %mul3A_30, %mul3A_31 : vector<256x2048xf32>
    %add3A_33 = arith.addf %mul3A_29, %mul3A_32 : vector<256x2048xf32>
    %mul3A_34 = vector.broadcast %get3A_8 : vector<256x1xf32> to vector<256x2048xf32>
    %mul3A_35 = vector.broadcast %get3A_17 : vector<1x2048xf32> to vector<256x2048xf32>
    %mul3A_36 = arith.mulf %mul3A_34, %mul3A_35 : vector<256x2048xf32>
    %add3A_37 = arith.addf %add3A_33, %mul3A_36 : vector<256x2048xf32>
    %add3A_38 = vector.broadcast %add3A_21 : vector<256x1xf32> to vector<256x2048xf32>
    %add3A_39 = vector.broadcast %add3A_26 : vector<1x2048xf32> to vector<256x2048xf32>
    %add3A_40 = arith.addf %add3A_38, %add3A_39 : vector<256x2048xf32>
    %mul3A_41 = arith.constant 2.000000e+00 : f32
    %mul3A_42 = vector.broadcast %mul3A_41 : f32 to vector<256x2048xf32>
    %mul3A_43 = arith.mulf %mul3A_42, %add3A_37 : vector<256x2048xf32>
    %sub3A = arith.subf %add3A_40, %mul3A_43 : vector<256x2048xf32>
    %max3A = arith.constant 0.000000e+00 : f32
    %max3A_44 = vector.broadcast %max3A : f32 to vector<256x2048xf32>
    %max3A_45 = arith.maximumf %sub3A, %max3A_44 : vector<256x2048xf32>
    %sqrt3A = math.sqrt %max3A_45 : vector<256x2048xf32>
    %iota3A = tpu.iota {dimensions = array<i32: 1>} : vector<256x2048xi32>
    %convert_element_type3A = arith.sitofp %iota3A : vector<256x2048xi32> to vector<256x2048xf32>
    %reduce_min3A = arith.constant dense<0x7F800000> : vector<256xf32>
    %reduce_min3A_46 = vector.multi_reduction <minimumf>, %sqrt3A, %reduce_min3A [1] : vector<256x2048xf32> to vector<256xf32>
    %broadcast_in_dim3A = vector.shape_cast %reduce_min3A_46 : vector<256xf32> to vector<256x1xf32>
    %eq3A = vector.broadcast %broadcast_in_dim3A : vector<256x1xf32> to vector<256x2048xf32>
    %eq3A_47 = arith.cmpf oeq, %sqrt3A, %eq3A : vector<256x2048xf32>
    %jit3A = arith.constant 3.000000e+08 : f32
    %broadcast_in_dim3A_48 = vector.broadcast %jit3A : f32 to vector<256x2048xf32>
    %select_n3A = arith.select %eq3A_47, %convert_element_type3A, %broadcast_in_dim3A_48 : vector<256x2048xi1>, vector<256x2048xf32>
    %reduce_min3A_49 = arith.constant dense<0x7F800000> : vector<256xf32>
    %reduce_min3A_50 = vector.multi_reduction <minimumf>, %select_n3A, %reduce_min3A_49 [1] : vector<256x2048xf32> to vector<256xf32>
    %broadcast_in_dim3A_51 = vector.shape_cast %reduce_min3A_50 : vector<256xf32> to vector<256x1xf32>
    %eq3A_52 = vector.broadcast %broadcast_in_dim3A_51 : vector<256x1xf32> to vector<256x2048xf32>
    %eq3A_53 = arith.cmpf oeq, %convert_element_type3A, %eq3A_52 : vector<256x2048xf32>
    %jit3A_54 = arith.constant 0x7F800000 : f32
    %broadcast_in_dim3A_55 = vector.broadcast %jit3A_54 : f32 to vector<256x2048xf32>
    %select_n3A_56 = arith.select %eq3A_53, %broadcast_in_dim3A_55, %sqrt3A : vector<256x2048xi1>, vector<256x2048xf32>
    %reduce_min3A_57 = arith.constant dense<0x7F800000> : vector<256xf32>
    %reduce_min3A_58 = vector.multi_reduction <minimumf>, %select_n3A_56, %reduce_min3A_57 [1] : vector<256x2048xf32> to vector<256xf32>
    %broadcast_in_dim3A_59 = vector.shape_cast %reduce_min3A_58 : vector<256xf32> to vector<256x1xf32>
    %eq3A_60 = vector.broadcast %broadcast_in_dim3A_59 : vector<256x1xf32> to vector<256x2048xf32>
    %eq3A_61 = arith.cmpf oeq, %select_n3A_56, %eq3A_60 : vector<256x2048xf32>
    %jit3A_62 = arith.constant 3.000000e+08 : f32
    %broadcast_in_dim3A_63 = vector.broadcast %jit3A_62 : f32 to vector<256x2048xf32>
    %select_n3A_64 = arith.select %eq3A_61, %convert_element_type3A, %broadcast_in_dim3A_63 : vector<256x2048xi1>, vector<256x2048xf32>
    %reduce_min3A_65 = arith.constant dense<0x7F800000> : vector<256xf32>
    %reduce_min3A_66 = vector.multi_reduction <minimumf>, %select_n3A_64, %reduce_min3A_65 [1] : vector<256x2048xf32> to vector<256xf32>
    %broadcast_in_dim3A_67 = vector.shape_cast %reduce_min3A_66 : vector<256xf32> to vector<256x1xf32>
    %eq3A_68 = vector.broadcast %broadcast_in_dim3A_67 : vector<256x1xf32> to vector<256x2048xf32>
    %eq3A_69 = arith.cmpf oeq, %convert_element_type3A, %eq3A_68 : vector<256x2048xf32>
    %jit3A_70 = arith.constant 0x7F800000 : f32
    %broadcast_in_dim3A_71 = vector.broadcast %jit3A_70 : f32 to vector<256x2048xf32>
    %select_n3A_72 = arith.select %eq3A_69, %broadcast_in_dim3A_71, %select_n3A_56 : vector<256x2048xi1>, vector<256x2048xf32>
    %reduce_min3A_73 = arith.constant dense<0x7F800000> : vector<256xf32>
    %reduce_min3A_74 = vector.multi_reduction <minimumf>, %select_n3A_72, %reduce_min3A_73 [1] : vector<256x2048xf32> to vector<256xf32>
    %broadcast_in_dim3A_75 = vector.shape_cast %reduce_min3A_74 : vector<256xf32> to vector<256x1xf32>
    %eq3A_76 = vector.broadcast %broadcast_in_dim3A_75 : vector<256x1xf32> to vector<256x2048xf32>
    %eq3A_77 = arith.cmpf oeq, %select_n3A_72, %eq3A_76 : vector<256x2048xf32>
    %jit3A_78 = arith.constant 3.000000e+08 : f32
    %broadcast_in_dim3A_79 = vector.broadcast %jit3A_78 : f32 to vector<256x2048xf32>
    %select_n3A_80 = arith.select %eq3A_77, %convert_element_type3A, %broadcast_in_dim3A_79 : vector<256x2048xi1>, vector<256x2048xf32>
    %reduce_min3A_81 = arith.constant dense<0x7F800000> : vector<256xf32>
    %reduce_min3A_82 = vector.multi_reduction <minimumf>, %select_n3A_80, %reduce_min3A_81 [1] : vector<256x2048xf32> to vector<256xf32>
    %broadcast_in_dim3A_83 = vector.shape_cast %reduce_min3A_82 : vector<256xf32> to vector<256x1xf32>
    %eq3A_84 = vector.broadcast %broadcast_in_dim3A_83 : vector<256x1xf32> to vector<256x2048xf32>
    %eq3A_85 = arith.cmpf oeq, %convert_element_type3A, %eq3A_84 : vector<256x2048xf32>
    %jit3A_86 = arith.constant 0x7F800000 : f32
    %broadcast_in_dim3A_87 = vector.broadcast %jit3A_86 : f32 to vector<256x2048xf32>
    %select_n3A_88 = arith.select %eq3A_85, %broadcast_in_dim3A_87, %select_n3A_72 : vector<256x2048xi1>, vector<256x2048xf32>
    %reduce_min3A_89 = arith.constant dense<0x7F800000> : vector<256xf32>
    %reduce_min3A_90 = vector.multi_reduction <minimumf>, %select_n3A_88, %reduce_min3A_89 [1] : vector<256x2048xf32> to vector<256xf32>
    %broadcast_in_dim3A_91 = vector.shape_cast %reduce_min3A_90 : vector<256xf32> to vector<256x1xf32>
    %eq3A_92 = vector.broadcast %broadcast_in_dim3A_91 : vector<256x1xf32> to vector<256x2048xf32>
    %eq3A_93 = arith.cmpf oeq, %select_n3A_88, %eq3A_92 : vector<256x2048xf32>
    %jit3A_94 = arith.constant 3.000000e+08 : f32
    %broadcast_in_dim3A_95 = vector.broadcast %jit3A_94 : f32 to vector<256x2048xf32>
    %select_n3A_96 = arith.select %eq3A_93, %convert_element_type3A, %broadcast_in_dim3A_95 : vector<256x2048xi1>, vector<256x2048xf32>
    %reduce_min3A_97 = arith.constant dense<0x7F800000> : vector<256xf32>
    %reduce_min3A_98 = vector.multi_reduction <minimumf>, %select_n3A_96, %reduce_min3A_97 [1] : vector<256x2048xf32> to vector<256xf32>
    %broadcast_in_dim3A_99 = vector.shape_cast %reduce_min3A_98 : vector<256xf32> to vector<256x1xf32>
    %eq3A_100 = vector.broadcast %broadcast_in_dim3A_99 : vector<256x1xf32> to vector<256x2048xf32>
    %eq3A_101 = arith.cmpf oeq, %convert_element_type3A, %eq3A_100 : vector<256x2048xf32>
    %jit3A_102 = arith.constant 0x7F800000 : f32
    %broadcast_in_dim3A_103 = vector.broadcast %jit3A_102 : f32 to vector<256x2048xf32>
    %select_n3A_104 = arith.select %eq3A_101, %broadcast_in_dim3A_103, %select_n3A_88 : vector<256x2048xi1>, vector<256x2048xf32>
    %reduce_min3A_105 = arith.constant dense<0x7F800000> : vector<256xf32>
    %reduce_min3A_106 = vector.multi_reduction <minimumf>, %select_n3A_104, %reduce_min3A_105 [1] : vector<256x2048xf32> to vector<256xf32>
    %broadcast_in_dim3A_107 = vector.shape_cast %reduce_min3A_106 : vector<256xf32> to vector<256x1xf32>
    %eq3A_108 = vector.broadcast %broadcast_in_dim3A_107 : vector<256x1xf32> to vector<256x2048xf32>
    %eq3A_109 = arith.cmpf oeq, %select_n3A_104, %eq3A_108 : vector<256x2048xf32>
    %jit3A_110 = arith.constant 3.000000e+08 : f32
    %broadcast_in_dim3A_111 = vector.broadcast %jit3A_110 : f32 to vector<256x2048xf32>
    %select_n3A_112 = arith.select %eq3A_109, %convert_element_type3A, %broadcast_in_dim3A_111 : vector<256x2048xi1>, vector<256x2048xf32>
    %reduce_min3A_113 = arith.constant dense<0x7F800000> : vector<256xf32>
    %reduce_min3A_114 = vector.multi_reduction <minimumf>, %select_n3A_112, %reduce_min3A_113 [1] : vector<256x2048xf32> to vector<256xf32>
    %broadcast_in_dim3A_115 = vector.shape_cast %reduce_min3A_114 : vector<256xf32> to vector<256x1xf32>
    %eq3A_116 = vector.broadcast %broadcast_in_dim3A_115 : vector<256x1xf32> to vector<256x2048xf32>
    %eq3A_117 = arith.cmpf oeq, %convert_element_type3A, %eq3A_116 : vector<256x2048xf32>
    %jit3A_118 = arith.constant 0x7F800000 : f32
    %broadcast_in_dim3A_119 = vector.broadcast %jit3A_118 : f32 to vector<256x2048xf32>
    %select_n3A_120 = arith.select %eq3A_117, %broadcast_in_dim3A_119, %select_n3A_104 : vector<256x2048xi1>, vector<256x2048xf32>
    %reduce_min3A_121 = arith.constant dense<0x7F800000> : vector<256xf32>
    %reduce_min3A_122 = vector.multi_reduction <minimumf>, %select_n3A_120, %reduce_min3A_121 [1] : vector<256x2048xf32> to vector<256xf32>
    %broadcast_in_dim3A_123 = vector.shape_cast %reduce_min3A_122 : vector<256xf32> to vector<256x1xf32>
    %eq3A_124 = vector.broadcast %broadcast_in_dim3A_123 : vector<256x1xf32> to vector<256x2048xf32>
    %eq3A_125 = arith.cmpf oeq, %select_n3A_120, %eq3A_124 : vector<256x2048xf32>
    %jit3A_126 = arith.constant 3.000000e+08 : f32
    %broadcast_in_dim3A_127 = vector.broadcast %jit3A_126 : f32 to vector<256x2048xf32>
    %select_n3A_128 = arith.select %eq3A_125, %convert_element_type3A, %broadcast_in_dim3A_127 : vector<256x2048xi1>, vector<256x2048xf32>
    %reduce_min3A_129 = arith.constant dense<0x7F800000> : vector<256xf32>
    %reduce_min3A_130 = vector.multi_reduction <minimumf>, %select_n3A_128, %reduce_min3A_129 [1] : vector<256x2048xf32> to vector<256xf32>
    %broadcast_in_dim3A_131 = vector.shape_cast %reduce_min3A_130 : vector<256xf32> to vector<256x1xf32>
    %eq3A_132 = vector.broadcast %broadcast_in_dim3A_131 : vector<256x1xf32> to vector<256x2048xf32>
    %eq3A_133 = arith.cmpf oeq, %convert_element_type3A, %eq3A_132 : vector<256x2048xf32>
    %jit3A_134 = arith.constant 0x7F800000 : f32
    %broadcast_in_dim3A_135 = vector.broadcast %jit3A_134 : f32 to vector<256x2048xf32>
    %select_n3A_136 = arith.select %eq3A_133, %broadcast_in_dim3A_135, %select_n3A_120 : vector<256x2048xi1>, vector<256x2048xf32>
    %reduce_min3A_137 = arith.constant dense<0x7F800000> : vector<256xf32>
    %reduce_min3A_138 = vector.multi_reduction <minimumf>, %select_n3A_136, %reduce_min3A_137 [1] : vector<256x2048xf32> to vector<256xf32>
    %broadcast_in_dim3A_139 = vector.shape_cast %reduce_min3A_138 : vector<256xf32> to vector<256x1xf32>
    %eq3A_140 = vector.broadcast %broadcast_in_dim3A_139 : vector<256x1xf32> to vector<256x2048xf32>
    %eq3A_141 = arith.cmpf oeq, %select_n3A_136, %eq3A_140 : vector<256x2048xf32>
    %jit3A_142 = arith.constant 3.000000e+08 : f32
    %broadcast_in_dim3A_143 = vector.broadcast %jit3A_142 : f32 to vector<256x2048xf32>
    %select_n3A_144 = arith.select %eq3A_141, %convert_element_type3A, %broadcast_in_dim3A_143 : vector<256x2048xi1>, vector<256x2048xf32>
    %reduce_min3A_145 = arith.constant dense<0x7F800000> : vector<256xf32>
    %reduce_min3A_146 = vector.multi_reduction <minimumf>, %select_n3A_144, %reduce_min3A_145 [1] : vector<256x2048xf32> to vector<256xf32>
    %broadcast_in_dim3A_147 = vector.shape_cast %reduce_min3A_146 : vector<256xf32> to vector<256x1xf32>
    %eq3A_148 = vector.broadcast %broadcast_in_dim3A_147 : vector<256x1xf32> to vector<256x2048xf32>
    %eq3A_149 = arith.cmpf oeq, %convert_element_type3A, %eq3A_148 : vector<256x2048xf32>
    %jit3A_150 = arith.constant 0x7F800000 : f32
    %broadcast_in_dim3A_151 = vector.broadcast %jit3A_150 : f32 to vector<256x2048xf32>
    %select_n3A_152 = arith.select %eq3A_149, %broadcast_in_dim3A_151, %select_n3A_136 : vector<256x2048xi1>, vector<256x2048xf32>
    %reduce_min3A_153 = arith.constant dense<0x7F800000> : vector<256xf32>
    %reduce_min3A_154 = vector.multi_reduction <minimumf>, %select_n3A_152, %reduce_min3A_153 [1] : vector<256x2048xf32> to vector<256xf32>
    %broadcast_in_dim3A_155 = vector.shape_cast %reduce_min3A_154 : vector<256xf32> to vector<256x1xf32>
    %eq3A_156 = vector.broadcast %broadcast_in_dim3A_155 : vector<256x1xf32> to vector<256x2048xf32>
    %eq3A_157 = arith.cmpf oeq, %select_n3A_152, %eq3A_156 : vector<256x2048xf32>
    %jit3A_158 = arith.constant 3.000000e+08 : f32
    %broadcast_in_dim3A_159 = vector.broadcast %jit3A_158 : f32 to vector<256x2048xf32>
    %select_n3A_160 = arith.select %eq3A_157, %convert_element_type3A, %broadcast_in_dim3A_159 : vector<256x2048xi1>, vector<256x2048xf32>
    %reduce_min3A_161 = arith.constant dense<0x7F800000> : vector<256xf32>
    %reduce_min3A_162 = vector.multi_reduction <minimumf>, %select_n3A_160, %reduce_min3A_161 [1] : vector<256x2048xf32> to vector<256xf32>
    %broadcast_in_dim3A_163 = vector.shape_cast %reduce_min3A_162 : vector<256xf32> to vector<256x1xf32>
    %eq3A_164 = vector.broadcast %broadcast_in_dim3A_163 : vector<256x1xf32> to vector<256x2048xf32>
    %eq3A_165 = arith.cmpf oeq, %convert_element_type3A, %eq3A_164 : vector<256x2048xf32>
    %jit3A_166 = arith.constant 0x7F800000 : f32
    %broadcast_in_dim3A_167 = vector.broadcast %jit3A_166 : f32 to vector<256x2048xf32>
    %select_n3A_168 = arith.select %eq3A_165, %broadcast_in_dim3A_167, %select_n3A_152 : vector<256x2048xi1>, vector<256x2048xf32>
    %reduce_min3A_169 = arith.constant dense<0x7F800000> : vector<256xf32>
    %reduce_min3A_170 = vector.multi_reduction <minimumf>, %select_n3A_168, %reduce_min3A_169 [1] : vector<256x2048xf32> to vector<256xf32>
    %broadcast_in_dim3A_171 = vector.shape_cast %reduce_min3A_170 : vector<256xf32> to vector<256x1xf32>
    %eq3A_172 = vector.broadcast %broadcast_in_dim3A_171 : vector<256x1xf32> to vector<256x2048xf32>
    %eq3A_173 = arith.cmpf oeq, %select_n3A_168, %eq3A_172 : vector<256x2048xf32>
    %jit3A_174 = arith.constant 3.000000e+08 : f32
    %broadcast_in_dim3A_175 = vector.broadcast %jit3A_174 : f32 to vector<256x2048xf32>
    %select_n3A_176 = arith.select %eq3A_173, %convert_element_type3A, %broadcast_in_dim3A_175 : vector<256x2048xi1>, vector<256x2048xf32>
    %reduce_min3A_177 = arith.constant dense<0x7F800000> : vector<256xf32>
    %reduce_min3A_178 = vector.multi_reduction <minimumf>, %select_n3A_176, %reduce_min3A_177 [1] : vector<256x2048xf32> to vector<256xf32>
    %broadcast_in_dim3A_179 = vector.shape_cast %reduce_min3A_178 : vector<256xf32> to vector<256x1xf32>
    %eq3A_180 = vector.broadcast %broadcast_in_dim3A_179 : vector<256x1xf32> to vector<256x2048xf32>
    %eq3A_181 = arith.cmpf oeq, %convert_element_type3A, %eq3A_180 : vector<256x2048xf32>
    %jit3A_182 = arith.constant 0x7F800000 : f32
    %broadcast_in_dim3A_183 = vector.broadcast %jit3A_182 : f32 to vector<256x2048xf32>
    %select_n3A_184 = arith.select %eq3A_181, %broadcast_in_dim3A_183, %select_n3A_168 : vector<256x2048xi1>, vector<256x2048xf32>
    %reduce_min3A_185 = arith.constant dense<0x7F800000> : vector<256xf32>
    %reduce_min3A_186 = vector.multi_reduction <minimumf>, %select_n3A_184, %reduce_min3A_185 [1] : vector<256x2048xf32> to vector<256xf32>
    %broadcast_in_dim3A_187 = vector.shape_cast %reduce_min3A_186 : vector<256xf32> to vector<256x1xf32>
    %eq3A_188 = vector.broadcast %broadcast_in_dim3A_187 : vector<256x1xf32> to vector<256x2048xf32>
    %eq3A_189 = arith.cmpf oeq, %select_n3A_184, %eq3A_188 : vector<256x2048xf32>
    %jit3A_190 = arith.constant 3.000000e+08 : f32
    %broadcast_in_dim3A_191 = vector.broadcast %jit3A_190 : f32 to vector<256x2048xf32>
    %select_n3A_192 = arith.select %eq3A_189, %convert_element_type3A, %broadcast_in_dim3A_191 : vector<256x2048xi1>, vector<256x2048xf32>
    %reduce_min3A_193 = arith.constant dense<0x7F800000> : vector<256xf32>
    %reduce_min3A_194 = vector.multi_reduction <minimumf>, %select_n3A_192, %reduce_min3A_193 [1] : vector<256x2048xf32> to vector<256xf32>
    %broadcast_in_dim3A_195 = vector.shape_cast %reduce_min3A_194 : vector<256xf32> to vector<256x1xf32>
    %concatenate3A = tpu.concatenate %broadcast_in_dim3A_51, %broadcast_in_dim3A_67, %broadcast_in_dim3A_83, %broadcast_in_dim3A_99, %broadcast_in_dim3A_115, %broadcast_in_dim3A_131, %broadcast_in_dim3A_147, %broadcast_in_dim3A_163, %broadcast_in_dim3A_179, %broadcast_in_dim3A_195 in 1 : vector<256x1xf32>, vector<256x1xf32>, vector<256x1xf32>, vector<256x1xf32>, vector<256x1xf32>, vector<256x1xf32>, vector<256x1xf32>, vector<256x1xf32>, vector<256x1xf32>, vector<256x1xf32> -> vector<256x10xf32>
    %convert_element_type3A_196 = arith.fptosi %concatenate3A : vector<256x10xf32> to vector<256x10xi32>
    %swap3A = arith.constant 0 : index
    %swap3A_197 = arith.constant 0 : index
    %swap3A_198 = vector.load %arg33[%swap3A, %swap3A_197] : memref<256x10xi32, #tpu.memory_space<vmem>>, vector<256x10xi32>
    tpu.vector_store %arg33[%swap3A, %swap3A_197], %convert_element_type3A_196 {strides = array<i32>} : memref<256x10xi32, #tpu.memory_space<vmem>>, vector<256x10xi32>,
    %get3A_199 = arith.constant 0 : index
    %get3A_200 = arith.constant 0 : index
    %get3A_201 = vector.load %arg1[%get3A_199, %get3A_200] : memref<256x1536xf32, #tpu.memory_space<vmem>>, vector<256x1536xf32>
    %get3A_202 = arith.constant 0 : index
    %get3A_203 = arith.constant 0 : index
    %get3A_204 = vector.load %arg6[%get3A_202, %get3A_203] : memref<1536x256xf32, #tpu.memory_space<vmem>>, vector<1536x256xf32>
    %dot_general3A = arith.constant dense<0.000000e+00> : vector<256x256xf32>
    %dot_general3A_205 = tpu.matmul %get3A_201, %get3A_204, %dot_general3A {dimension_numbers = #tpu.dot_dimension_numbers<[1], [0], [0], [1], [0, 0, 1, 1], [], []>, transpose_lhs_hint = false} : vector<256x1536xf32>, vector<1536x256xf32>, vector<256x256xf32> -> vector<256x256xf32>
    %get3A_206 = arith.constant 0 : index
    %get3A_207 = arith.constant 0 : index
    %get3A_208 = vector.load %arg7[%get3A_206, %get3A_207] : memref<1x256xf32, #tpu.memory_space<vmem>>, vector<1x256xf32>
    %add3A_209 = vector.broadcast %get3A_208 : vector<1x256xf32> to vector<256x256xf32>
    %add3A_210 = arith.addf %dot_general3A_205, %add3A_209 : vector<256x256xf32>
    %get3A_211 = arith.constant 0 : index
    %get3A_212 = arith.constant 0 : index
    %get3A_213 = vector.load %arg8[%get3A_211, %get3A_212] : memref<1x256xf32, #tpu.memory_space<vmem>>, vector<1x256xf32>
    %get3A_214 = arith.constant 0 : index
    %get3A_215 = arith.constant 0 : index
    %get3A_216 = vector.load %arg9[%get3A_214, %get3A_215] : memref<1x256xf32, #tpu.memory_space<vmem>>, vector<1x256xf32>
    %reduce_sum3A = arith.constant dense<0.000000e+00> : vector<256xf32>
    %reduce_sum3A_217 = vector.multi_reduction <add>, %add3A_210, %reduce_sum3A [1] : vector<256x256xf32> to vector<256xf32>
    %broadcast_in_dim3A_218 = vector.shape_cast %reduce_sum3A_217 : vector<256xf32> to vector<256x1xf32>
    %div3A = arith.constant 2.560000e+02 : f32
    %div3A_219 = vector.broadcast %div3A : f32 to vector<256x1xf32>
    %div3A_220 = arith.divf %broadcast_in_dim3A_218, %div3A_219 : vector<256x1xf32>
    %sub3A_221 = vector.broadcast %div3A_220 : vector<256x1xf32> to vector<256x256xf32>
    %sub3A_222 = arith.subf %add3A_210, %sub3A_221 : vector<256x256xf32>
    %integer_pow3A = arith.mulf %sub3A_222, %sub3A_222 : vector<256x256xf32>
    %reduce_sum3A_223 = arith.constant dense<0.000000e+00> : vector<256xf32>
    %reduce_sum3A_224 = vector.multi_reduction <add>, %integer_pow3A, %reduce_sum3A_223 [1] : vector<256x256xf32> to vector<256xf32>
    %broadcast_in_dim3A_225 = vector.shape_cast %reduce_sum3A_224 : vector<256xf32> to vector<256x1xf32>
    %div3A_226 = arith.constant 2.560000e+02 : f32
    %div3A_227 = vector.broadcast %div3A_226 : f32 to vector<256x1xf32>
    %div3A_228 = arith.divf %broadcast_in_dim3A_225, %div3A_227 : vector<256x1xf32>
    %sub3A_229 = vector.broadcast %div3A_220 : vector<256x1xf32> to vector<256x256xf32>
    %sub3A_230 = arith.subf %add3A_210, %sub3A_229 : vector<256x256xf32>
    %add3A_231 = arith.constant 9.99999974E-6 : f32
    %add3A_232 = vector.broadcast %add3A_231 : f32 to vector<256x1xf32>
    %add3A_233 = arith.addf %div3A_228, %add3A_232 : vector<256x1xf32>
    %sqrt3A_234 = math.sqrt %add3A_233 : vector<256x1xf32>
    %div3A_235 = vector.broadcast %sqrt3A_234 : vector<256x1xf32> to vector<256x256xf32>
    %div3A_236 = arith.divf %sub3A_230, %div3A_235 : vector<256x256xf32>
    %mul3A_237 = vector.broadcast %get3A_213 : vector<1x256xf32> to vector<256x256xf32>
    %mul3A_238 = arith.mulf %div3A_236, %mul3A_237 : vector<256x256xf32>
    %add3A_239 = vector.broadcast %get3A_216 : vector<1x256xf32> to vector<256x256xf32>
    %add3A_240 = arith.addf %mul3A_238, %add3A_239 : vector<256x256xf32>
    %get3A_241 = arith.constant 0 : index
    %get3A_242 = arith.constant 0 : index
    %get3A_243 = vector.load %arg2[%get3A_241, %get3A_242] : memref<256x512xf32, #tpu.memory_space<vmem>>, vector<256x512xf32>
    %get3A_244 = arith.constant 0 : index
    %get3A_245 = arith.constant 0 : index
    %get3A_246 = vector.load %arg10[%get3A_244, %get3A_245] : memref<512x256xf32, #tpu.memory_space<vmem>>, vector<512x256xf32>
    %dot_general3A_247 = arith.constant dense<0.000000e+00> : vector<256x256xf32>
    %dot_general3A_248 = tpu.matmul %get3A_243, %get3A_246, %dot_general3A_247 {dimension_numbers = #tpu.dot_dimension_numbers<[1], [0], [0], [1], [0, 0, 1, 1], [], []>, transpose_lhs_hint = false} : vector<256x512xf32>, vector<512x256xf32>, vector<256x256xf32> -> vector<256x256xf32>
    %get3A_249 = arith.constant 0 : index
    %get3A_250 = arith.constant 0 : index
    %get3A_251 = vector.load %arg11[%get3A_249, %get3A_250] : memref<1x256xf32, #tpu.memory_space<vmem>>, vector<1x256xf32>
    %add3A_252 = vector.broadcast %get3A_251 : vector<1x256xf32> to vector<256x256xf32>
    %add3A_253 = arith.addf %dot_general3A_248, %add3A_252 : vector<256x256xf32>
    %get3A_254 = arith.constant 0 : index
    %get3A_255 = arith.constant 0 : index
    %get3A_256 = vector.load %arg12[%get3A_254, %get3A_255] : memref<1x256xf32, #tpu.memory_space<vmem>>, vector<1x256xf32>
    %get3A_257 = arith.constant 0 : index
    %get3A_258 = arith.constant 0 : index
    %get3A_259 = vector.load %arg13[%get3A_257, %get3A_258] : memref<1x256xf32, #tpu.memory_space<vmem>>, vector<1x256xf32>
    %reduce_sum3A_260 = arith.constant dense<0.000000e+00> : vector<256xf32>
    %reduce_sum3A_261 = vector.multi_reduction <add>, %add3A_253, %reduce_sum3A_260 [1] : vector<256x256xf32> to vector<256xf32>
    %broadcast_in_dim3A_262 = vector.shape_cast %reduce_sum3A_261 : vector<256xf32> to vector<256x1xf32>
    %div3A_263 = arith.constant 2.560000e+02 : f32
    %div3A_264 = vector.broadcast %div3A_263 : f32 to vector<256x1xf32>
    %div3A_265 = arith.divf %broadcast_in_dim3A_262, %div3A_264 : vector<256x1xf32>
    %sub3A_266 = vector.broadcast %div3A_265 : vector<256x1xf32> to vector<256x256xf32>
    %sub3A_267 = arith.subf %add3A_253, %sub3A_266 : vector<256x256xf32>
    %integer_pow3A_268 = arith.mulf %sub3A_267, %sub3A_267 : vector<256x256xf32>
    %reduce_sum3A_269 = arith.constant dense<0.000000e+00> : vector<256xf32>
    %reduce_sum3A_270 = vector.multi_reduction <add>, %integer_pow3A_268, %reduce_sum3A_269 [1] : vector<256x256xf32> to vector<256xf32>
    %broadcast_in_dim3A_271 = vector.shape_cast %reduce_sum3A_270 : vector<256xf32> to vector<256x1xf32>
    %div3A_272 = arith.constant 2.560000e+02 : f32
    %div3A_273 = vector.broadcast %div3A_272 : f32 to vector<256x1xf32>
    %div3A_274 = arith.divf %broadcast_in_dim3A_271, %div3A_273 : vector<256x1xf32>
    %sub3A_275 = vector.broadcast %div3A_265 : vector<256x1xf32> to vector<256x256xf32>
    %sub3A_276 = arith.subf %add3A_253, %sub3A_275 : vector<256x256xf32>
    %add3A_277 = arith.constant 9.99999974E-6 : f32
    %add3A_278 = vector.broadcast %add3A_277 : f32 to vector<256x1xf32>
    %add3A_279 = arith.addf %div3A_274, %add3A_278 : vector<256x1xf32>
    %sqrt3A_280 = math.sqrt %add3A_279 : vector<256x1xf32>
    %div3A_281 = vector.broadcast %sqrt3A_280 : vector<256x1xf32> to vector<256x256xf32>
    %div3A_282 = arith.divf %sub3A_276, %div3A_281 : vector<256x256xf32>
    %mul3A_283 = vector.broadcast %get3A_256 : vector<1x256xf32> to vector<256x256xf32>
    %mul3A_284 = arith.mulf %div3A_282, %mul3A_283 : vector<256x256xf32>
    %add3A_285 = vector.broadcast %get3A_259 : vector<1x256xf32> to vector<256x256xf32>
    %add3A_286 = arith.addf %mul3A_284, %add3A_285 : vector<256x256xf32>
    %get3A_287 = arith.constant 0 : index
    %get3A_288 = arith.constant 0 : index
    %get3A_289 = vector.load %arg3[%get3A_287, %get3A_288] : memref<256x64xf32, #tpu.memory_space<vmem>>, vector<256x64xf32>
    %get3A_290 = arith.constant 0 : index
    %get3A_291 = arith.constant 0 : index
    %get3A_292 = vector.load %arg14[%get3A_290, %get3A_291] : memref<64x256xf32, #tpu.memory_space<vmem>>, vector<64x256xf32>
    %dot_general3A_293 = arith.constant dense<0.000000e+00> : vector<256x256xf32>
    %dot_general3A_294 = tpu.matmul %get3A_289, %get3A_292, %dot_general3A_293 {dimension_numbers = #tpu.dot_dimension_numbers<[1], [0], [0], [1], [0, 0, 1, 1], [], []>, transpose_lhs_hint = false} : vector<256x64xf32>, vector<64x256xf32>, vector<256x256xf32> -> vector<256x256xf32>
    %get3A_295 = arith.constant 0 : index
    %get3A_296 = arith.constant 0 : index
    %get3A_297 = vector.load %arg15[%get3A_295, %get3A_296] : memref<1x256xf32, #tpu.memory_space<vmem>>, vector<1x256xf32>
    %add3A_298 = vector.broadcast %get3A_297 : vector<1x256xf32> to vector<256x256xf32>
    %add3A_299 = arith.addf %dot_general3A_294, %add3A_298 : vector<256x256xf32>
    %get3A_300 = arith.constant 0 : index
    %get3A_301 = arith.constant 0 : index
    %get3A_302 = vector.load %arg16[%get3A_300, %get3A_301] : memref<1x256xf32, #tpu.memory_space<vmem>>, vector<1x256xf32>
    %get3A_303 = arith.constant 0 : index
    %get3A_304 = arith.constant 0 : index
    %get3A_305 = vector.load %arg17[%get3A_303, %get3A_304] : memref<1x256xf32, #tpu.memory_space<vmem>>, vector<1x256xf32>
    %reduce_sum3A_306 = arith.constant dense<0.000000e+00> : vector<256xf32>
    %reduce_sum3A_307 = vector.multi_reduction <add>, %add3A_299, %reduce_sum3A_306 [1] : vector<256x256xf32> to vector<256xf32>
    %broadcast_in_dim3A_308 = vector.shape_cast %reduce_sum3A_307 : vector<256xf32> to vector<256x1xf32>
    %div3A_309 = arith.constant 2.560000e+02 : f32
    %div3A_310 = vector.broadcast %div3A_309 : f32 to vector<256x1xf32>
    %div3A_311 = arith.divf %broadcast_in_dim3A_308, %div3A_310 : vector<256x1xf32>
    %sub3A_312 = vector.broadcast %div3A_311 : vector<256x1xf32> to vector<256x256xf32>
    %sub3A_313 = arith.subf %add3A_299, %sub3A_312 : vector<256x256xf32>
    %integer_pow3A_314 = arith.mulf %sub3A_313, %sub3A_313 : vector<256x256xf32>
    %reduce_sum3A_315 = arith.constant dense<0.000000e+00> : vector<256xf32>
    %reduce_sum3A_316 = vector.multi_reduction <add>, %integer_pow3A_314, %reduce_sum3A_315 [1] : vector<256x256xf32> to vector<256xf32>
    %broadcast_in_dim3A_317 = vector.shape_cast %reduce_sum3A_316 : vector<256xf32> to vector<256x1xf32>
    %div3A_318 = arith.constant 2.560000e+02 : f32
    %div3A_319 = vector.broadcast %div3A_318 : f32 to vector<256x1xf32>
    %div3A_320 = arith.divf %broadcast_in_dim3A_317, %div3A_319 : vector<256x1xf32>
    %sub3A_321 = vector.broadcast %div3A_311 : vector<256x1xf32> to vector<256x256xf32>
    %sub3A_322 = arith.subf %add3A_299, %sub3A_321 : vector<256x256xf32>
    %add3A_323 = arith.constant 9.99999974E-6 : f32
    %add3A_324 = vector.broadcast %add3A_323 : f32 to vector<256x1xf32>
    %add3A_325 = arith.addf %div3A_320, %add3A_324 : vector<256x1xf32>
    %sqrt3A_326 = math.sqrt %add3A_325 : vector<256x1xf32>
    %div3A_327 = vector.broadcast %sqrt3A_326 : vector<256x1xf32> to vector<256x256xf32>
    %div3A_328 = arith.divf %sub3A_322, %div3A_327 : vector<256x256xf32>
    %mul3A_329 = vector.broadcast %get3A_302 : vector<1x256xf32> to vector<256x256xf32>
    %mul3A_330 = arith.mulf %div3A_328, %mul3A_329 : vector<256x256xf32>
    %add3A_331 = vector.broadcast %get3A_305 : vector<1x256xf32> to vector<256x256xf32>
    %add3A_332 = arith.addf %mul3A_330, %add3A_331 : vector<256x256xf32>
    %get3A_333 = arith.constant 0 : index
    %get3A_334 = arith.constant 0 : index
    %get3A_335 = vector.load %arg18[%get3A_333, %get3A_334] : memref<256x256xf32, #tpu.memory_space<vmem>>, vector<256x256xf32>
    %dot_general3A_336 = arith.constant dense<0.000000e+00> : vector<256x256xf32>
    %dot_general3A_337 = tpu.matmul %add3A_332, %get3A_335, %dot_general3A_336 {dimension_numbers = #tpu.dot_dimension_numbers<[1], [0], [0], [1], [0, 0, 1, 1], [], []>, transpose_lhs_hint = false} : vector<256x256xf32>, vector<256x256xf32>, vector<256x256xf32> -> vector<256x256xf32>
    %get3A_338 = arith.constant 0 : index
    %get3A_339 = arith.constant 0 : index
    %get3A_340 = vector.load %arg19[%get3A_338, %get3A_339] : memref<1x256xf32, #tpu.memory_space<vmem>>, vector<1x256xf32>
    %add3A_341 = vector.broadcast %get3A_340 : vector<1x256xf32> to vector<256x256xf32>
    %add3A_342 = arith.addf %dot_general3A_337, %add3A_341 : vector<256x256xf32>
    %get3A_343 = arith.constant 0 : index
    %get3A_344 = arith.constant 0 : index
    %get3A_345 = vector.load %arg20[%get3A_343, %get3A_344] : memref<1x256xf32, #tpu.memory_space<vmem>>, vector<1x256xf32>
    %get3A_346 = arith.constant 0 : index
    %get3A_347 = arith.constant 0 : index
    %get3A_348 = vector.load %arg21[%get3A_346, %get3A_347] : memref<1x256xf32, #tpu.memory_space<vmem>>, vector<1x256xf32>
    %reduce_sum3A_349 = arith.constant dense<0.000000e+00> : vector<256xf32>
    %reduce_sum3A_350 = vector.multi_reduction <add>, %add3A_342, %reduce_sum3A_349 [1] : vector<256x256xf32> to vector<256xf32>
    %broadcast_in_dim3A_351 = vector.shape_cast %reduce_sum3A_350 : vector<256xf32> to vector<256x1xf32>
    %div3A_352 = arith.constant 2.560000e+02 : f32
    %div3A_353 = vector.broadcast %div3A_352 : f32 to vector<256x1xf32>
    %div3A_354 = arith.divf %broadcast_in_dim3A_351, %div3A_353 : vector<256x1xf32>
    %sub3A_355 = vector.broadcast %div3A_354 : vector<256x1xf32> to vector<256x256xf32>
    %sub3A_356 = arith.subf %add3A_342, %sub3A_355 : vector<256x256xf32>
    %integer_pow3A_357 = arith.mulf %sub3A_356, %sub3A_356 : vector<256x256xf32>
    %reduce_sum3A_358 = arith.constant dense<0.000000e+00> : vector<256xf32>
    %reduce_sum3A_359 = vector.multi_reduction <add>, %integer_pow3A_357, %reduce_sum3A_358 [1] : vector<256x256xf32> to vector<256xf32>
    %broadcast_in_dim3A_360 = vector.shape_cast %reduce_sum3A_359 : vector<256xf32> to vector<256x1xf32>
    %div3A_361 = arith.constant 2.560000e+02 : f32
    %div3A_362 = vector.broadcast %div3A_361 : f32 to vector<256x1xf32>
    %div3A_363 = arith.divf %broadcast_in_dim3A_360, %div3A_362 : vector<256x1xf32>
    %sub3A_364 = vector.broadcast %div3A_354 : vector<256x1xf32> to vector<256x256xf32>
    %sub3A_365 = arith.subf %add3A_342, %sub3A_364 : vector<256x256xf32>
    %add3A_366 = arith.constant 9.99999974E-6 : f32
    %add3A_367 = vector.broadcast %add3A_366 : f32 to vector<256x1xf32>
    %add3A_368 = arith.addf %div3A_363, %add3A_367 : vector<256x1xf32>
    %sqrt3A_369 = math.sqrt %add3A_368 : vector<256x1xf32>
    %div3A_370 = vector.broadcast %sqrt3A_369 : vector<256x1xf32> to vector<256x256xf32>
    %div3A_371 = arith.divf %sub3A_365, %div3A_370 : vector<256x256xf32>
    %mul3A_372 = vector.broadcast %get3A_345 : vector<1x256xf32> to vector<256x256xf32>
    %mul3A_373 = arith.mulf %div3A_371, %mul3A_372 : vector<256x256xf32>
    %add3A_374 = vector.broadcast %get3A_348 : vector<1x256xf32> to vector<256x256xf32>
    %add3A_375 = arith.addf %mul3A_373, %add3A_374 : vector<256x256xf32>
    %ge3A = arith.constant 0.000000e+00 : f32
    %ge3A_376 = vector.broadcast %ge3A : f32 to vector<256x256xf32>
    %ge3A_377 = arith.cmpf oge, %add3A_375, %ge3A_376 : vector<256x256xf32>
    %mul3A_378 = arith.constant 0.00999999977 : f32
    %mul3A_379 = vector.broadcast %mul3A_378 : f32 to vector<256x256xf32>
    %mul3A_380 = arith.mulf %mul3A_379, %add3A_375 : vector<256x256xf32>
    %select_n3A_381 = arith.select %ge3A_377, %add3A_375, %mul3A_380 : vector<256x256xi1>, vector<256x256xf32>
    %swap3A_382 = arith.constant 0 : index
    %swap3A_383 = arith.constant 0 : index
    %swap3A_384 = vector.load %arg28[%swap3A_382, %swap3A_383] : memref<256x256xf32, #tpu.memory_space<vmem>>, vector<256x256xf32>
    tpu.vector_store %arg28[%swap3A_382, %swap3A_383], %select_n3A_381 {strides = array<i32>} : memref<256x256xf32, #tpu.memory_space<vmem>>, vector<256x256xf32>,
    %swap3A_385 = arith.constant 0 : index
    %swap3A_386 = arith.constant 0 : index
    %swap3A_387 = vector.load %arg26[%swap3A_385, %swap3A_386] : memref<256x256xf32, #tpu.memory_space<vmem>>, vector<256x256xf32>
    tpu.vector_store %arg26[%swap3A_385, %swap3A_386], %add3A_240 {strides = array<i32>} : memref<256x256xf32, #tpu.memory_space<vmem>>, vector<256x256xf32>,
    %swap3A_388 = arith.constant 0 : index
    %swap3A_389 = arith.constant 0 : index
    %swap3A_390 = vector.load %arg27[%swap3A_388, %swap3A_389] : memref<256x256xf32, #tpu.memory_space<vmem>>, vector<256x256xf32>
    tpu.vector_store %arg27[%swap3A_388, %swap3A_389], %add3A_286 {strides = array<i32>} : memref<256x256xf32, #tpu.memory_space<vmem>>, vector<256x256xf32>,
    %get3A_391 = arith.constant 0 : index
    %get3A_392 = arith.constant 0 : index
    %get3A_393 = vector.load %arg22[%get3A_391, %get3A_392] : memref<256x256xf32, #tpu.memory_space<vmem>>, vector<256x256xf32>
    %dot_general3A_394 = arith.constant dense<0.000000e+00> : vector<256x256xf32>
    %dot_general3A_395 = tpu.matmul %add3A_240, %get3A_393, %dot_general3A_394 {dimension_numbers = #tpu.dot_dimension_numbers<[1], [0], [0], [1], [0, 0, 1, 1], [], []>, transpose_lhs_hint = false} : vector<256x256xf32>, vector<256x256xf32>, vector<256x256xf32> -> vector<256x256xf32>
    %get3A_396 = arith.constant 0 : index
    %get3A_397 = arith.constant 0 : index
    %get3A_398 = vector.load %arg23[%get3A_396, %get3A_397] : memref<1x256xf32, #tpu.memory_space<vmem>>, vector<1x256xf32>
    %add3A_399 = vector.broadcast %get3A_398 : vector<1x256xf32> to vector<256x256xf32>
    %add3A_400 = arith.addf %dot_general3A_395, %add3A_399 : vector<256x256xf32>
    %swap3A_401 = arith.constant 0 : index
    %swap3A_402 = arith.constant 0 : index
    %swap3A_403 = vector.load %arg29[%swap3A_401, %swap3A_402] : memref<256x256xf32, #tpu.memory_space<vmem>>, vector<256x256xf32>
    tpu.vector_store %arg29[%swap3A_401, %swap3A_402], %add3A_400 {strides = array<i32>} : memref<256x256xf32, #tpu.memory_space<vmem>>, vector<256x256xf32>,
    %get3A_404 = arith.constant 0 : index
    %get3A_405 = arith.constant 0 : index
    %get3A_406 = vector.load %arg22[%get3A_404, %get3A_405] : memref<256x256xf32, #tpu.memory_space<vmem>>, vector<256x256xf32>
    %dot_general3A_407 = arith.constant dense<0.000000e+00> : vector<256x256xf32>
    %dot_general3A_408 = tpu.matmul %add3A_286, %get3A_406, %dot_general3A_407 {dimension_numbers = #tpu.dot_dimension_numbers<[1], [0], [0], [1], [0, 0, 1, 1], [], []>, transpose_lhs_hint = false} : vector<256x256xf32>, vector<256x256xf32>, vector<256x256xf32> -> vector<256x256xf32>
    %get3A_409 = arith.constant 0 : index
    %get3A_410 = arith.constant 0 : index
    %get3A_411 = vector.load %arg23[%get3A_409, %get3A_410] : memref<1x256xf32, #tpu.memory_space<vmem>>, vector<1x256xf32>
    %add3A_412 = vector.broadcast %get3A_411 : vector<1x256xf32> to vector<256x256xf32>
    %add3A_413 = arith.addf %dot_general3A_408, %add3A_412 : vector<256x256xf32>
    %swap3A_414 = arith.constant 0 : index
    %swap3A_415 = arith.constant 0 : index
    %swap3A_416 = vector.load %arg31[%swap3A_414, %swap3A_415] : memref<256x256xf32, #tpu.memory_space<vmem>>, vector<256x256xf32>
    tpu.vector_store %arg31[%swap3A_414, %swap3A_415], %add3A_413 {strides = array<i32>} : memref<256x256xf32, #tpu.memory_space<vmem>>, vector<256x256xf32>,
    %get3A_417 = arith.constant 0 : index
    %get3A_418 = arith.constant 0 : index
    %get3A_419 = vector.load %arg24[%get3A_417, %get3A_418] : memref<256x512xf32, #tpu.memory_space<vmem>>, vector<256x512xf32>
    %dot_general3A_420 = arith.constant dense<0.000000e+00> : vector<256x512xf32>
    %dot_general3A_421 = tpu.matmul %add3A_240, %get3A_419, %dot_general3A_420 {dimension_numbers = #tpu.dot_dimension_numbers<[1], [0], [0], [1], [0, 0, 1, 1], [], []>, transpose_lhs_hint = false} : vector<256x256xf32>, vector<256x512xf32>, vector<256x512xf32> -> vector<256x512xf32>
    %get3A_422 = arith.constant 0 : index
    %get3A_423 = arith.constant 0 : index
    %get3A_424 = vector.load %arg25[%get3A_422, %get3A_423] : memref<1x512xf32, #tpu.memory_space<vmem>>, vector<1x512xf32>
    %add3A_425 = vector.broadcast %get3A_424 : vector<1x512xf32> to vector<256x512xf32>
    %add3A_426 = arith.addf %dot_general3A_421, %add3A_425 : vector<256x512xf32>
    %swap3A_427 = arith.constant 0 : index
    %swap3A_428 = arith.constant 0 : index
    %swap3A_429 = vector.load %arg30[%swap3A_427, %swap3A_428] : memref<256x512xf32, #tpu.memory_space<vmem>>, vector<256x512xf32>
    tpu.vector_store %arg30[%swap3A_427, %swap3A_428], %add3A_426 {strides = array<i32>} : memref<256x512xf32, #tpu.memory_space<vmem>>, vector<256x512xf32>,
    %get3A_430 = arith.constant 0 : index
    %get3A_431 = arith.constant 0 : index
    %get3A_432 = vector.load %arg24[%get3A_430, %get3A_431] : memref<256x512xf32, #tpu.memory_space<vmem>>, vector<256x512xf32>
    %dot_general3A_433 = arith.constant dense<0.000000e+00> : vector<256x512xf32>
    %dot_general3A_434 = tpu.matmul %add3A_286, %get3A_432, %dot_general3A_433 {dimension_numbers = #tpu.dot_dimension_numbers<[1], [0], [0], [1], [0, 0, 1, 1], [], []>, transpose_lhs_hint = false} : vector<256x256xf32>, vector<256x512xf32>, vector<256x512xf32> -> vector<256x512xf32>
    %get3A_435 = arith.constant 0 : index
    %get3A_436 = arith.constant 0 : index
    %get3A_437 = vector.load %arg25[%get3A_435, %get3A_436] : memref<1x512xf32, #tpu.memory_space<vmem>>, vector<1x512xf32>
    %add3A_438 = vector.broadcast %get3A_437 : vector<1x512xf32> to vector<256x512xf32>
    %add3A_439 = arith.addf %dot_general3A_434, %add3A_438 : vector<256x512xf32>
    %swap3A_440 = arith.constant 0 : index
    %swap3A_441 = arith.constant 0 : index
    %swap3A_442 = vector.load %arg32[%swap3A_440, %swap3A_441] : memref<256x512xf32, #tpu.memory_space<vmem>>, vector<256x512xf32>
    tpu.vector_store %arg32[%swap3A_440, %swap3A_441], %add3A_439 {strides = array<i32>} : memref<256x512xf32, #tpu.memory_space<vmem>>, vector<256x512xf32>,
    return
  }
  func.func @transform_0(%arg0: i32) -> (i32, i32) {
    %c0_i32 = arith.constant 0 : i32
    %c0_i32_0 = arith.constant 0 : i32
    return %arg0, %c0_i32 : i32, i32
  }
  func.func @transform_1(%arg0: i32) -> (i32, i32) {
    %c0_i32 = arith.constant 0 : i32
    %c0_i32_0 = arith.constant 0 : i32
    return %arg0, %c0_i32 : i32, i32
  }
  func.func @transform_2(%arg0: i32) -> (i32, i32) {
    %c0_i32 = arith.constant 0 : i32
    %c0_i32_0 = arith.constant 0 : i32
    return %arg0, %c0_i32 : i32, i32
  }
  func.func @transform_3(%arg0: i32) -> (i32, i32) {
    %c0_i32 = arith.constant 0 : i32
    %c0_i32_0 = arith.constant 0 : i32
    %c0_i32_1 = arith.constant 0 : i32
    return %c0_i32, %c0_i32_0 : i32, i32
  }
  func.func @transform_4(%arg0: i32) -> (i32, i32) {
    %c0_i32 = arith.constant 0 : i32
    %c0_i32_0 = arith.constant 0 : i32
    %c0_i32_1 = arith.constant 0 : i32
    return %c0_i32, %c0_i32_0 : i32, i32
  }
  func.func @transform_5(%arg0: i32) -> (i32, i32) {
    %c0_i32 = arith.constant 0 : i32
    %c0_i32_0 = arith.constant 0 : i32
    %c0_i32_1 = arith.constant 0 : i32
    return %c0_i32, %c0_i32_0 : i32, i32
  }
  func.func @transform_6(%arg0: i32) -> (i32, i32) {
    %c0_i32 = arith.constant 0 : i32
    %c0_i32_0 = arith.constant 0 : i32
    %c0_i32_1 = arith.constant 0 : i32
    return %c0_i32, %c0_i32_0 : i32, i32
  }
  func.func @transform_7(%arg0: i32) -> (i32, i32) {
    %c0_i32 = arith.constant 0 : i32
    %c0_i32_0 = arith.constant 0 : i32
    %c0_i32_1 = arith.constant 0 : i32
    return %c0_i32, %c0_i32_0 : i32, i32
  }
  func.func @transform_8(%arg0: i32) -> (i32, i32) {
    %c0_i32 = arith.constant 0 : i32
    %c0_i32_0 = arith.constant 0 : i32
    %c0_i32_1 = arith.constant 0 : i32
    return %c0_i32, %c0_i32_0 : i32, i32
  }
  func.func @transform_9(%arg0: i32) -> (i32, i32) {
    %c0_i32 = arith.constant 0 : i32
    %c0_i32_0 = arith.constant 0 : i32
    %c0_i32_1 = arith.constant 0 : i32
    return %c0_i32, %c0_i32_0 : i32, i32
  }
  func.func @transform_10(%arg0: i32) -> (i32, i32) {
    %c0_i32 = arith.constant 0 : i32
    %c0_i32_0 = arith.constant 0 : i32
    %c0_i32_1 = arith.constant 0 : i32
    return %c0_i32, %c0_i32_0 : i32, i32
  }
  func.func @transform_11(%arg0: i32) -> (i32, i32) {
    %c0_i32 = arith.constant 0 : i32
    %c0_i32_0 = arith.constant 0 : i32
    %c0_i32_1 = arith.constant 0 : i32
    return %c0_i32, %c0_i32_0 : i32, i32
  }
  func.func @transform_12(%arg0: i32) -> (i32, i32) {
    %c0_i32 = arith.constant 0 : i32
    %c0_i32_0 = arith.constant 0 : i32
    %c0_i32_1 = arith.constant 0 : i32
    return %c0_i32, %c0_i32_0 : i32, i32
  }
  func.func @transform_13(%arg0: i32) -> (i32, i32) {
    %c0_i32 = arith.constant 0 : i32
    %c0_i32_0 = arith.constant 0 : i32
    %c0_i32_1 = arith.constant 0 : i32
    return %c0_i32, %c0_i32_0 : i32, i32
  }
  func.func @transform_14(%arg0: i32) -> (i32, i32) {
    %c0_i32 = arith.constant 0 : i32
    %c0_i32_0 = arith.constant 0 : i32
    %c0_i32_1 = arith.constant 0 : i32
    return %c0_i32, %c0_i32_0 : i32, i32
  }
  func.func @transform_15(%arg0: i32) -> (i32, i32) {
    %c0_i32 = arith.constant 0 : i32
    %c0_i32_0 = arith.constant 0 : i32
    %c0_i32_1 = arith.constant 0 : i32
    return %c0_i32, %c0_i32_0 : i32, i32
  }
  func.func @transform_16(%arg0: i32) -> (i32, i32) {
    %c0_i32 = arith.constant 0 : i32
    %c0_i32_0 = arith.constant 0 : i32
    %c0_i32_1 = arith.constant 0 : i32
    return %c0_i32, %c0_i32_0 : i32, i32
  }
  func.func @transform_17(%arg0: i32) -> (i32, i32) {
    %c0_i32 = arith.constant 0 : i32
    %c0_i32_0 = arith.constant 0 : i32
    %c0_i32_1 = arith.constant 0 : i32
    return %c0_i32, %c0_i32_0 : i32, i32
  }
  func.func @transform_18(%arg0: i32) -> (i32, i32) {
    %c0_i32 = arith.constant 0 : i32
    %c0_i32_0 = arith.constant 0 : i32
    %c0_i32_1 = arith.constant 0 : i32
    return %c0_i32, %c0_i32_0 : i32, i32
  }
  func.func @transform_19(%arg0: i32) -> (i32, i32) {
    %c0_i32 = arith.constant 0 : i32
    %c0_i32_0 = arith.constant 0 : i32
    %c0_i32_1 = arith.constant 0 : i32
    return %c0_i32, %c0_i32_0 : i32, i32
  }
  func.func @transform_20(%arg0: i32) -> (i32, i32) {
    %c0_i32 = arith.constant 0 : i32
    %c0_i32_0 = arith.constant 0 : i32
    %c0_i32_1 = arith.constant 0 : i32
    return %c0_i32, %c0_i32_0 : i32, i32
  }
  func.func @transform_21(%arg0: i32) -> (i32, i32) {
    %c0_i32 = arith.constant 0 : i32
    %c0_i32_0 = arith.constant 0 : i32
    %c0_i32_1 = arith.constant 0 : i32
    return %c0_i32, %c0_i32_0 : i32, i32
  }
  func.func @transform_22(%arg0: i32) -> (i32, i32) {
    %c0_i32 = arith.constant 0 : i32
    %c0_i32_0 = arith.constant 0 : i32
    %c0_i32_1 = arith.constant 0 : i32
    return %c0_i32, %c0_i32_0 : i32, i32
  }
  func.func @transform_23(%arg0: i32) -> (i32, i32) {
    %c0_i32 = arith.constant 0 : i32
    %c0_i32_0 = arith.constant 0 : i32
    %c0_i32_1 = arith.constant 0 : i32
    return %c0_i32, %c0_i32_0 : i32, i32
  }
  func.func @transform_24(%arg0: i32) -> (i32, i32) {
    %c0_i32 = arith.constant 0 : i32
    %c0_i32_0 = arith.constant 0 : i32
    %c0_i32_1 = arith.constant 0 : i32
    return %c0_i32, %c0_i32_0 : i32, i32
  }
  func.func @transform_25(%arg0: i32) -> (i32, i32) {
    %c0_i32 = arith.constant 0 : i32
    %c0_i32_0 = arith.constant 0 : i32
    return %arg0, %c0_i32 : i32, i32
  }
  func.func @transform_26(%arg0: i32) -> (i32, i32) {
    %c0_i32 = arith.constant 0 : i32
    %c0_i32_0 = arith.constant 0 : i32
    return %arg0, %c0_i32 : i32, i32
  }
  func.func @transform_27(%arg0: i32) -> (i32, i32) {
    %c0_i32 = arith.constant 0 : i32
    %c0_i32_0 = arith.constant 0 : i32
    return %arg0, %c0_i32 : i32, i32
  }
  func.func @transform_28(%arg0: i32) -> (i32, i32) {
    %c0_i32 = arith.constant 0 : i32
    %c0_i32_0 = arith.constant 0 : i32
    return %arg0, %c0_i32 : i32, i32
  }
  func.func @transform_29(%arg0: i32) -> (i32, i32) {
    %c0_i32 = arith.constant 0 : i32
    %c0_i32_0 = arith.constant 0 : i32
    return %arg0, %c0_i32 : i32, i32
  }
  func.func @transform_30(%arg0: i32) -> (i32, i32) {
    %c0_i32 = arith.constant 0 : i32
    %c0_i32_0 = arith.constant 0 : i32
    return %arg0, %c0_i32 : i32, i32
  }
  func.func @transform_31(%arg0: i32) -> (i32, i32) {
    %c0_i32 = arith.constant 0 : i32
    %c0_i32_0 = arith.constant 0 : i32
    return %arg0, %c0_i32 : i32, i32
  }
  func.func @transform_32(%arg0: i32) -> (i32, i32) {
    %c0_i32 = arith.constant 0 : i32
    %c0_i32_0 = arith.constant 0 : i32
    return %arg0, %c0_i32 : i32, i32
  }
}

module attributes {stable_mosaic.version = 14 : i64} {
  func.func @_attn_head_body(%arg0: i32, %arg1: memref<256x256xf32, #tpu.memory_space<vmem>>, %arg2: memref<256x256xf32, #tpu.memory_space<vmem>>, %arg3: memref<256x5120xf32, #tpu.memory_space<vmem>>, %arg4: memref<256x5120xf32, #tpu.memory_space<vmem>>, %arg5: memref<256x256xf32, #tpu.memory_space<vmem>>, %arg6: memref<256x256xf32, #tpu.memory_space<vmem>>, %arg7: memref<256x256xf32, #tpu.memory_space<vmem>>, %arg8: memref<256x8xf32, #tpu.memory_space<vmem>>, %arg9: memref<80x2560xf32, #tpu.memory_space<vmem>>, %arg10: memref<256x256xf32, #tpu.memory_space<vmem>>, %arg11: memref<1x256xf32, #tpu.memory_space<vmem>>, %arg12: memref<1x4xf32, #tpu.memory_space<vmem>>, %arg13: memref<1x256xf32, #tpu.memory_space<vmem>>, %arg14: memref<1x256xf32, #tpu.memory_space<vmem>>, %arg15: memref<1x256xf32, #tpu.memory_space<vmem>>, %arg16: memref<1x256xf32, #tpu.memory_space<vmem>>, %arg17: memref<768x512xf32, #tpu.memory_space<vmem>>, %arg18: memref<1x512xf32, #tpu.memory_space<vmem>>, %arg19: memref<1x512xf32, #tpu.memory_space<vmem>>, %arg20: memref<1x512xf32, #tpu.memory_space<vmem>>, %arg21: memref<512x256xf32, #tpu.memory_space<vmem>>, %arg22: memref<1x256xf32, #tpu.memory_space<vmem>>, %arg23: memref<1x256xf32, #tpu.memory_space<vmem>>, %arg24: memref<1x256xf32, #tpu.memory_space<vmem>>, %arg25: memref<256x256xf32, #tpu.memory_space<vmem>>) attributes {dimension_semantics = [#tpu.dimension_semantics<arbitrary>], iteration_bounds = array<i64: 8>, scalar_prefetch = 0 : i64, scratch_operands = 0 : i64, tpu.core_type = #tpu.core_type<tc>, window_params = [{transform_indices = @transform_0, window_bounds = array<i64: 256, 256>}, {transform_indices = @transform_1, window_bounds = array<i64: 256, 256>}, {transform_indices = @transform_2, window_bounds = array<i64: 256, 5120>}, {transform_indices = @transform_3, window_bounds = array<i64: 256, 5120>}, {transform_indices = @transform_4, window_bounds = array<i64: 256, 256>}, {transform_indices = @transform_5, window_bounds = array<i64: 256, 256>}, {transform_indices = @transform_6, window_bounds = array<i64: 256, 256>}, {pipeline_mode = #tpu.pipeline_mode<synchronous>, transform_indices = @transform_7, window_bounds = array<i64: 256, 8>}, {pipeline_mode = #tpu.pipeline_mode<synchronous>, transform_indices = @transform_8, window_bounds = array<i64: 80, 2560>}, {pipeline_mode = #tpu.pipeline_mode<synchronous>, transform_indices = @transform_9, window_bounds = array<i64: 256, 256>}, {pipeline_mode = #tpu.pipeline_mode<synchronous>, transform_indices = @transform_10, window_bounds = array<i64: 1, 256>}, {pipeline_mode = #tpu.pipeline_mode<synchronous>, transform_indices = @transform_11, window_bounds = array<i64: 1, 4>}, {pipeline_mode = #tpu.pipeline_mode<synchronous>, transform_indices = @transform_12, window_bounds = array<i64: 1, 256>}, {pipeline_mode = #tpu.pipeline_mode<synchronous>, transform_indices = @transform_13, window_bounds = array<i64: 1, 256>}, {pipeline_mode = #tpu.pipeline_mode<synchronous>, transform_indices = @transform_14, window_bounds = array<i64: 1, 256>}, {pipeline_mode = #tpu.pipeline_mode<synchronous>, transform_indices = @transform_15, window_bounds = array<i64: 1, 256>}, {pipeline_mode = #tpu.pipeline_mode<synchronous>, transform_indices = @transform_16, window_bounds = array<i64: 768, 512>}, {pipeline_mode = #tpu.pipeline_mode<synchronous>, transform_indices = @transform_17, window_bounds = array<i64: 1, 512>}, {pipeline_mode = #tpu.pipeline_mode<synchronous>, transform_indices = @transform_18, window_bounds = array<i64: 1, 512>}, {pipeline_mode = #tpu.pipeline_mode<synchronous>, transform_indices = @transform_19, window_bounds = array<i64: 1, 512>}, {pipeline_mode = #tpu.pipeline_mode<synchronous>, transform_indices = @transform_20, window_bounds = array<i64: 512, 256>}, {pipeline_mode = #tpu.pipeline_mode<synchronous>, transform_indices = @transform_21, window_bounds = array<i64: 1, 256>}, {pipeline_mode = #tpu.pipeline_mode<synchronous>, transform_indices = @transform_22, window_bounds = array<i64: 1, 256>}, {pipeline_mode = #tpu.pipeline_mode<synchronous>, transform_indices = @transform_23, window_bounds = array<i64: 1, 256>}, {transform_indices = @transform_24, window_bounds = array<i64: 256, 256>}]} {
    %get3A = arith.constant 0 : index
    %get3A_0 = arith.constant 0 : index
    %get3A_1 = vector.load %arg8[%get3A, %get3A_0] : memref<256x8xf32, #tpu.memory_space<vmem>>, vector<256x8xf32>
    %get3A_2 = arith.constant 0 : index
    %get3A_3 = arith.constant 0 : index
    %get3A_4 = vector.load %arg9[%get3A_2, %get3A_3] : memref<80x2560xf32, #tpu.memory_space<vmem>>, vector<80x2560xf32>
    %get3A_5 = arith.constant 0 : index
    %get3A_6 = arith.constant 0 : index
    %get3A_7 = vector.load %arg1[%get3A_5, %get3A_6] : memref<256x256xf32, #tpu.memory_space<vmem>>, vector<256x256xf32>
    %mul3A = arith.constant 0.176776692 : f32
    %mul3A_8 = vector.broadcast %mul3A : f32 to vector<256x256xf32>
    %mul3A_9 = arith.mulf %get3A_7, %mul3A_8 : vector<256x256xf32>
    %get3A_10 = arith.constant 0 : index
    %get3A_11 = arith.constant 0 : index
    %get3A_12 = vector.load %arg3[%get3A_10, %get3A_11] : memref<256x5120xf32, #tpu.memory_space<vmem>>, vector<256x256xf32>
    %mul3A_13 = arith.mulf %mul3A_9, %get3A_12 : vector<256x256xf32>
    %dot_general3A = arith.constant dense<0.000000e+00> : vector<256x8xf32>
    %dot_general3A_14 = tpu.matmul %mul3A_13, %get3A_1, %dot_general3A {dimension_numbers = #tpu.dot_dimension_numbers<[1], [0], [0], [1], [0, 0, 1, 1], [], []>, transpose_lhs_hint = false} : vector<256x256xf32>, vector<256x8xf32>, vector<256x8xf32> -> vector<256x8xf32>
    %get3A_15 = arith.constant 0 : index
    %get3A_16 = arith.constant 512 : index
    %get3A_17 = vector.load %arg3[%get3A_15, %get3A_16] : memref<256x5120xf32, #tpu.memory_space<vmem>>, vector<256x256xf32>
    %mul3A_18 = arith.mulf %mul3A_9, %get3A_17 : vector<256x256xf32>
    %dot_general3A_19 = arith.constant dense<0.000000e+00> : vector<256x8xf32>
    %dot_general3A_20 = tpu.matmul %mul3A_18, %get3A_1, %dot_general3A_19 {dimension_numbers = #tpu.dot_dimension_numbers<[1], [0], [0], [1], [0, 0, 1, 1], [], []>, transpose_lhs_hint = false} : vector<256x256xf32>, vector<256x8xf32>, vector<256x8xf32> -> vector<256x8xf32>
    %get3A_21 = arith.constant 0 : index
    %get3A_22 = arith.constant 1024 : index
    %get3A_23 = vector.load %arg3[%get3A_21, %get3A_22] : memref<256x5120xf32, #tpu.memory_space<vmem>>, vector<256x256xf32>
    %mul3A_24 = arith.mulf %mul3A_9, %get3A_23 : vector<256x256xf32>
    %dot_general3A_25 = arith.constant dense<0.000000e+00> : vector<256x8xf32>
    %dot_general3A_26 = tpu.matmul %mul3A_24, %get3A_1, %dot_general3A_25 {dimension_numbers = #tpu.dot_dimension_numbers<[1], [0], [0], [1], [0, 0, 1, 1], [], []>, transpose_lhs_hint = false} : vector<256x256xf32>, vector<256x8xf32>, vector<256x8xf32> -> vector<256x8xf32>
    %get3A_27 = arith.constant 0 : index
    %get3A_28 = arith.constant 1536 : index
    %get3A_29 = vector.load %arg3[%get3A_27, %get3A_28] : memref<256x5120xf32, #tpu.memory_space<vmem>>, vector<256x256xf32>
    %mul3A_30 = arith.mulf %mul3A_9, %get3A_29 : vector<256x256xf32>
    %dot_general3A_31 = arith.constant dense<0.000000e+00> : vector<256x8xf32>
    %dot_general3A_32 = tpu.matmul %mul3A_30, %get3A_1, %dot_general3A_31 {dimension_numbers = #tpu.dot_dimension_numbers<[1], [0], [0], [1], [0, 0, 1, 1], [], []>, transpose_lhs_hint = false} : vector<256x256xf32>, vector<256x8xf32>, vector<256x8xf32> -> vector<256x8xf32>
    %get3A_33 = arith.constant 0 : index
    %get3A_34 = arith.constant 2048 : index
    %get3A_35 = vector.load %arg3[%get3A_33, %get3A_34] : memref<256x5120xf32, #tpu.memory_space<vmem>>, vector<256x256xf32>
    %mul3A_36 = arith.mulf %mul3A_9, %get3A_35 : vector<256x256xf32>
    %dot_general3A_37 = arith.constant dense<0.000000e+00> : vector<256x8xf32>
    %dot_general3A_38 = tpu.matmul %mul3A_36, %get3A_1, %dot_general3A_37 {dimension_numbers = #tpu.dot_dimension_numbers<[1], [0], [0], [1], [0, 0, 1, 1], [], []>, transpose_lhs_hint = false} : vector<256x256xf32>, vector<256x8xf32>, vector<256x8xf32> -> vector<256x8xf32>
    %get3A_39 = arith.constant 0 : index
    %get3A_40 = arith.constant 2560 : index
    %get3A_41 = vector.load %arg3[%get3A_39, %get3A_40] : memref<256x5120xf32, #tpu.memory_space<vmem>>, vector<256x256xf32>
    %mul3A_42 = arith.mulf %mul3A_9, %get3A_41 : vector<256x256xf32>
    %dot_general3A_43 = arith.constant dense<0.000000e+00> : vector<256x8xf32>
    %dot_general3A_44 = tpu.matmul %mul3A_42, %get3A_1, %dot_general3A_43 {dimension_numbers = #tpu.dot_dimension_numbers<[1], [0], [0], [1], [0, 0, 1, 1], [], []>, transpose_lhs_hint = false} : vector<256x256xf32>, vector<256x8xf32>, vector<256x8xf32> -> vector<256x8xf32>
    %get3A_45 = arith.constant 0 : index
    %get3A_46 = arith.constant 3072 : index
    %get3A_47 = vector.load %arg3[%get3A_45, %get3A_46] : memref<256x5120xf32, #tpu.memory_space<vmem>>, vector<256x256xf32>
    %mul3A_48 = arith.mulf %mul3A_9, %get3A_47 : vector<256x256xf32>
    %dot_general3A_49 = arith.constant dense<0.000000e+00> : vector<256x8xf32>
    %dot_general3A_50 = tpu.matmul %mul3A_48, %get3A_1, %dot_general3A_49 {dimension_numbers = #tpu.dot_dimension_numbers<[1], [0], [0], [1], [0, 0, 1, 1], [], []>, transpose_lhs_hint = false} : vector<256x256xf32>, vector<256x8xf32>, vector<256x8xf32> -> vector<256x8xf32>
    %get3A_51 = arith.constant 0 : index
    %get3A_52 = arith.constant 3584 : index
    %get3A_53 = vector.load %arg3[%get3A_51, %get3A_52] : memref<256x5120xf32, #tpu.memory_space<vmem>>, vector<256x256xf32>
    %mul3A_54 = arith.mulf %mul3A_9, %get3A_53 : vector<256x256xf32>
    %dot_general3A_55 = arith.constant dense<0.000000e+00> : vector<256x8xf32>
    %dot_general3A_56 = tpu.matmul %mul3A_54, %get3A_1, %dot_general3A_55 {dimension_numbers = #tpu.dot_dimension_numbers<[1], [0], [0], [1], [0, 0, 1, 1], [], []>, transpose_lhs_hint = false} : vector<256x256xf32>, vector<256x8xf32>, vector<256x8xf32> -> vector<256x8xf32>
    %get3A_57 = arith.constant 0 : index
    %get3A_58 = arith.constant 4096 : index
    %get3A_59 = vector.load %arg3[%get3A_57, %get3A_58] : memref<256x5120xf32, #tpu.memory_space<vmem>>, vector<256x256xf32>
    %mul3A_60 = arith.mulf %mul3A_9, %get3A_59 : vector<256x256xf32>
    %dot_general3A_61 = arith.constant dense<0.000000e+00> : vector<256x8xf32>
    %dot_general3A_62 = tpu.matmul %mul3A_60, %get3A_1, %dot_general3A_61 {dimension_numbers = #tpu.dot_dimension_numbers<[1], [0], [0], [1], [0, 0, 1, 1], [], []>, transpose_lhs_hint = false} : vector<256x256xf32>, vector<256x8xf32>, vector<256x8xf32> -> vector<256x8xf32>
    %get3A_63 = arith.constant 0 : index
    %get3A_64 = arith.constant 4608 : index
    %get3A_65 = vector.load %arg3[%get3A_63, %get3A_64] : memref<256x5120xf32, #tpu.memory_space<vmem>>, vector<256x256xf32>
    %mul3A_66 = arith.mulf %mul3A_9, %get3A_65 : vector<256x256xf32>
    %dot_general3A_67 = arith.constant dense<0.000000e+00> : vector<256x8xf32>
    %dot_general3A_68 = tpu.matmul %mul3A_66, %get3A_1, %dot_general3A_67 {dimension_numbers = #tpu.dot_dimension_numbers<[1], [0], [0], [1], [0, 0, 1, 1], [], []>, transpose_lhs_hint = false} : vector<256x256xf32>, vector<256x8xf32>, vector<256x8xf32> -> vector<256x8xf32>
    %max3A = arith.maximumf %dot_general3A_14, %dot_general3A_20 : vector<256x8xf32>
    %max3A_69 = arith.maximumf %max3A, %dot_general3A_26 : vector<256x8xf32>
    %max3A_70 = arith.maximumf %max3A_69, %dot_general3A_32 : vector<256x8xf32>
    %max3A_71 = arith.maximumf %max3A_70, %dot_general3A_38 : vector<256x8xf32>
    %max3A_72 = arith.maximumf %max3A_71, %dot_general3A_44 : vector<256x8xf32>
    %max3A_73 = arith.maximumf %max3A_72, %dot_general3A_50 : vector<256x8xf32>
    %max3A_74 = arith.maximumf %max3A_73, %dot_general3A_56 : vector<256x8xf32>
    %max3A_75 = arith.maximumf %max3A_74, %dot_general3A_62 : vector<256x8xf32>
    %max3A_76 = arith.maximumf %max3A_75, %dot_general3A_68 : vector<256x8xf32>
    %sub3A = arith.subf %dot_general3A_14, %max3A_76 : vector<256x8xf32>
    %exp3A = math.exp %sub3A : vector<256x8xf32>
    %sub3A_77 = arith.subf %dot_general3A_20, %max3A_76 : vector<256x8xf32>
    %exp3A_78 = math.exp %sub3A_77 : vector<256x8xf32>
    %sub3A_79 = arith.subf %dot_general3A_26, %max3A_76 : vector<256x8xf32>
    %exp3A_80 = math.exp %sub3A_79 : vector<256x8xf32>
    %sub3A_81 = arith.subf %dot_general3A_32, %max3A_76 : vector<256x8xf32>
    %exp3A_82 = math.exp %sub3A_81 : vector<256x8xf32>
    %sub3A_83 = arith.subf %dot_general3A_38, %max3A_76 : vector<256x8xf32>
    %exp3A_84 = math.exp %sub3A_83 : vector<256x8xf32>
    %sub3A_85 = arith.subf %dot_general3A_44, %max3A_76 : vector<256x8xf32>
    %exp3A_86 = math.exp %sub3A_85 : vector<256x8xf32>
    %sub3A_87 = arith.subf %dot_general3A_50, %max3A_76 : vector<256x8xf32>
    %exp3A_88 = math.exp %sub3A_87 : vector<256x8xf32>
    %sub3A_89 = arith.subf %dot_general3A_56, %max3A_76 : vector<256x8xf32>
    %exp3A_90 = math.exp %sub3A_89 : vector<256x8xf32>
    %sub3A_91 = arith.subf %dot_general3A_62, %max3A_76 : vector<256x8xf32>
    %exp3A_92 = math.exp %sub3A_91 : vector<256x8xf32>
    %sub3A_93 = arith.subf %dot_general3A_68, %max3A_76 : vector<256x8xf32>
    %exp3A_94 = math.exp %sub3A_93 : vector<256x8xf32>
    %add3A = arith.addf %exp3A, %exp3A_78 : vector<256x8xf32>
    %add3A_95 = arith.addf %add3A, %exp3A_80 : vector<256x8xf32>
    %add3A_96 = arith.addf %add3A_95, %exp3A_82 : vector<256x8xf32>
    %add3A_97 = arith.addf %add3A_96, %exp3A_84 : vector<256x8xf32>
    %add3A_98 = arith.addf %add3A_97, %exp3A_86 : vector<256x8xf32>
    %add3A_99 = arith.addf %add3A_98, %exp3A_88 : vector<256x8xf32>
    %add3A_100 = arith.addf %add3A_99, %exp3A_90 : vector<256x8xf32>
    %add3A_101 = arith.addf %add3A_100, %exp3A_92 : vector<256x8xf32>
    %add3A_102 = arith.addf %add3A_101, %exp3A_94 : vector<256x8xf32>
    %div3A = arith.constant 1.000000e+00 : f32
    %div3A_103 = vector.broadcast %div3A : f32 to vector<256x8xf32>
    %div3A_104 = arith.divf %div3A_103, %add3A_102 : vector<256x8xf32>
    %mul3A_105 = arith.mulf %exp3A, %div3A_104 : vector<256x8xf32>
    %mul3A_106 = arith.mulf %exp3A_78, %div3A_104 : vector<256x8xf32>
    %mul3A_107 = arith.mulf %exp3A_80, %div3A_104 : vector<256x8xf32>
    %mul3A_108 = arith.mulf %exp3A_82, %div3A_104 : vector<256x8xf32>
    %mul3A_109 = arith.mulf %exp3A_84, %div3A_104 : vector<256x8xf32>
    %mul3A_110 = arith.mulf %exp3A_86, %div3A_104 : vector<256x8xf32>
    %mul3A_111 = arith.mulf %exp3A_88, %div3A_104 : vector<256x8xf32>
    %mul3A_112 = arith.mulf %exp3A_90, %div3A_104 : vector<256x8xf32>
    %mul3A_113 = arith.mulf %exp3A_92, %div3A_104 : vector<256x8xf32>
    %mul3A_114 = arith.mulf %exp3A_94, %div3A_104 : vector<256x8xf32>
    %concatenate3A = tpu.concatenate %mul3A_105, %mul3A_106, %mul3A_107, %mul3A_108, %mul3A_109, %mul3A_110, %mul3A_111, %mul3A_112, %mul3A_113, %mul3A_114 in 1 : vector<256x8xf32>, vector<256x8xf32>, vector<256x8xf32>, vector<256x8xf32>, vector<256x8xf32>, vector<256x8xf32>, vector<256x8xf32>, vector<256x8xf32>, vector<256x8xf32>, vector<256x8xf32> -> vector<256x80xf32>
    %dot_general3A_115 = arith.constant dense<0.000000e+00> : vector<256x2560xf32>
    %dot_general3A_116 = tpu.matmul %concatenate3A, %get3A_4, %dot_general3A_115 {dimension_numbers = #tpu.dot_dimension_numbers<[1], [0], [0], [1], [0, 0, 1, 1], [], []>, transpose_lhs_hint = false} : vector<256x80xf32>, vector<80x2560xf32>, vector<256x2560xf32> -> vector<256x2560xf32>
    %slice3A = vector.extract_strided_slice %dot_general3A_116 {offsets = [0, 0], sizes = [256, 256], strides = [1, 1]} : vector<256x2560xf32> to vector<256x256xf32>
    %get3A_117 = arith.constant 0 : index
    %get3A_118 = arith.constant 256 : index
    %get3A_119 = vector.load %arg3[%get3A_117, %get3A_118] : memref<256x5120xf32, #tpu.memory_space<vmem>>, vector<256x256xf32>
    %mul3A_120 = arith.mulf %slice3A, %get3A_119 : vector<256x256xf32>
    %slice3A_121 = vector.extract_strided_slice %dot_general3A_116 {offsets = [0, 256], sizes = [256, 256], strides = [1, 1]} : vector<256x2560xf32> to vector<256x256xf32>
    %get3A_122 = arith.constant 0 : index
    %get3A_123 = arith.constant 768 : index
    %get3A_124 = vector.load %arg3[%get3A_122, %get3A_123] : memref<256x5120xf32, #tpu.memory_space<vmem>>, vector<256x256xf32>
    %mul3A_125 = arith.mulf %slice3A_121, %get3A_124 : vector<256x256xf32>
    %add3A_126 = arith.addf %mul3A_120, %mul3A_125 : vector<256x256xf32>
    %slice3A_127 = vector.extract_strided_slice %dot_general3A_116 {offsets = [0, 512], sizes = [256, 256], strides = [1, 1]} : vector<256x2560xf32> to vector<256x256xf32>
    %get3A_128 = arith.constant 0 : index
    %get3A_129 = arith.constant 1280 : index
    %get3A_130 = vector.load %arg3[%get3A_128, %get3A_129] : memref<256x5120xf32, #tpu.memory_space<vmem>>, vector<256x256xf32>
    %mul3A_131 = arith.mulf %slice3A_127, %get3A_130 : vector<256x256xf32>
    %add3A_132 = arith.addf %add3A_126, %mul3A_131 : vector<256x256xf32>
    %slice3A_133 = vector.extract_strided_slice %dot_general3A_116 {offsets = [0, 768], sizes = [256, 256], strides = [1, 1]} : vector<256x2560xf32> to vector<256x256xf32>
    %get3A_134 = arith.constant 0 : index
    %get3A_135 = arith.constant 1792 : index
    %get3A_136 = vector.load %arg3[%get3A_134, %get3A_135] : memref<256x5120xf32, #tpu.memory_space<vmem>>, vector<256x256xf32>
    %mul3A_137 = arith.mulf %slice3A_133, %get3A_136 : vector<256x256xf32>
    %add3A_138 = arith.addf %add3A_132, %mul3A_137 : vector<256x256xf32>
    %slice3A_139 = vector.extract_strided_slice %dot_general3A_116 {offsets = [0, 1024], sizes = [256, 256], strides = [1, 1]} : vector<256x2560xf32> to vector<256x256xf32>
    %get3A_140 = arith.constant 0 : index
    %get3A_141 = arith.constant 2304 : index
    %get3A_142 = vector.load %arg3[%get3A_140, %get3A_141] : memref<256x5120xf32, #tpu.memory_space<vmem>>, vector<256x256xf32>
    %mul3A_143 = arith.mulf %slice3A_139, %get3A_142 : vector<256x256xf32>
    %add3A_144 = arith.addf %add3A_138, %mul3A_143 : vector<256x256xf32>
    %slice3A_145 = vector.extract_strided_slice %dot_general3A_116 {offsets = [0, 1280], sizes = [256, 256], strides = [1, 1]} : vector<256x2560xf32> to vector<256x256xf32>
    %get3A_146 = arith.constant 0 : index
    %get3A_147 = arith.constant 2816 : index
    %get3A_148 = vector.load %arg3[%get3A_146, %get3A_147] : memref<256x5120xf32, #tpu.memory_space<vmem>>, vector<256x256xf32>
    %mul3A_149 = arith.mulf %slice3A_145, %get3A_148 : vector<256x256xf32>
    %add3A_150 = arith.addf %add3A_144, %mul3A_149 : vector<256x256xf32>
    %slice3A_151 = vector.extract_strided_slice %dot_general3A_116 {offsets = [0, 1536], sizes = [256, 256], strides = [1, 1]} : vector<256x2560xf32> to vector<256x256xf32>
    %get3A_152 = arith.constant 0 : index
    %get3A_153 = arith.constant 3328 : index
    %get3A_154 = vector.load %arg3[%get3A_152, %get3A_153] : memref<256x5120xf32, #tpu.memory_space<vmem>>, vector<256x256xf32>
    %mul3A_155 = arith.mulf %slice3A_151, %get3A_154 : vector<256x256xf32>
    %add3A_156 = arith.addf %add3A_150, %mul3A_155 : vector<256x256xf32>
    %slice3A_157 = vector.extract_strided_slice %dot_general3A_116 {offsets = [0, 1792], sizes = [256, 256], strides = [1, 1]} : vector<256x2560xf32> to vector<256x256xf32>
    %get3A_158 = arith.constant 0 : index
    %get3A_159 = arith.constant 3840 : index
    %get3A_160 = vector.load %arg3[%get3A_158, %get3A_159] : memref<256x5120xf32, #tpu.memory_space<vmem>>, vector<256x256xf32>
    %mul3A_161 = arith.mulf %slice3A_157, %get3A_160 : vector<256x256xf32>
    %add3A_162 = arith.addf %add3A_156, %mul3A_161 : vector<256x256xf32>
    %slice3A_163 = vector.extract_strided_slice %dot_general3A_116 {offsets = [0, 2048], sizes = [256, 256], strides = [1, 1]} : vector<256x2560xf32> to vector<256x256xf32>
    %get3A_164 = arith.constant 0 : index
    %get3A_165 = arith.constant 4352 : index
    %get3A_166 = vector.load %arg3[%get3A_164, %get3A_165] : memref<256x5120xf32, #tpu.memory_space<vmem>>, vector<256x256xf32>
    %mul3A_167 = arith.mulf %slice3A_163, %get3A_166 : vector<256x256xf32>
    %add3A_168 = arith.addf %add3A_162, %mul3A_167 : vector<256x256xf32>
    %slice3A_169 = vector.extract_strided_slice %dot_general3A_116 {offsets = [0, 2304], sizes = [256, 256], strides = [1, 1]} : vector<256x2560xf32> to vector<256x256xf32>
    %get3A_170 = arith.constant 0 : index
    %get3A_171 = arith.constant 4864 : index
    %get3A_172 = vector.load %arg3[%get3A_170, %get3A_171] : memref<256x5120xf32, #tpu.memory_space<vmem>>, vector<256x256xf32>
    %mul3A_173 = arith.mulf %slice3A_169, %get3A_172 : vector<256x256xf32>
    %add3A_174 = arith.addf %add3A_168, %mul3A_173 : vector<256x256xf32>
    %get3A_175 = arith.constant 0 : index
    %get3A_176 = arith.constant 0 : index
    %get3A_177 = vector.load %arg2[%get3A_175, %get3A_176] : memref<256x256xf32, #tpu.memory_space<vmem>>, vector<256x256xf32>
    %mul3A_178 = arith.constant 0.176776692 : f32
    %mul3A_179 = vector.broadcast %mul3A_178 : f32 to vector<256x256xf32>
    %mul3A_180 = arith.mulf %get3A_177, %mul3A_179 : vector<256x256xf32>
    %get3A_181 = arith.constant 0 : index
    %get3A_182 = arith.constant 0 : index
    %get3A_183 = vector.load %arg4[%get3A_181, %get3A_182] : memref<256x5120xf32, #tpu.memory_space<vmem>>, vector<256x256xf32>
    %mul3A_184 = arith.mulf %mul3A_180, %get3A_183 : vector<256x256xf32>
    %dot_general3A_185 = arith.constant dense<0.000000e+00> : vector<256x8xf32>
    %dot_general3A_186 = tpu.matmul %mul3A_184, %get3A_1, %dot_general3A_185 {dimension_numbers = #tpu.dot_dimension_numbers<[1], [0], [0], [1], [0, 0, 1, 1], [], []>, transpose_lhs_hint = false} : vector<256x256xf32>, vector<256x8xf32>, vector<256x8xf32> -> vector<256x8xf32>
    %get3A_187 = arith.constant 0 : index
    %get3A_188 = arith.constant 512 : index
    %get3A_189 = vector.load %arg4[%get3A_187, %get3A_188] : memref<256x5120xf32, #tpu.memory_space<vmem>>, vector<256x256xf32>
    %mul3A_190 = arith.mulf %mul3A_180, %get3A_189 : vector<256x256xf32>
    %dot_general3A_191 = arith.constant dense<0.000000e+00> : vector<256x8xf32>
    %dot_general3A_192 = tpu.matmul %mul3A_190, %get3A_1, %dot_general3A_191 {dimension_numbers = #tpu.dot_dimension_numbers<[1], [0], [0], [1], [0, 0, 1, 1], [], []>, transpose_lhs_hint = false} : vector<256x256xf32>, vector<256x8xf32>, vector<256x8xf32> -> vector<256x8xf32>
    %get3A_193 = arith.constant 0 : index
    %get3A_194 = arith.constant 1024 : index
    %get3A_195 = vector.load %arg4[%get3A_193, %get3A_194] : memref<256x5120xf32, #tpu.memory_space<vmem>>, vector<256x256xf32>
    %mul3A_196 = arith.mulf %mul3A_180, %get3A_195 : vector<256x256xf32>
    %dot_general3A_197 = arith.constant dense<0.000000e+00> : vector<256x8xf32>
    %dot_general3A_198 = tpu.matmul %mul3A_196, %get3A_1, %dot_general3A_197 {dimension_numbers = #tpu.dot_dimension_numbers<[1], [0], [0], [1], [0, 0, 1, 1], [], []>, transpose_lhs_hint = false} : vector<256x256xf32>, vector<256x8xf32>, vector<256x8xf32> -> vector<256x8xf32>
    %get3A_199 = arith.constant 0 : index
    %get3A_200 = arith.constant 1536 : index
    %get3A_201 = vector.load %arg4[%get3A_199, %get3A_200] : memref<256x5120xf32, #tpu.memory_space<vmem>>, vector<256x256xf32>
    %mul3A_202 = arith.mulf %mul3A_180, %get3A_201 : vector<256x256xf32>
    %dot_general3A_203 = arith.constant dense<0.000000e+00> : vector<256x8xf32>
    %dot_general3A_204 = tpu.matmul %mul3A_202, %get3A_1, %dot_general3A_203 {dimension_numbers = #tpu.dot_dimension_numbers<[1], [0], [0], [1], [0, 0, 1, 1], [], []>, transpose_lhs_hint = false} : vector<256x256xf32>, vector<256x8xf32>, vector<256x8xf32> -> vector<256x8xf32>
    %get3A_205 = arith.constant 0 : index
    %get3A_206 = arith.constant 2048 : index
    %get3A_207 = vector.load %arg4[%get3A_205, %get3A_206] : memref<256x5120xf32, #tpu.memory_space<vmem>>, vector<256x256xf32>
    %mul3A_208 = arith.mulf %mul3A_180, %get3A_207 : vector<256x256xf32>
    %dot_general3A_209 = arith.constant dense<0.000000e+00> : vector<256x8xf32>
    %dot_general3A_210 = tpu.matmul %mul3A_208, %get3A_1, %dot_general3A_209 {dimension_numbers = #tpu.dot_dimension_numbers<[1], [0], [0], [1], [0, 0, 1, 1], [], []>, transpose_lhs_hint = false} : vector<256x256xf32>, vector<256x8xf32>, vector<256x8xf32> -> vector<256x8xf32>
    %get3A_211 = arith.constant 0 : index
    %get3A_212 = arith.constant 2560 : index
    %get3A_213 = vector.load %arg4[%get3A_211, %get3A_212] : memref<256x5120xf32, #tpu.memory_space<vmem>>, vector<256x256xf32>
    %mul3A_214 = arith.mulf %mul3A_180, %get3A_213 : vector<256x256xf32>
    %dot_general3A_215 = arith.constant dense<0.000000e+00> : vector<256x8xf32>
    %dot_general3A_216 = tpu.matmul %mul3A_214, %get3A_1, %dot_general3A_215 {dimension_numbers = #tpu.dot_dimension_numbers<[1], [0], [0], [1], [0, 0, 1, 1], [], []>, transpose_lhs_hint = false} : vector<256x256xf32>, vector<256x8xf32>, vector<256x8xf32> -> vector<256x8xf32>
    %get3A_217 = arith.constant 0 : index
    %get3A_218 = arith.constant 3072 : index
    %get3A_219 = vector.load %arg4[%get3A_217, %get3A_218] : memref<256x5120xf32, #tpu.memory_space<vmem>>, vector<256x256xf32>
    %mul3A_220 = arith.mulf %mul3A_180, %get3A_219 : vector<256x256xf32>
    %dot_general3A_221 = arith.constant dense<0.000000e+00> : vector<256x8xf32>
    %dot_general3A_222 = tpu.matmul %mul3A_220, %get3A_1, %dot_general3A_221 {dimension_numbers = #tpu.dot_dimension_numbers<[1], [0], [0], [1], [0, 0, 1, 1], [], []>, transpose_lhs_hint = false} : vector<256x256xf32>, vector<256x8xf32>, vector<256x8xf32> -> vector<256x8xf32>
    %get3A_223 = arith.constant 0 : index
    %get3A_224 = arith.constant 3584 : index
    %get3A_225 = vector.load %arg4[%get3A_223, %get3A_224] : memref<256x5120xf32, #tpu.memory_space<vmem>>, vector<256x256xf32>
    %mul3A_226 = arith.mulf %mul3A_180, %get3A_225 : vector<256x256xf32>
    %dot_general3A_227 = arith.constant dense<0.000000e+00> : vector<256x8xf32>
    %dot_general3A_228 = tpu.matmul %mul3A_226, %get3A_1, %dot_general3A_227 {dimension_numbers = #tpu.dot_dimension_numbers<[1], [0], [0], [1], [0, 0, 1, 1], [], []>, transpose_lhs_hint = false} : vector<256x256xf32>, vector<256x8xf32>, vector<256x8xf32> -> vector<256x8xf32>
    %get3A_229 = arith.constant 0 : index
    %get3A_230 = arith.constant 4096 : index
    %get3A_231 = vector.load %arg4[%get3A_229, %get3A_230] : memref<256x5120xf32, #tpu.memory_space<vmem>>, vector<256x256xf32>
    %mul3A_232 = arith.mulf %mul3A_180, %get3A_231 : vector<256x256xf32>
    %dot_general3A_233 = arith.constant dense<0.000000e+00> : vector<256x8xf32>
    %dot_general3A_234 = tpu.matmul %mul3A_232, %get3A_1, %dot_general3A_233 {dimension_numbers = #tpu.dot_dimension_numbers<[1], [0], [0], [1], [0, 0, 1, 1], [], []>, transpose_lhs_hint = false} : vector<256x256xf32>, vector<256x8xf32>, vector<256x8xf32> -> vector<256x8xf32>
    %get3A_235 = arith.constant 0 : index
    %get3A_236 = arith.constant 4608 : index
    %get3A_237 = vector.load %arg4[%get3A_235, %get3A_236] : memref<256x5120xf32, #tpu.memory_space<vmem>>, vector<256x256xf32>
    %mul3A_238 = arith.mulf %mul3A_180, %get3A_237 : vector<256x256xf32>
    %dot_general3A_239 = arith.constant dense<0.000000e+00> : vector<256x8xf32>
    %dot_general3A_240 = tpu.matmul %mul3A_238, %get3A_1, %dot_general3A_239 {dimension_numbers = #tpu.dot_dimension_numbers<[1], [0], [0], [1], [0, 0, 1, 1], [], []>, transpose_lhs_hint = false} : vector<256x256xf32>, vector<256x8xf32>, vector<256x8xf32> -> vector<256x8xf32>
    %max3A_241 = arith.maximumf %dot_general3A_186, %dot_general3A_192 : vector<256x8xf32>
    %max3A_242 = arith.maximumf %max3A_241, %dot_general3A_198 : vector<256x8xf32>
    %max3A_243 = arith.maximumf %max3A_242, %dot_general3A_204 : vector<256x8xf32>
    %max3A_244 = arith.maximumf %max3A_243, %dot_general3A_210 : vector<256x8xf32>
    %max3A_245 = arith.maximumf %max3A_244, %dot_general3A_216 : vector<256x8xf32>
    %max3A_246 = arith.maximumf %max3A_245, %dot_general3A_222 : vector<256x8xf32>
    %max3A_247 = arith.maximumf %max3A_246, %dot_general3A_228 : vector<256x8xf32>
    %max3A_248 = arith.maximumf %max3A_247, %dot_general3A_234 : vector<256x8xf32>
    %max3A_249 = arith.maximumf %max3A_248, %dot_general3A_240 : vector<256x8xf32>
    %sub3A_250 = arith.subf %dot_general3A_186, %max3A_249 : vector<256x8xf32>
    %exp3A_251 = math.exp %sub3A_250 : vector<256x8xf32>
    %sub3A_252 = arith.subf %dot_general3A_192, %max3A_249 : vector<256x8xf32>
    %exp3A_253 = math.exp %sub3A_252 : vector<256x8xf32>
    %sub3A_254 = arith.subf %dot_general3A_198, %max3A_249 : vector<256x8xf32>
    %exp3A_255 = math.exp %sub3A_254 : vector<256x8xf32>
    %sub3A_256 = arith.subf %dot_general3A_204, %max3A_249 : vector<256x8xf32>
    %exp3A_257 = math.exp %sub3A_256 : vector<256x8xf32>
    %sub3A_258 = arith.subf %dot_general3A_210, %max3A_249 : vector<256x8xf32>
    %exp3A_259 = math.exp %sub3A_258 : vector<256x8xf32>
    %sub3A_260 = arith.subf %dot_general3A_216, %max3A_249 : vector<256x8xf32>
    %exp3A_261 = math.exp %sub3A_260 : vector<256x8xf32>
    %sub3A_262 = arith.subf %dot_general3A_222, %max3A_249 : vector<256x8xf32>
    %exp3A_263 = math.exp %sub3A_262 : vector<256x8xf32>
    %sub3A_264 = arith.subf %dot_general3A_228, %max3A_249 : vector<256x8xf32>
    %exp3A_265 = math.exp %sub3A_264 : vector<256x8xf32>
    %sub3A_266 = arith.subf %dot_general3A_234, %max3A_249 : vector<256x8xf32>
    %exp3A_267 = math.exp %sub3A_266 : vector<256x8xf32>
    %sub3A_268 = arith.subf %dot_general3A_240, %max3A_249 : vector<256x8xf32>
    %exp3A_269 = math.exp %sub3A_268 : vector<256x8xf32>
    %add3A_270 = arith.addf %exp3A_251, %exp3A_253 : vector<256x8xf32>
    %add3A_271 = arith.addf %add3A_270, %exp3A_255 : vector<256x8xf32>
    %add3A_272 = arith.addf %add3A_271, %exp3A_257 : vector<256x8xf32>
    %add3A_273 = arith.addf %add3A_272, %exp3A_259 : vector<256x8xf32>
    %add3A_274 = arith.addf %add3A_273, %exp3A_261 : vector<256x8xf32>
    %add3A_275 = arith.addf %add3A_274, %exp3A_263 : vector<256x8xf32>
    %add3A_276 = arith.addf %add3A_275, %exp3A_265 : vector<256x8xf32>
    %add3A_277 = arith.addf %add3A_276, %exp3A_267 : vector<256x8xf32>
    %add3A_278 = arith.addf %add3A_277, %exp3A_269 : vector<256x8xf32>
    %div3A_279 = arith.constant 1.000000e+00 : f32
    %div3A_280 = vector.broadcast %div3A_279 : f32 to vector<256x8xf32>
    %div3A_281 = arith.divf %div3A_280, %add3A_278 : vector<256x8xf32>
    %mul3A_282 = arith.mulf %exp3A_251, %div3A_281 : vector<256x8xf32>
    %mul3A_283 = arith.mulf %exp3A_253, %div3A_281 : vector<256x8xf32>
    %mul3A_284 = arith.mulf %exp3A_255, %div3A_281 : vector<256x8xf32>
    %mul3A_285 = arith.mulf %exp3A_257, %div3A_281 : vector<256x8xf32>
    %mul3A_286 = arith.mulf %exp3A_259, %div3A_281 : vector<256x8xf32>
    %mul3A_287 = arith.mulf %exp3A_261, %div3A_281 : vector<256x8xf32>
    %mul3A_288 = arith.mulf %exp3A_263, %div3A_281 : vector<256x8xf32>
    %mul3A_289 = arith.mulf %exp3A_265, %div3A_281 : vector<256x8xf32>
    %mul3A_290 = arith.mulf %exp3A_267, %div3A_281 : vector<256x8xf32>
    %mul3A_291 = arith.mulf %exp3A_269, %div3A_281 : vector<256x8xf32>
    %concatenate3A_292 = tpu.concatenate %mul3A_282, %mul3A_283, %mul3A_284, %mul3A_285, %mul3A_286, %mul3A_287, %mul3A_288, %mul3A_289, %mul3A_290, %mul3A_291 in 1 : vector<256x8xf32>, vector<256x8xf32>, vector<256x8xf32>, vector<256x8xf32>, vector<256x8xf32>, vector<256x8xf32>, vector<256x8xf32>, vector<256x8xf32>, vector<256x8xf32>, vector<256x8xf32> -> vector<256x80xf32>
    %dot_general3A_293 = arith.constant dense<0.000000e+00> : vector<256x2560xf32>
    %dot_general3A_294 = tpu.matmul %concatenate3A_292, %get3A_4, %dot_general3A_293 {dimension_numbers = #tpu.dot_dimension_numbers<[1], [0], [0], [1], [0, 0, 1, 1], [], []>, transpose_lhs_hint = false} : vector<256x80xf32>, vector<80x2560xf32>, vector<256x2560xf32> -> vector<256x2560xf32>
    %slice3A_295 = vector.extract_strided_slice %dot_general3A_294 {offsets = [0, 0], sizes = [256, 256], strides = [1, 1]} : vector<256x2560xf32> to vector<256x256xf32>
    %get3A_296 = arith.constant 0 : index
    %get3A_297 = arith.constant 256 : index
    %get3A_298 = vector.load %arg4[%get3A_296, %get3A_297] : memref<256x5120xf32, #tpu.memory_space<vmem>>, vector<256x256xf32>
    %mul3A_299 = arith.mulf %slice3A_295, %get3A_298 : vector<256x256xf32>
    %slice3A_300 = vector.extract_strided_slice %dot_general3A_294 {offsets = [0, 256], sizes = [256, 256], strides = [1, 1]} : vector<256x2560xf32> to vector<256x256xf32>
    %get3A_301 = arith.constant 0 : index
    %get3A_302 = arith.constant 768 : index
    %get3A_303 = vector.load %arg4[%get3A_301, %get3A_302] : memref<256x5120xf32, #tpu.memory_space<vmem>>, vector<256x256xf32>
    %mul3A_304 = arith.mulf %slice3A_300, %get3A_303 : vector<256x256xf32>
    %add3A_305 = arith.addf %mul3A_299, %mul3A_304 : vector<256x256xf32>
    %slice3A_306 = vector.extract_strided_slice %dot_general3A_294 {offsets = [0, 512], sizes = [256, 256], strides = [1, 1]} : vector<256x2560xf32> to vector<256x256xf32>
    %get3A_307 = arith.constant 0 : index
    %get3A_308 = arith.constant 1280 : index
    %get3A_309 = vector.load %arg4[%get3A_307, %get3A_308] : memref<256x5120xf32, #tpu.memory_space<vmem>>, vector<256x256xf32>
    %mul3A_310 = arith.mulf %slice3A_306, %get3A_309 : vector<256x256xf32>
    %add3A_311 = arith.addf %add3A_305, %mul3A_310 : vector<256x256xf32>
    %slice3A_312 = vector.extract_strided_slice %dot_general3A_294 {offsets = [0, 768], sizes = [256, 256], strides = [1, 1]} : vector<256x2560xf32> to vector<256x256xf32>
    %get3A_313 = arith.constant 0 : index
    %get3A_314 = arith.constant 1792 : index
    %get3A_315 = vector.load %arg4[%get3A_313, %get3A_314] : memref<256x5120xf32, #tpu.memory_space<vmem>>, vector<256x256xf32>
    %mul3A_316 = arith.mulf %slice3A_312, %get3A_315 : vector<256x256xf32>
    %add3A_317 = arith.addf %add3A_311, %mul3A_316 : vector<256x256xf32>
    %slice3A_318 = vector.extract_strided_slice %dot_general3A_294 {offsets = [0, 1024], sizes = [256, 256], strides = [1, 1]} : vector<256x2560xf32> to vector<256x256xf32>
    %get3A_319 = arith.constant 0 : index
    %get3A_320 = arith.constant 2304 : index
    %get3A_321 = vector.load %arg4[%get3A_319, %get3A_320] : memref<256x5120xf32, #tpu.memory_space<vmem>>, vector<256x256xf32>
    %mul3A_322 = arith.mulf %slice3A_318, %get3A_321 : vector<256x256xf32>
    %add3A_323 = arith.addf %add3A_317, %mul3A_322 : vector<256x256xf32>
    %slice3A_324 = vector.extract_strided_slice %dot_general3A_294 {offsets = [0, 1280], sizes = [256, 256], strides = [1, 1]} : vector<256x2560xf32> to vector<256x256xf32>
    %get3A_325 = arith.constant 0 : index
    %get3A_326 = arith.constant 2816 : index
    %get3A_327 = vector.load %arg4[%get3A_325, %get3A_326] : memref<256x5120xf32, #tpu.memory_space<vmem>>, vector<256x256xf32>
    %mul3A_328 = arith.mulf %slice3A_324, %get3A_327 : vector<256x256xf32>
    %add3A_329 = arith.addf %add3A_323, %mul3A_328 : vector<256x256xf32>
    %slice3A_330 = vector.extract_strided_slice %dot_general3A_294 {offsets = [0, 1536], sizes = [256, 256], strides = [1, 1]} : vector<256x2560xf32> to vector<256x256xf32>
    %get3A_331 = arith.constant 0 : index
    %get3A_332 = arith.constant 3328 : index
    %get3A_333 = vector.load %arg4[%get3A_331, %get3A_332] : memref<256x5120xf32, #tpu.memory_space<vmem>>, vector<256x256xf32>
    %mul3A_334 = arith.mulf %slice3A_330, %get3A_333 : vector<256x256xf32>
    %add3A_335 = arith.addf %add3A_329, %mul3A_334 : vector<256x256xf32>
    %slice3A_336 = vector.extract_strided_slice %dot_general3A_294 {offsets = [0, 1792], sizes = [256, 256], strides = [1, 1]} : vector<256x2560xf32> to vector<256x256xf32>
    %get3A_337 = arith.constant 0 : index
    %get3A_338 = arith.constant 3840 : index
    %get3A_339 = vector.load %arg4[%get3A_337, %get3A_338] : memref<256x5120xf32, #tpu.memory_space<vmem>>, vector<256x256xf32>
    %mul3A_340 = arith.mulf %slice3A_336, %get3A_339 : vector<256x256xf32>
    %add3A_341 = arith.addf %add3A_335, %mul3A_340 : vector<256x256xf32>
    %slice3A_342 = vector.extract_strided_slice %dot_general3A_294 {offsets = [0, 2048], sizes = [256, 256], strides = [1, 1]} : vector<256x2560xf32> to vector<256x256xf32>
    %get3A_343 = arith.constant 0 : index
    %get3A_344 = arith.constant 4352 : index
    %get3A_345 = vector.load %arg4[%get3A_343, %get3A_344] : memref<256x5120xf32, #tpu.memory_space<vmem>>, vector<256x256xf32>
    %mul3A_346 = arith.mulf %slice3A_342, %get3A_345 : vector<256x256xf32>
    %add3A_347 = arith.addf %add3A_341, %mul3A_346 : vector<256x256xf32>
    %slice3A_348 = vector.extract_strided_slice %dot_general3A_294 {offsets = [0, 2304], sizes = [256, 256], strides = [1, 1]} : vector<256x2560xf32> to vector<256x256xf32>
    %get3A_349 = arith.constant 0 : index
    %get3A_350 = arith.constant 4864 : index
    %get3A_351 = vector.load %arg4[%get3A_349, %get3A_350] : memref<256x5120xf32, #tpu.memory_space<vmem>>, vector<256x256xf32>
    %mul3A_352 = arith.mulf %slice3A_348, %get3A_351 : vector<256x256xf32>
    %add3A_353 = arith.addf %add3A_347, %mul3A_352 : vector<256x256xf32>
    %get3A_354 = arith.constant 0 : index
    %get3A_355 = arith.constant 0 : index
    %get3A_356 = vector.load %arg12[%get3A_354, %get3A_355] : memref<1x4xf32, #tpu.memory_space<vmem>>, vector<1x1xf32>
    %get3A_357 = vector.extract %get3A_356[0, 0] : f32 from vector<1x1xf32>
    %get3A_358 = arith.constant 0 : index
    %get3A_359 = arith.constant 1 : index
    %get3A_360 = vector.load %arg12[%get3A_358, %get3A_359] : memref<1x4xf32, #tpu.memory_space<vmem>>, vector<1x1xf32>
    %get3A_361 = vector.extract %get3A_360[0, 0] : f32 from vector<1x1xf32>
    %get3A_362 = arith.constant 0 : index
    %get3A_363 = arith.constant 2 : index
    %get3A_364 = vector.load %arg12[%get3A_362, %get3A_363] : memref<1x4xf32, #tpu.memory_space<vmem>>, vector<1x1xf32>
    %get3A_365 = vector.extract %get3A_364[0, 0] : f32 from vector<1x1xf32>
    %get3A_366 = arith.constant 0 : index
    %get3A_367 = arith.constant 3 : index
    %get3A_368 = vector.load %arg12[%get3A_366, %get3A_367] : memref<1x4xf32, #tpu.memory_space<vmem>>, vector<1x1xf32>
    %get3A_369 = vector.extract %get3A_368[0, 0] : f32 from vector<1x1xf32>
    %get3A_370 = arith.constant 0 : index
    %get3A_371 = arith.constant 0 : index
    %get3A_372 = vector.load %arg10[%get3A_370, %get3A_371] : memref<256x256xf32, #tpu.memory_space<vmem>>, vector<256x256xf32>
    %dot_general3A_373 = arith.constant dense<0.000000e+00> : vector<256x256xf32>
    %dot_general3A_374 = tpu.matmul %add3A_174, %get3A_372, %dot_general3A_373 {dimension_numbers = #tpu.dot_dimension_numbers<[1], [0], [0], [1], [0, 0, 1, 1], [], []>, transpose_lhs_hint = false} : vector<256x256xf32>, vector<256x256xf32>, vector<256x256xf32> -> vector<256x256xf32>
    %get3A_375 = arith.constant 0 : index
    %get3A_376 = arith.constant 0 : index
    %get3A_377 = vector.load %arg11[%get3A_375, %get3A_376] : memref<1x256xf32, #tpu.memory_space<vmem>>, vector<1x256xf32>
    %add3A_378 = vector.broadcast %get3A_377 : vector<1x256xf32> to vector<256x256xf32>
    %add3A_379 = arith.addf %dot_general3A_374, %add3A_378 : vector<256x256xf32>
    %get3A_380 = arith.constant 0 : index
    %get3A_381 = arith.constant 0 : index
    %get3A_382 = vector.load %arg5[%get3A_380, %get3A_381] : memref<256x256xf32, #tpu.memory_space<vmem>>, vector<256x256xf32>
    %mul3A_383 = vector.broadcast %get3A_357 : f32 to vector<256x256xf32>
    %mul3A_384 = arith.mulf %mul3A_383, %get3A_382 : vector<256x256xf32>
    %mul3A_385 = vector.broadcast %get3A_361 : f32 to vector<256x256xf32>
    %mul3A_386 = arith.mulf %mul3A_385, %add3A_379 : vector<256x256xf32>
    %add3A_387 = arith.addf %mul3A_384, %mul3A_386 : vector<256x256xf32>
    %get3A_388 = arith.constant 0 : index
    %get3A_389 = arith.constant 0 : index
    %get3A_390 = vector.load %arg13[%get3A_388, %get3A_389] : memref<1x256xf32, #tpu.memory_space<vmem>>, vector<1x256xf32>
    %get3A_391 = arith.constant 0 : index
    %get3A_392 = arith.constant 0 : index
    %get3A_393 = vector.load %arg14[%get3A_391, %get3A_392] : memref<1x256xf32, #tpu.memory_space<vmem>>, vector<1x256xf32>
    %reduce_sum3A = arith.constant dense<0.000000e+00> : vector<256xf32>
    %reduce_sum3A_394 = vector.multi_reduction <add>, %add3A_387, %reduce_sum3A [1] : vector<256x256xf32> to vector<256xf32>
    %broadcast_in_dim3A = vector.shape_cast %reduce_sum3A_394 : vector<256xf32> to vector<256x1xf32>
    %div3A_395 = arith.constant 2.560000e+02 : f32
    %div3A_396 = vector.broadcast %div3A_395 : f32 to vector<256x1xf32>
    %div3A_397 = arith.divf %broadcast_in_dim3A, %div3A_396 : vector<256x1xf32>
    %sub3A_398 = vector.broadcast %div3A_397 : vector<256x1xf32> to vector<256x256xf32>
    %sub3A_399 = arith.subf %add3A_387, %sub3A_398 : vector<256x256xf32>
    %integer_pow3A = arith.mulf %sub3A_399, %sub3A_399 : vector<256x256xf32>
    %reduce_sum3A_400 = arith.constant dense<0.000000e+00> : vector<256xf32>
    %reduce_sum3A_401 = vector.multi_reduction <add>, %integer_pow3A, %reduce_sum3A_400 [1] : vector<256x256xf32> to vector<256xf32>
    %broadcast_in_dim3A_402 = vector.shape_cast %reduce_sum3A_401 : vector<256xf32> to vector<256x1xf32>
    %div3A_403 = arith.constant 2.560000e+02 : f32
    %div3A_404 = vector.broadcast %div3A_403 : f32 to vector<256x1xf32>
    %div3A_405 = arith.divf %broadcast_in_dim3A_402, %div3A_404 : vector<256x1xf32>
    %sub3A_406 = vector.broadcast %div3A_397 : vector<256x1xf32> to vector<256x256xf32>
    %sub3A_407 = arith.subf %add3A_387, %sub3A_406 : vector<256x256xf32>
    %add3A_408 = arith.constant 9.99999974E-6 : f32
    %add3A_409 = vector.broadcast %add3A_408 : f32 to vector<256x1xf32>
    %add3A_410 = arith.addf %div3A_405, %add3A_409 : vector<256x1xf32>
    %sqrt3A = math.sqrt %add3A_410 : vector<256x1xf32>
    %div3A_411 = vector.broadcast %sqrt3A : vector<256x1xf32> to vector<256x256xf32>
    %div3A_412 = arith.divf %sub3A_407, %div3A_411 : vector<256x256xf32>
    %mul3A_413 = vector.broadcast %get3A_390 : vector<1x256xf32> to vector<256x256xf32>
    %mul3A_414 = arith.mulf %div3A_412, %mul3A_413 : vector<256x256xf32>
    %add3A_415 = vector.broadcast %get3A_393 : vector<1x256xf32> to vector<256x256xf32>
    %add3A_416 = arith.addf %mul3A_414, %add3A_415 : vector<256x256xf32>
    %get3A_417 = arith.constant 0 : index
    %get3A_418 = arith.constant 0 : index
    %get3A_419 = vector.load %arg10[%get3A_417, %get3A_418] : memref<256x256xf32, #tpu.memory_space<vmem>>, vector<256x256xf32>
    %dot_general3A_420 = arith.constant dense<0.000000e+00> : vector<256x256xf32>
    %dot_general3A_421 = tpu.matmul %add3A_353, %get3A_419, %dot_general3A_420 {dimension_numbers = #tpu.dot_dimension_numbers<[1], [0], [0], [1], [0, 0, 1, 1], [], []>, transpose_lhs_hint = false} : vector<256x256xf32>, vector<256x256xf32>, vector<256x256xf32> -> vector<256x256xf32>
    %get3A_422 = arith.constant 0 : index
    %get3A_423 = arith.constant 0 : index
    %get3A_424 = vector.load %arg11[%get3A_422, %get3A_423] : memref<1x256xf32, #tpu.memory_space<vmem>>, vector<1x256xf32>
    %add3A_425 = vector.broadcast %get3A_424 : vector<1x256xf32> to vector<256x256xf32>
    %add3A_426 = arith.addf %dot_general3A_421, %add3A_425 : vector<256x256xf32>
    %get3A_427 = arith.constant 0 : index
    %get3A_428 = arith.constant 0 : index
    %get3A_429 = vector.load %arg6[%get3A_427, %get3A_428] : memref<256x256xf32, #tpu.memory_space<vmem>>, vector<256x256xf32>
    %mul3A_430 = vector.broadcast %get3A_365 : f32 to vector<256x256xf32>
    %mul3A_431 = arith.mulf %mul3A_430, %get3A_429 : vector<256x256xf32>
    %mul3A_432 = vector.broadcast %get3A_369 : f32 to vector<256x256xf32>
    %mul3A_433 = arith.mulf %mul3A_432, %add3A_426 : vector<256x256xf32>
    %add3A_434 = arith.addf %mul3A_431, %mul3A_433 : vector<256x256xf32>
    %get3A_435 = arith.constant 0 : index
    %get3A_436 = arith.constant 0 : index
    %get3A_437 = vector.load %arg15[%get3A_435, %get3A_436] : memref<1x256xf32, #tpu.memory_space<vmem>>, vector<1x256xf32>
    %get3A_438 = arith.constant 0 : index
    %get3A_439 = arith.constant 0 : index
    %get3A_440 = vector.load %arg16[%get3A_438, %get3A_439] : memref<1x256xf32, #tpu.memory_space<vmem>>, vector<1x256xf32>
    %reduce_sum3A_441 = arith.constant dense<0.000000e+00> : vector<256xf32>
    %reduce_sum3A_442 = vector.multi_reduction <add>, %add3A_434, %reduce_sum3A_441 [1] : vector<256x256xf32> to vector<256xf32>
    %broadcast_in_dim3A_443 = vector.shape_cast %reduce_sum3A_442 : vector<256xf32> to vector<256x1xf32>
    %div3A_444 = arith.constant 2.560000e+02 : f32
    %div3A_445 = vector.broadcast %div3A_444 : f32 to vector<256x1xf32>
    %div3A_446 = arith.divf %broadcast_in_dim3A_443, %div3A_445 : vector<256x1xf32>
    %sub3A_447 = vector.broadcast %div3A_446 : vector<256x1xf32> to vector<256x256xf32>
    %sub3A_448 = arith.subf %add3A_434, %sub3A_447 : vector<256x256xf32>
    %integer_pow3A_449 = arith.mulf %sub3A_448, %sub3A_448 : vector<256x256xf32>
    %reduce_sum3A_450 = arith.constant dense<0.000000e+00> : vector<256xf32>
    %reduce_sum3A_451 = vector.multi_reduction <add>, %integer_pow3A_449, %reduce_sum3A_450 [1] : vector<256x256xf32> to vector<256xf32>
    %broadcast_in_dim3A_452 = vector.shape_cast %reduce_sum3A_451 : vector<256xf32> to vector<256x1xf32>
    %div3A_453 = arith.constant 2.560000e+02 : f32
    %div3A_454 = vector.broadcast %div3A_453 : f32 to vector<256x1xf32>
    %div3A_455 = arith.divf %broadcast_in_dim3A_452, %div3A_454 : vector<256x1xf32>
    %sub3A_456 = vector.broadcast %div3A_446 : vector<256x1xf32> to vector<256x256xf32>
    %sub3A_457 = arith.subf %add3A_434, %sub3A_456 : vector<256x256xf32>
    %add3A_458 = arith.constant 9.99999974E-6 : f32
    %add3A_459 = vector.broadcast %add3A_458 : f32 to vector<256x1xf32>
    %add3A_460 = arith.addf %div3A_455, %add3A_459 : vector<256x1xf32>
    %sqrt3A_461 = math.sqrt %add3A_460 : vector<256x1xf32>
    %div3A_462 = vector.broadcast %sqrt3A_461 : vector<256x1xf32> to vector<256x256xf32>
    %div3A_463 = arith.divf %sub3A_457, %div3A_462 : vector<256x256xf32>
    %mul3A_464 = vector.broadcast %get3A_437 : vector<1x256xf32> to vector<256x256xf32>
    %mul3A_465 = arith.mulf %div3A_463, %mul3A_464 : vector<256x256xf32>
    %add3A_466 = vector.broadcast %get3A_440 : vector<1x256xf32> to vector<256x256xf32>
    %add3A_467 = arith.addf %mul3A_465, %add3A_466 : vector<256x256xf32>
    %get3A_468 = arith.constant 0 : index
    %get3A_469 = arith.constant 0 : index
    %get3A_470 = vector.load %arg17[%get3A_468, %get3A_469] : memref<768x512xf32, #tpu.memory_space<vmem>>, vector<256x512xf32>
    %dot_general3A_471 = arith.constant dense<0.000000e+00> : vector<256x512xf32>
    %dot_general3A_472 = tpu.matmul %add3A_416, %get3A_470, %dot_general3A_471 {dimension_numbers = #tpu.dot_dimension_numbers<[1], [0], [0], [1], [0, 0, 1, 1], [], []>, transpose_lhs_hint = false} : vector<256x256xf32>, vector<256x512xf32>, vector<256x512xf32> -> vector<256x512xf32>
    %get3A_473 = arith.constant 256 : index
    %get3A_474 = arith.constant 0 : index
    %get3A_475 = vector.load %arg17[%get3A_473, %get3A_474] : memref<768x512xf32, #tpu.memory_space<vmem>>, vector<256x512xf32>
    %dot_general3A_476 = arith.constant dense<0.000000e+00> : vector<256x512xf32>
    %dot_general3A_477 = tpu.matmul %add3A_467, %get3A_475, %dot_general3A_476 {dimension_numbers = #tpu.dot_dimension_numbers<[1], [0], [0], [1], [0, 0, 1, 1], [], []>, transpose_lhs_hint = false} : vector<256x256xf32>, vector<256x512xf32>, vector<256x512xf32> -> vector<256x512xf32>
    %add3A_478 = arith.addf %dot_general3A_472, %dot_general3A_477 : vector<256x512xf32>
    %get3A_479 = arith.constant 0 : index
    %get3A_480 = arith.constant 0 : index
    %get3A_481 = vector.load %arg7[%get3A_479, %get3A_480] : memref<256x256xf32, #tpu.memory_space<vmem>>, vector<256x256xf32>
    %get3A_482 = arith.constant 512 : index
    %get3A_483 = arith.constant 0 : index
    %get3A_484 = vector.load %arg17[%get3A_482, %get3A_483] : memref<768x512xf32, #tpu.memory_space<vmem>>, vector<256x512xf32>
    %dot_general3A_485 = arith.constant dense<0.000000e+00> : vector<256x512xf32>
    %dot_general3A_486 = tpu.matmul %get3A_481, %get3A_484, %dot_general3A_485 {dimension_numbers = #tpu.dot_dimension_numbers<[1], [0], [0], [1], [0, 0, 1, 1], [], []>, transpose_lhs_hint = false} : vector<256x256xf32>, vector<256x512xf32>, vector<256x512xf32> -> vector<256x512xf32>
    %add3A_487 = arith.addf %add3A_478, %dot_general3A_486 : vector<256x512xf32>
    %get3A_488 = arith.constant 0 : index
    %get3A_489 = arith.constant 0 : index
    %get3A_490 = vector.load %arg18[%get3A_488, %get3A_489] : memref<1x512xf32, #tpu.memory_space<vmem>>, vector<1x512xf32>
    %add3A_491 = vector.broadcast %get3A_490 : vector<1x512xf32> to vector<256x512xf32>
    %add3A_492 = arith.addf %add3A_487, %add3A_491 : vector<256x512xf32>
    %get3A_493 = arith.constant 0 : index
    %get3A_494 = arith.constant 0 : index
    %get3A_495 = vector.load %arg19[%get3A_493, %get3A_494] : memref<1x512xf32, #tpu.memory_space<vmem>>, vector<1x512xf32>
    %get3A_496 = arith.constant 0 : index
    %get3A_497 = arith.constant 0 : index
    %get3A_498 = vector.load %arg20[%get3A_496, %get3A_497] : memref<1x512xf32, #tpu.memory_space<vmem>>, vector<1x512xf32>
    %reduce_sum3A_499 = arith.constant dense<0.000000e+00> : vector<256xf32>
    %reduce_sum3A_500 = vector.multi_reduction <add>, %add3A_492, %reduce_sum3A_499 [1] : vector<256x512xf32> to vector<256xf32>
    %broadcast_in_dim3A_501 = vector.shape_cast %reduce_sum3A_500 : vector<256xf32> to vector<256x1xf32>
    %div3A_502 = arith.constant 5.120000e+02 : f32
    %div3A_503 = vector.broadcast %div3A_502 : f32 to vector<256x1xf32>
    %div3A_504 = arith.divf %broadcast_in_dim3A_501, %div3A_503 : vector<256x1xf32>
    %sub3A_505 = vector.broadcast %div3A_504 : vector<256x1xf32> to vector<256x512xf32>
    %sub3A_506 = arith.subf %add3A_492, %sub3A_505 : vector<256x512xf32>
    %integer_pow3A_507 = arith.mulf %sub3A_506, %sub3A_506 : vector<256x512xf32>
    %reduce_sum3A_508 = arith.constant dense<0.000000e+00> : vector<256xf32>
    %reduce_sum3A_509 = vector.multi_reduction <add>, %integer_pow3A_507, %reduce_sum3A_508 [1] : vector<256x512xf32> to vector<256xf32>
    %broadcast_in_dim3A_510 = vector.shape_cast %reduce_sum3A_509 : vector<256xf32> to vector<256x1xf32>
    %div3A_511 = arith.constant 5.120000e+02 : f32
    %div3A_512 = vector.broadcast %div3A_511 : f32 to vector<256x1xf32>
    %div3A_513 = arith.divf %broadcast_in_dim3A_510, %div3A_512 : vector<256x1xf32>
    %sub3A_514 = vector.broadcast %div3A_504 : vector<256x1xf32> to vector<256x512xf32>
    %sub3A_515 = arith.subf %add3A_492, %sub3A_514 : vector<256x512xf32>
    %add3A_516 = arith.constant 9.99999974E-6 : f32
    %add3A_517 = vector.broadcast %add3A_516 : f32 to vector<256x1xf32>
    %add3A_518 = arith.addf %div3A_513, %add3A_517 : vector<256x1xf32>
    %sqrt3A_519 = math.sqrt %add3A_518 : vector<256x1xf32>
    %div3A_520 = vector.broadcast %sqrt3A_519 : vector<256x1xf32> to vector<256x512xf32>
    %div3A_521 = arith.divf %sub3A_515, %div3A_520 : vector<256x512xf32>
    %mul3A_522 = vector.broadcast %get3A_495 : vector<1x512xf32> to vector<256x512xf32>
    %mul3A_523 = arith.mulf %div3A_521, %mul3A_522 : vector<256x512xf32>
    %add3A_524 = vector.broadcast %get3A_498 : vector<1x512xf32> to vector<256x512xf32>
    %add3A_525 = arith.addf %mul3A_523, %add3A_524 : vector<256x512xf32>
    %ge3A = arith.constant 0.000000e+00 : f32
    %ge3A_526 = vector.broadcast %ge3A : f32 to vector<256x512xf32>
    %ge3A_527 = arith.cmpf oge, %add3A_525, %ge3A_526 : vector<256x512xf32>
    %mul3A_528 = arith.constant 0.00999999977 : f32
    %mul3A_529 = vector.broadcast %mul3A_528 : f32 to vector<256x512xf32>
    %mul3A_530 = arith.mulf %mul3A_529, %add3A_525 : vector<256x512xf32>
    %select_n3A = arith.select %ge3A_527, %add3A_525, %mul3A_530 : vector<256x512xi1>, vector<256x512xf32>
    %get3A_531 = arith.constant 0 : index
    %get3A_532 = arith.constant 0 : index
    %get3A_533 = vector.load %arg21[%get3A_531, %get3A_532] : memref<512x256xf32, #tpu.memory_space<vmem>>, vector<512x256xf32>
    %dot_general3A_534 = arith.constant dense<0.000000e+00> : vector<256x256xf32>
    %dot_general3A_535 = tpu.matmul %select_n3A, %get3A_533, %dot_general3A_534 {dimension_numbers = #tpu.dot_dimension_numbers<[1], [0], [0], [1], [0, 0, 1, 1], [], []>, transpose_lhs_hint = false} : vector<256x512xf32>, vector<512x256xf32>, vector<256x256xf32> -> vector<256x256xf32>
    %get3A_536 = arith.constant 0 : index
    %get3A_537 = arith.constant 0 : index
    %get3A_538 = vector.load %arg22[%get3A_536, %get3A_537] : memref<1x256xf32, #tpu.memory_space<vmem>>, vector<1x256xf32>
    %add3A_539 = vector.broadcast %get3A_538 : vector<1x256xf32> to vector<256x256xf32>
    %add3A_540 = arith.addf %dot_general3A_535, %add3A_539 : vector<256x256xf32>
    %get3A_541 = arith.constant 0 : index
    %get3A_542 = arith.constant 0 : index
    %get3A_543 = vector.load %arg23[%get3A_541, %get3A_542] : memref<1x256xf32, #tpu.memory_space<vmem>>, vector<1x256xf32>
    %get3A_544 = arith.constant 0 : index
    %get3A_545 = arith.constant 0 : index
    %get3A_546 = vector.load %arg24[%get3A_544, %get3A_545] : memref<1x256xf32, #tpu.memory_space<vmem>>, vector<1x256xf32>
    %reduce_sum3A_547 = arith.constant dense<0.000000e+00> : vector<256xf32>
    %reduce_sum3A_548 = vector.multi_reduction <add>, %add3A_540, %reduce_sum3A_547 [1] : vector<256x256xf32> to vector<256xf32>
    %broadcast_in_dim3A_549 = vector.shape_cast %reduce_sum3A_548 : vector<256xf32> to vector<256x1xf32>
    %div3A_550 = arith.constant 2.560000e+02 : f32
    %div3A_551 = vector.broadcast %div3A_550 : f32 to vector<256x1xf32>
    %div3A_552 = arith.divf %broadcast_in_dim3A_549, %div3A_551 : vector<256x1xf32>
    %sub3A_553 = vector.broadcast %div3A_552 : vector<256x1xf32> to vector<256x256xf32>
    %sub3A_554 = arith.subf %add3A_540, %sub3A_553 : vector<256x256xf32>
    %integer_pow3A_555 = arith.mulf %sub3A_554, %sub3A_554 : vector<256x256xf32>
    %reduce_sum3A_556 = arith.constant dense<0.000000e+00> : vector<256xf32>
    %reduce_sum3A_557 = vector.multi_reduction <add>, %integer_pow3A_555, %reduce_sum3A_556 [1] : vector<256x256xf32> to vector<256xf32>
    %broadcast_in_dim3A_558 = vector.shape_cast %reduce_sum3A_557 : vector<256xf32> to vector<256x1xf32>
    %div3A_559 = arith.constant 2.560000e+02 : f32
    %div3A_560 = vector.broadcast %div3A_559 : f32 to vector<256x1xf32>
    %div3A_561 = arith.divf %broadcast_in_dim3A_558, %div3A_560 : vector<256x1xf32>
    %sub3A_562 = vector.broadcast %div3A_552 : vector<256x1xf32> to vector<256x256xf32>
    %sub3A_563 = arith.subf %add3A_540, %sub3A_562 : vector<256x256xf32>
    %add3A_564 = arith.constant 9.99999974E-6 : f32
    %add3A_565 = vector.broadcast %add3A_564 : f32 to vector<256x1xf32>
    %add3A_566 = arith.addf %div3A_561, %add3A_565 : vector<256x1xf32>
    %sqrt3A_567 = math.sqrt %add3A_566 : vector<256x1xf32>
    %div3A_568 = vector.broadcast %sqrt3A_567 : vector<256x1xf32> to vector<256x256xf32>
    %div3A_569 = arith.divf %sub3A_563, %div3A_568 : vector<256x256xf32>
    %mul3A_570 = vector.broadcast %get3A_543 : vector<1x256xf32> to vector<256x256xf32>
    %mul3A_571 = arith.mulf %div3A_569, %mul3A_570 : vector<256x256xf32>
    %add3A_572 = vector.broadcast %get3A_546 : vector<1x256xf32> to vector<256x256xf32>
    %add3A_573 = arith.addf %mul3A_571, %add3A_572 : vector<256x256xf32>
    %ge3A_574 = arith.constant 0.000000e+00 : f32
    %ge3A_575 = vector.broadcast %ge3A_574 : f32 to vector<256x256xf32>
    %ge3A_576 = arith.cmpf oge, %add3A_573, %ge3A_575 : vector<256x256xf32>
    %mul3A_577 = arith.constant 0.00999999977 : f32
    %mul3A_578 = vector.broadcast %mul3A_577 : f32 to vector<256x256xf32>
    %mul3A_579 = arith.mulf %mul3A_578, %add3A_573 : vector<256x256xf32>
    %select_n3A_580 = arith.select %ge3A_576, %add3A_573, %mul3A_579 : vector<256x256xi1>, vector<256x256xf32>
    %swap3A = arith.constant 0 : index
    %swap3A_581 = arith.constant 0 : index
    %swap3A_582 = vector.load %arg25[%swap3A, %swap3A_581] : memref<256x256xf32, #tpu.memory_space<vmem>>, vector<256x256xf32>
    tpu.vector_store %arg25[%swap3A, %swap3A_581], %select_n3A_580 {strides = array<i32>} : memref<256x256xf32, #tpu.memory_space<vmem>>, vector<256x256xf32>,
    return
  }
  func.func @transform_0(%arg0: i32) -> (i32, i32) {
    %add3A = arith.constant 0 : i32
    %add3A_0 = arith.addi %arg0, %add3A : i32
    %c0_i32 = arith.constant 0 : i32
    %c0_i32_1 = arith.constant 0 : i32
    return %add3A_0, %c0_i32 : i32, i32
  }
  func.func @transform_1(%arg0: i32) -> (i32, i32) {
    %add3A = arith.constant 0 : i32
    %add3A_0 = arith.addi %arg0, %add3A : i32
    %c0_i32 = arith.constant 0 : i32
    %c0_i32_1 = arith.constant 0 : i32
    return %add3A_0, %c0_i32 : i32, i32
  }
  func.func @transform_2(%arg0: i32) -> (i32, i32) {
    %c0_i32 = arith.constant 0 : i32
    %c0_i32_0 = arith.constant 0 : i32
    return %arg0, %c0_i32 : i32, i32
  }
  func.func @transform_3(%arg0: i32) -> (i32, i32) {
    %c0_i32 = arith.constant 0 : i32
    %c0_i32_0 = arith.constant 0 : i32
    return %arg0, %c0_i32 : i32, i32
  }
  func.func @transform_4(%arg0: i32) -> (i32, i32) {
    %add3A = arith.constant 0 : i32
    %add3A_0 = arith.addi %arg0, %add3A : i32
    %c0_i32 = arith.constant 0 : i32
    %c0_i32_1 = arith.constant 0 : i32
    return %add3A_0, %c0_i32 : i32, i32
  }
  func.func @transform_5(%arg0: i32) -> (i32, i32) {
    %add3A = arith.constant 0 : i32
    %add3A_0 = arith.addi %arg0, %add3A : i32
    %c0_i32 = arith.constant 0 : i32
    %c0_i32_1 = arith.constant 0 : i32
    return %add3A_0, %c0_i32 : i32, i32
  }
  func.func @transform_6(%arg0: i32) -> (i32, i32) {
    %add3A = arith.constant 0 : i32
    %add3A_0 = arith.addi %arg0, %add3A : i32
    %c0_i32 = arith.constant 0 : i32
    %c0_i32_1 = arith.constant 0 : i32
    return %add3A_0, %c0_i32 : i32, i32
  }
  func.func @transform_7(%arg0: i32) -> (i32, i32) {
    %c0_i32 = arith.constant 0 : i32
    %c0_i32_0 = arith.constant 0 : i32
    %c0_i32_1 = arith.constant 0 : i32
    return %c0_i32, %c0_i32_0 : i32, i32
  }
  func.func @transform_8(%arg0: i32) -> (i32, i32) {
    %c0_i32 = arith.constant 0 : i32
    %c0_i32_0 = arith.constant 0 : i32
    %c0_i32_1 = arith.constant 0 : i32
    return %c0_i32, %c0_i32_0 : i32, i32
  }
  func.func @transform_9(%arg0: i32) -> (i32, i32) {
    %c0_i32 = arith.constant 0 : i32
    %c0_i32_0 = arith.constant 0 : i32
    %c0_i32_1 = arith.constant 0 : i32
    return %c0_i32, %c0_i32_0 : i32, i32
  }
  func.func @transform_10(%arg0: i32) -> (i32, i32) {
    %c0_i32 = arith.constant 0 : i32
    %c0_i32_0 = arith.constant 0 : i32
    %c0_i32_1 = arith.constant 0 : i32
    return %c0_i32, %c0_i32_0 : i32, i32
  }
  func.func @transform_11(%arg0: i32) -> (i32, i32) {
    %c0_i32 = arith.constant 0 : i32
    %c0_i32_0 = arith.constant 0 : i32
    %c0_i32_1 = arith.constant 0 : i32
    return %c0_i32, %c0_i32_0 : i32, i32
  }
  func.func @transform_12(%arg0: i32) -> (i32, i32) {
    %c0_i32 = arith.constant 0 : i32
    %c0_i32_0 = arith.constant 0 : i32
    %c0_i32_1 = arith.constant 0 : i32
    return %c0_i32, %c0_i32_0 : i32, i32
  }
  func.func @transform_13(%arg0: i32) -> (i32, i32) {
    %c0_i32 = arith.constant 0 : i32
    %c0_i32_0 = arith.constant 0 : i32
    %c0_i32_1 = arith.constant 0 : i32
    return %c0_i32, %c0_i32_0 : i32, i32
  }
  func.func @transform_14(%arg0: i32) -> (i32, i32) {
    %c0_i32 = arith.constant 0 : i32
    %c0_i32_0 = arith.constant 0 : i32
    %c0_i32_1 = arith.constant 0 : i32
    return %c0_i32, %c0_i32_0 : i32, i32
  }
  func.func @transform_15(%arg0: i32) -> (i32, i32) {
    %c0_i32 = arith.constant 0 : i32
    %c0_i32_0 = arith.constant 0 : i32
    %c0_i32_1 = arith.constant 0 : i32
    return %c0_i32, %c0_i32_0 : i32, i32
  }
  func.func @transform_16(%arg0: i32) -> (i32, i32) {
    %c0_i32 = arith.constant 0 : i32
    %c0_i32_0 = arith.constant 0 : i32
    %c0_i32_1 = arith.constant 0 : i32
    return %c0_i32, %c0_i32_0 : i32, i32
  }
  func.func @transform_17(%arg0: i32) -> (i32, i32) {
    %c0_i32 = arith.constant 0 : i32
    %c0_i32_0 = arith.constant 0 : i32
    %c0_i32_1 = arith.constant 0 : i32
    return %c0_i32, %c0_i32_0 : i32, i32
  }
  func.func @transform_18(%arg0: i32) -> (i32, i32) {
    %c0_i32 = arith.constant 0 : i32
    %c0_i32_0 = arith.constant 0 : i32
    %c0_i32_1 = arith.constant 0 : i32
    return %c0_i32, %c0_i32_0 : i32, i32
  }
  func.func @transform_19(%arg0: i32) -> (i32, i32) {
    %c0_i32 = arith.constant 0 : i32
    %c0_i32_0 = arith.constant 0 : i32
    %c0_i32_1 = arith.constant 0 : i32
    return %c0_i32, %c0_i32_0 : i32, i32
  }
  func.func @transform_20(%arg0: i32) -> (i32, i32) {
    %c0_i32 = arith.constant 0 : i32
    %c0_i32_0 = arith.constant 0 : i32
    %c0_i32_1 = arith.constant 0 : i32
    return %c0_i32, %c0_i32_0 : i32, i32
  }
  func.func @transform_21(%arg0: i32) -> (i32, i32) {
    %c0_i32 = arith.constant 0 : i32
    %c0_i32_0 = arith.constant 0 : i32
    %c0_i32_1 = arith.constant 0 : i32
    return %c0_i32, %c0_i32_0 : i32, i32
  }
  func.func @transform_22(%arg0: i32) -> (i32, i32) {
    %c0_i32 = arith.constant 0 : i32
    %c0_i32_0 = arith.constant 0 : i32
    %c0_i32_1 = arith.constant 0 : i32
    return %c0_i32, %c0_i32_0 : i32, i32
  }
  func.func @transform_23(%arg0: i32) -> (i32, i32) {
    %c0_i32 = arith.constant 0 : i32
    %c0_i32_0 = arith.constant 0 : i32
    %c0_i32_1 = arith.constant 0 : i32
    return %c0_i32, %c0_i32_0 : i32, i32
  }
  func.func @transform_24(%arg0: i32) -> (i32, i32) {
    %c0_i32 = arith.constant 0 : i32
    %c0_i32_0 = arith.constant 0 : i32
    return %arg0, %c0_i32 : i32, i32
  }
}

</mosaic_0001>

<sc_bundles>
// kernel: kernel.5.cloned.1.call-start
scs
__scs_entry_jumppad:
0x0: {  	(pc) =	sbr.rel $0x88, $3  }
0x1: {  	(tag) =	ssettag $0x0;
	lr =	simm.s32 $0x1  }
0x2: {  	[smem:$0x3F75] =	sst lr;
	_ =	strace $0xD0000000  }
0x3: {  	_ = 	snop  }
0x4: {  	_ = 	snop  }
0x5: {  	_ = 	snop  }
0x6: {  	_ = 	snop  }
0x7: {  	_ = 	snop  }
__scs_overlays_trampoline_lowered:
0x8: {  	[smem:$0x3F84] =	sst s0  }
0x9: {  	[smem:$0x3F85] =	sst s1  }
0xa: {  	[smem:$0x3F86] =	sst s2  }
0xb: {  	[smem:$0x3F87] =	sst s3  }
0xc: {  	[smem:$0x3F88] =	sst s4  }
0xd: {  	[smem:$0x3F89] =	sst s5  }
0xe: {  	[smem:$0x3F8A] =	sst s6  }
0xf: {  	[smem:$0x3F8B] =	sst s7  }
0x10: {  	[smem:$0x3F8C] =	sst s8  }
0x11: {  	[smem:$0x3F8D] =	sst s9;
	s0 =	simm.s32 @!p0 $0x0  }
0x12: {  	s1 =	sld [smem:$0x3F73];
	s0 =	simm.s32 @p0 $0x1  }
0x13: {  	[smem:$0x3F8E] =	sst s0;
	s0 =	simm.s32 @!p1 $0x0  }
0x14: {  	s2 =	sld [smem:$0x3F72];
	s0 =	simm.s32 @p1 $0x1  }
0x15: {  	[smem:$0x3F8F] =	sst s0;
	s0 =	simm.s32 @!p2 $0x0  }
0x16: {  	s3 =	sld [smem:$0x3FDB];
	s0 =	simm.s32 @p2 $0x1  }
0x17: {  	s4 =	simm.s32 $0x1BF5;
	[smem:$0x3F91] =	sst s0  }
0x18: {  	s0 =	sld [smem:$0x3F74];
	_ =	swait.ge [sflag:s4], $0x0  }
0x19: {  	s7 =	sld [smem:$0x3F75]  }
0x1a: {  	s8 =	sadd.s32 $0xFFFFE003, lr  }
0x1b: {  	s9 =	sadd.s32 $0xFFFFFEF7, lr;
	s5 =	simm.s32 $0xFFFFFFFF;
	p2 =	slt.u32 s8, $0xFFFFF086  }
0x1c: {  	p1 =	slt.u32 s9, $0xF7A;
	s5 =	simm.s32 @!p2 $0x0  }
0x1d: {  	s5 =	simm.s32 @p1 $0x1;
	p0 =	seq.s32 s7, s2  }
0x1e: {  	s7 =	smul.u32 @!p0 $0xF7A, s2;
	p2 =	seq.s32 @!p0 s5, $0x0  }
0x1f: {  	s9 =	smul.u32 $0xF7A, s1;
	s8 =	simm.s32 @!p0 $0x1BF5;
	p2 =	por !p2, p0  }
0x20: {  	[sflag:s8] =	ssyncset.s32 @!p0 $0xFFFFF086;
	s6 =	sadd.s32 @!p0 s3, s7;
	s7 =	simm.s32 @!p0 $0x108  }
0x21: {  	s3 =	sadd.s32 s3, s9;
	s6 =	sadd.s32 @!p0 $0x88, s6;
	s7 =	simm.s32 @p2 $0x1082  }
0x22: {  	[simem:s7], [sflag:s8] =	dma.local @!p0 [hbm:s6], $0xF7A  }
0x23: {  	s9 =	sor.u32 $0xD0000000, s2;
	s6 =	simm.s32 $0x108;
	_ =	swait.ge @!p0 [sflag:s8], $0x0  }
0x24: {  	s3 =	sadd.s32 $0x88, s3;
	s6 =	simm.s32 @!p1 $0x1082;
	[sflag:s4] =	ssyncset.s32 $0xFFFFF086  }
0x25: {  	[simem:s6], [sflag:s4] =	dma.local [hbm:s3], $0xF7A  }
0x26: {  	[smem:$0x3F75] =	sst s1;
	(tag) =	ssettag s2;
	_ =	strace s9  }
0x27: {  	s1 =	sld [smem:$0x3F85]  }
0x28: {  	s2 =	sld [smem:$0x3F86]  }
0x29: {  	s4 =	sld [smem:$0x3F88]  }
0x2a: {  	p0 =	seq.s32 s5, $0x0;
	s5 =	sld [smem:$0x3F89]  }
0x2b: {  	s6 =	sld [smem:$0x3F8A]  }
0x2c: {  	s7 =	sld [smem:$0x3F8B]  }
0x2d: {  	s3 =	simm.s32 $0x108;
	s8 =	sld [smem:$0x3F8C]  }
0x2e: {  	s3 =	simm.s32 @!p0 $0x1082;
	s9 =	sld [smem:$0x3F8D]  }
0x2f: {  	lr =	sadd.s32 s0, s3;
	s0 =	sld [smem:$0x3F84]  }
0x30: {  	s3 =	sld [smem:$0x3F87]  }
0x31: {  	[smem:$0x3F90] =	sst s10  }
0x32: {  	s10 =	sld [smem:$0x3F8E];
	_ =	sdelay $0x3  }
0x33: {  	p0 =	seq.s32 s10, $0x1;
	s10 =	sld [smem:$0x3F90];
	_ =	sdelay $0x3  }
0x34: {  	[smem:$0x3F90] =	sst s10  }
0x35: {  	s10 =	sld [smem:$0x3F8F];
	_ =	sdelay $0x3  }
0x36: {  	p1 =	seq.s32 s10, $0x1;
	s10 =	sld [smem:$0x3F90];
	_ =	sdelay $0x3  }
0x37: {  	[smem:$0x3F90] =	sst s10  }
0x38: {  	s10 =	sld [smem:$0x3F91]  }
0x39: {  	_ = 	snop;
	(pc) =	sbr.ind lr, $3  }
0x3a: {  	_ = 	snop  }
0x3b: {  	_ = 	snop  }
0x3c: {  	p2 =	seq.s32 s10, $0x1;
	s10 =	sld [smem:$0x3F90]  }
0x3d: {  	_ =	shalt  }
0x3e: {  	_ =	shalt  }
0x3f: {  	_ =	shalt  }
0x40: {  	_ =	shalt  }
0x41: {  	_ =	shalt  }
0x42: {  	_ =	shalt  }
0x43: {  	_ =	shalt  }
0x44: {  	_ =	shalt  }
0x45: {  	_ =	shalt  }
0x46: {  	_ =	shalt  }
0x47: {  	_ =	shalt  }
0x48: {  	_ =	shalt  }
0x49: {  	_ =	shalt  }
0x4a: {  	_ =	shalt  }
0x4b: {  	_ =	shalt  }
0x4c: {  	_ =	shalt  }
0x4d: {  	_ =	shalt  }
0x4e: {  	_ =	shalt  }
0x4f: {  	_ =	shalt  }
0x50: {  	_ =	shalt  }
0x51: {  	_ =	shalt  }
0x52: {  	_ =	shalt  }
0x53: {  	_ =	shalt  }
0x54: {  	_ =	shalt  }
0x55: {  	_ =	shalt  }
0x56: {  	_ =	shalt  }
0x57: {  	_ =	shalt  }
0x58: {  	_ =	shalt  }
0x59: {  	_ =	shalt  }
0x5a: {  	_ =	shalt  }
0x5b: {  	_ =	shalt  }
0x5c: {  	_ =	shalt  }
0x5d: {  	_ =	shalt  }
0x5e: {  	_ =	shalt  }
0x5f: {  	_ =	shalt  }
0x60: {  	_ =	shalt  }
0x61: {  	_ =	shalt  }
0x62: {  	_ =	shalt  }
0x63: {  	_ =	shalt  }
0x64: {  	_ =	shalt  }
0x65: {  	_ =	shalt  }
0x66: {  	_ =	shalt  }
0x67: {  	_ =	shalt  }
0x68: {  	_ =	shalt  }
0x69: {  	_ =	shalt  }
0x6a: {  	_ =	shalt  }
0x6b: {  	_ =	shalt  }
0x6c: {  	_ =	shalt  }
0x6d: {  	_ =	shalt  }
0x6e: {  	_ =	shalt  }
0x6f: {  	_ =	shalt  }
0x70: {  	_ =	shalt  }
0x71: {  	_ =	shalt  }
0x72: {  	_ =	shalt  }
0x73: {  	_ =	shalt  }
0x74: {  	_ =	shalt  }
0x75: {  	_ =	shalt  }
0x76: {  	_ =	shalt  }
0x77: {  	_ =	shalt  }
0x78: {  	_ =	shalt  }
0x79: {  	_ =	shalt  }
0x7a: {  	_ =	shalt  }
0x7b: {  	_ =	shalt  }
0x7c: {  	_ =	shalt  }
0x7d: {  	_ =	shalt  }
0x7e: {  	_ =	shalt  }
0x7f: {  	_ =	shalt  }
0x80: {  	_ =	shalt  }
0x81: {  	_ =	shalt  }
0x82: {  	_ =	shalt  }
0x83: {  	_ =	shalt  }
0x84: {  	_ =	shalt  }
0x85: {  	_ =	shalt  }
0x86: {  	_ =	shalt  }
0x87: {  	_ =	shalt  }
.Lfunc_end0:
.L_simem_size_0:
called_computation_lowered:
.L_overlay_start_0:
0x88: {  	s2 =	sld [smem:$0x3FD9]  }
0x89: {  	s3 =	sld [smem:$0x3FFE];
	_ =	sdelay $0x1  }
0x8a: {  	s1 =	srdreg.scid  }
0x8b: {  	s0 =	sand.u32 $0x1, s1  }
0x8c: {  	s17 =	sshll.u32 s0, $0xA;
	s2 =	sadd.s32 s3, s2  }
0x8d: {  	s2 =	sadd.s32 s2, s17  }
0x8e: {  	[smem:$0x3F9C] =	sst s2  }
0x8f: {  	_ = 	snop  }
0x90: {  	s2 =	sld [smem:$0x3FD0];
	(tm) =	ssettm $0x1  }
0x91: {  	s18 =	sld [smem:$0x3FFB];
	_ =	sdelay $0x3  }
0x92: {  	_ =	strace s18  }
0x93: {  	s3 =	sld [smem:$0x3FFC];
	_ =	sdelay $0x3  }
0x94: {  	_ =	strace s3  }
0x95: {  	s3 =	sld [smem:$0x3FFD];
	_ =	sdelay $0x3  }
0x96: {  	_ =	strace s3  }
0x97: {  	_ =	strace $0x8FFFFFFF  }
0x98: {  	s19 =	sld [smem:$0x3FDB];
	_ =	sdelay $0x1  }
0x99: {  	s4 =	simm.s32 $_scs_section_size  }
0x9a: {  	s5 =	simm.s32 $_size__tile_overlayer_lowered;
	s6 =	simm.s32 $_tile_overlayer_lowered  }
0x9b: {  	s22 =	simm.s32 $0x1BFF;
	s21 =	sshll.u32 s6, $0x1;
	s3 =	sadd.s32 s4, s19  }
0x9c: {  	s7 =	simm.s32 $0x0;
	s20 =	sshll.u32 s5, $0x1;
	s5 =	sadd.s32 s21, s3  }
0x9d: {  	[timem:s7], [sflag:s22] =	dma.local [hbm:s5], s20  }
0x9e: {  	_ =	swait.ge [sflag:s22], s20  }
0x9f: {  	s4 =	ssub.s32 $0x0, s20;
	[sflag:s22] =	ssyncset.done $0x0  }
0xa0: {  	[sflag:s22] =	ssyncadd.s32 s4;
	_ =	sdelay $0x1  }
0xa1: {  	s23 =	simm.s32 $0x1B8B  }
0xa2: {  	_ =	swait.ge [sflag:s23], $0x1  }
0xa3: {  	[sflag:s23] =	ssyncset.done $0x0  }
0xa4: {  	s25 =	simm.s32 $0x1B8E;
	s24 =	sld [smem:$0x3FFE];
	[sflag:s23] =	ssyncadd.s32 $0xFFFFFFFF  }
0xa5: {  	s26 =	simm.s32 $execute0_lowered;
	[smem:$0x3FD2] =	sst s25  }
0xa6: {  	s5 =	sshll.u32 s26, $0x1;
	_ =	strace $0x80000046;
	[dreg:$0x1] =	wrdreg $0xFFFFFFFF  }
0xa7: {  	s28 =	simm.s32 $_size_execute0_lowered;
	s3 =	sadd.s32 s3, s5;
	[dreg:$0x0] =	wrdreg $0x0  }
0xa8: {  	s5 =	sshll.u32 s28, $0x1;
	[dreg:$0x2] =	wrdreg s3  }
0xa9: {  	[dreg:$0x3] =	wrdreg s5  }
0xaa: {  	[dreg:$0x4] =	wrdreg $0xC0  }
0xab: {  	_ =	task [dreg:s7], $0x5FFFF  }
0xac: {  	[dreg:$0x1] =	wrdreg $0xFFFFFFFF  }
0xad: {  	[dreg:$0x0] =	wrdreg $0x60  }
0xae: {  	[dreg:$0x2] =	wrdreg s2  }
0xaf: {  	[dreg:$0x3] =	wrdreg s24  }
0xb0: {  	[dreg:$0x4] =	wrdreg $0x9  }
0xb1: {  	_ =	task.clear_ibuf [dreg:s7], $0x5FFFF;
	_ =	strace $0x90000046  }
0xb2: {  	s29 =	simm.s32 $0x9;
	_ =	strace $0x80000048  }
0xb3: {  	_ =	swait.ge [sflag:s29], $0x1  }
0xb4: {  	[sflag:s29] =	ssyncadd.s32 $0xFFFFFFFF  }
0xb5: {  	_ =	strace $0x90000048  }
0xb6: {  	_ =	sfence  }
0xb7: {  	s30 =	sld [smem:$0x0];
	_ =	sdelay $0x2  }
0xb8: {  	s31 =	sshll.u32 s1, $0xD;
	s1 =	sshrl.u32 s1, $0x2  }
0xb9: {  	s3 =	sand.u32 $0x4000, s31;
	s1 =	sadd.s32 s1, s30  }
0xba: {  	s0 =	sor.u32 s3, s0;
	s1 =	sshll.u32 s1, $0x11  }
0xbb: {  	s0 =	sor.u32 s1, s0  }
0xbc: {  	s0 =	sadd.s32 $0x8F2B, s0  }
0xbd: {  	[sflag:s0] =	ssyncadd.remote.s32 $0x1  }
0xbe: {  	_ =	sfence.sel $0xFFFF  }
0xbf: {  	[dreg:$0x0] =	wrdreg $0xFFFFFFFF;
	(pc) =	sbr.abs _section_cstart, $3  }
0xc0: {  	[dreg:$0x1] =	wrdreg $0xFFFFFFFF  }
0xc1: {  	_ =	task.clear_ibuf [dreg:s7], $0x2FFFF;
	_ =	strace $0x9FFFFFFF  }
0xc2: {  	(tm) =	ssettm $0x7FFFFFFF  }
0xc3: {  	_ =	shalt  }
tec
execute0_lowered:
.L_overlay_start_1:
0x0: {  	(tag) =	ssettag $0x1  }
0x1: {  	s0 =	srdreg.scid;
	s1 =	stileid.u32  }
0x2: {  	s3 =	rddreg [dreg:$0x0];
	s2 =	sand.u32 $0x1, s0;
	s6 =	sshll.u32 s1, $0x1  }
0x3: {  	s23 =	rddreg [dreg:$0x1];
	s0 =	sor.u32 s2, s6  }
0x4: {  	[dreg:$0xb] =	wrdreg s2;
	s2 =	simm.s32 $0x0;
	s4 =	smul.u32 $0x50, s0  }
0x5: {  	s21 =	sadd.s32 $0x45200, s23;
	[smem:$0x7FF] =	sst s2;
	s24 =	smul.u32 $0xA000, s0  }
0x6: {  	s0 =	smul.u32 $0x50000, s0;
	_ =	strace $0x80000047;
	s3 =	sadd.s32 s3, s4  }
0x7: {  	s7 =	sadd.s32 s21, s24;
	s31 =	sor.u32 $0x1400, s24;
	[dreg:$0x3] =	wrdreg s3  }
0x8: {  	s22 =	sshrl.u32 s0, $0x3;
	[dreg:$0x4] =	wrdreg s7;
	s8 =	sadd.s32 s21, s31  }
0x9: {  	s25 =	sadd.s32 $0x2800, s22;
	[dreg:$0x5] =	wrdreg s8  }
0xa: {  	s26 =	sadd.s32 $0x3C00, s22;
	s9 =	sadd.s32 s21, s25;
	s13 =	rddreg [dreg:$0x3]  }
0xb: {  	s28 =	sadd.s32 $0x5000, s22;
	s10 =	sadd.s32 s21, s26;
	[dreg:$0x6] =	wrdreg s9  }
0xc: {  	s29 =	sadd.s32 $0x6400, s22;
	s11 =	sadd.s32 s21, s28;
	[dreg:$0x7] =	wrdreg s10  }
0xd: {  	s30 =	sadd.s32 $0x7800, s22;
	s12 =	sadd.s32 s21, s29;
	[dreg:$0x8] =	wrdreg s11  }
0xe: {  	s14 =	sadd.s32 s21, s30;
	[dreg:$0x9] =	wrdreg s12  }
0xf: {  	s3 =	simm.s32 $0x7;
	[dreg:$0xa] =	wrdreg s14  }
0x10: {  	[tilespmem:s2], [sflag:$0x7] =	stream.linear.gather [hbm4b:s13+s2], $0x280, $0x38;
	[tilespmem:$0x1E280] =	vst v63  }
0x11: {  	_ =	swait.ge [sflag:s3], $0x280  }
0x12: {  	s5 =	simm.s32 $0x50;
	[sflag:s3] =	ssyncset.done $0x0  }
0x13: {  	s6 =	simm.s32 $0x280;
	s4 =	sadd.s32 $0x5200, s23;
	[sflag:s3] =	ssyncadd.s32 $0xFFFFFD80  }
0x14: {  	[tilespmem:s6], [sflag:$0x1] =	stream.indirect.gather [hbm4b:s4+s5], $0x200, s2, s5, $0xb8;
	[tilespmem:$0x1E280] =	vst v63  }
0x15: {  	s7 =	simm.s32 $0xA280;
	s8 =	simm.s32 $0x1  }
0x16: {  	[tilespmem:s7], [sflag:$0x2] =	stream.indirect.gather [hbm4b:s4+s5], $0x200, s5, s5, $0xb8;
	[tilespmem:$0x1E280] =	vst v63  }
0x17: {  	_ =	swait.ge [sflag:s8], $0xA000  }
0x18: {  	[sflag:s8] =	ssyncset.done $0x0  }
0x19: {  	s15 =	rddreg [dreg:$0x4];
	[sflag:s8] =	ssyncadd.s32 $0xFFFF6000  }
0x1a: {  	[hbm4b:s15+s2] =	stream.linear.scatter [tilespmem:s6], [sflag:$0x4], $0xA000, $0x38;
	[tilespmem:$0x1E280] =	vst v63  }
0x1b: {  	s9 =	simm.s32 $0xA0;
	s10 =	simm.s32 $0x14280;
	s11 =	simm.s32 $0x2  }
0x1c: {  	[tilespmem:s10], [sflag:$0x3] =	stream.indirect.gather [hbm4b:s4+s5], $0x200, s9, s5, $0xb8;
	[tilespmem:$0x1E280] =	vst v63  }
0x1d: {  	_ =	swait.ge [sflag:s11], $0xA000  }
0x1e: {  	[sflag:s11] =	ssyncset.done $0x0  }
0x1f: {  	s12 =	simm.s32 $0x4;
	s16 =	rddreg [dreg:$0x5];
	[sflag:s11] =	ssyncadd.s32 $0xFFFF6000  }
0x20: {  	[hbm4b:s16+s2] =	stream.linear.scatter [tilespmem:s7], [sflag:$0x5], $0xA000, $0x38;
	[tilespmem:$0x1E280] =	vst v63  }
0x21: {  	_ =	swait.ge [sflag:s12], $0xA000  }
0x22: {  	[sflag:s12] =	ssyncset.done $0x0  }
0x23: {  	s13 =	simm.s32 $0xF0;
	s14 =	simm.s32 $0x3;
	[sflag:s12] =	ssyncadd.s32 $0xFFFF6000  }
0x24: {  	[tilespmem:s6], [sflag:$0x1] =	stream.indirect.gather [hbm4b:s4+s5], $0x200, s13, s5, $0xb8;
	[tilespmem:$0x1E280] =	vst v63  }
0x25: {  	_ =	swait.ge [sflag:s14], $0xA000  }
0x26: {  	[sflag:s14] =	ssyncset.done $0x0  }
0x27: {  	s15 =	simm.s32 $0x5;
	s17 =	rddreg [dreg:$0x6];
	[sflag:s14] =	ssyncadd.s32 $0xFFFF6000  }
0x28: {  	[hbm4b:s17+s2] =	stream.linear.scatter [tilespmem:s10], [sflag:$0x6], $0xA000, $0x38;
	[tilespmem:$0x1E280] =	vst v63  }
0x29: {  	_ =	swait.ge [sflag:s15], $0xA000  }
0x2a: {  	[sflag:s15] =	ssyncset.done $0x0  }
0x2b: {  	s16 =	simm.s32 $0x140;
	[sflag:s15] =	ssyncadd.s32 $0xFFFF6000  }
0x2c: {  	[tilespmem:s7], [sflag:$0x2] =	stream.indirect.gather [hbm4b:s4+s5], $0x200, s16, s5, $0xb8;
	[tilespmem:$0x1E280] =	vst v63  }
0x2d: {  	_ =	swait.ge [sflag:s8], $0xA000  }
0x2e: {  	[sflag:s8] =	ssyncset.done $0x0  }
0x2f: {  	s17 =	simm.s32 $0x6;
	s18 =	rddreg [dreg:$0x7];
	[sflag:s8] =	ssyncadd.s32 $0xFFFF6000  }
0x30: {  	[hbm4b:s18+s2] =	stream.linear.scatter [tilespmem:s6], [sflag:$0x4], $0xA000, $0x38;
	[tilespmem:$0x1E280] =	vst v63  }
0x31: {  	_ =	swait.ge [sflag:s17], $0xA000  }
0x32: {  	[sflag:s17] =	ssyncset.done $0x0  }
0x33: {  	s18 =	simm.s32 $0x190;
	[sflag:s17] =	ssyncadd.s32 $0xFFFF6000  }
0x34: {  	[tilespmem:s10], [sflag:$0x3] =	stream.indirect.gather [hbm4b:s4+s5], $0x200, s18, s5, $0xb8;
	[tilespmem:$0x1E280] =	vst v63  }
0x35: {  	_ =	swait.ge [sflag:s11], $0xA000  }
0x36: {  	[sflag:s11] =	ssyncset.done $0x0  }
0x37: {  	s19 =	rddreg [dreg:$0x8];
	[sflag:s11] =	ssyncadd.s32 $0xFFFF6000  }
0x38: {  	[hbm4b:s19+s2] =	stream.linear.scatter [tilespmem:s7], [sflag:$0x5], $0xA000, $0x38;
	[tilespmem:$0x1E280] =	vst v63  }
0x39: {  	_ =	swait.ge [sflag:s12], $0xA000  }
0x3a: {  	[sflag:s12] =	ssyncset.done $0x0  }
0x3b: {  	s19 =	simm.s32 $0x1E0;
	[sflag:s12] =	ssyncadd.s32 $0xFFFF6000  }
0x3c: {  	[tilespmem:s6], [sflag:$0x1] =	stream.indirect.gather [hbm4b:s4+s5], $0x200, s19, s5, $0xb8;
	[tilespmem:$0x1E280] =	vst v63  }
0x3d: {  	_ =	swait.ge [sflag:s14], $0xA000  }
0x3e: {  	[sflag:s14] =	ssyncset.done $0x0  }
0x3f: {  	s20 =	rddreg [dreg:$0x9];
	[sflag:s14] =	ssyncadd.s32 $0xFFFF6000  }
0x40: {  	[hbm4b:s20+s2] =	stream.linear.scatter [tilespmem:s10], [sflag:$0x6], $0xA000, $0x38;
	[tilespmem:$0x1E280] =	vst v63  }
0x41: {  	_ =	swait.ge [sflag:s15], $0xA000  }
0x42: {  	[sflag:s15] =	ssyncset.done $0x0  }
0x43: {  	s20 =	simm.s32 $0x230;
	[sflag:s15] =	ssyncadd.s32 $0xFFFF6000  }
0x44: {  	[tilespmem:s7], [sflag:$0x2] =	stream.indirect.gather [hbm4b:s4+s5], $0x200, s20, s5, $0xb8;
	[tilespmem:$0x1E280] =	vst v63  }
0x45: {  	_ =	swait.ge [sflag:s8], $0xA000  }
0x46: {  	[sflag:s8] =	ssyncset.done $0x0  }
0x47: {  	s1 =	rddreg [dreg:$0xa];
	[sflag:s8] =	ssyncadd.s32 $0xFFFF6000  }
0x48: {  	[hbm4b:s1+s2] =	stream.linear.scatter [tilespmem:s6], [sflag:$0x4], $0xA000, $0x38;
	[tilespmem:$0x1E280] =	vst v63  }
0x49: {  	_ =	swait.ge [sflag:s11], $0xA000  }
0x4a: {  	s1 =	sadd.s32 $0x8C00, s22;
	[sflag:s11] =	ssyncset.done $0x0  }
0x4b: {  	s21 =	sadd.s32 s21, s1;
	[sflag:s11] =	ssyncadd.s32 $0xFFFF6000  }
0x4c: {  	[hbm4b:s21+s2] =	stream.linear.scatter [tilespmem:s7], [sflag:$0x5], $0xA000, $0x38;
	[tilespmem:$0x1E280] =	vst v63  }
0x4d: {  	_ =	swait.ge [sflag:s17], $0xA000  }
0x4e: {  	[sflag:s17] =	ssyncset.done $0x0  }
0x4f: {  	[sflag:s17] =	ssyncadd.s32 $0xFFFF6000  }
0x50: {  	_ =	swait.ge [sflag:s12], $0xA000  }
0x51: {  	[sflag:s12] =	ssyncset.done $0x0  }
0x52: {  	[sflag:s12] =	ssyncadd.s32 $0xFFFF6000  }
0x53: {  	_ =	swait.ge [sflag:s15], $0xA000  }
0x54: {  	[sflag:s15] =	ssyncset.done $0x0  }
0x55: {  	s22 =	sadd.s32 $0x25200, s23;
	[sflag:s15] =	ssyncadd.s32 $0xFFFF6000  }
0x56: {  	[tilespmem:s6], [sflag:$0x1] =	stream.indirect.gather [hbm4b:s22+s5], $0x200, s2, s5, $0xb8;
	[tilespmem:$0x1E280] =	vst v63  }
0x57: {  	_ = 	snop  }
0x58: {  	[tilespmem:s7], [sflag:$0x2] =	stream.indirect.gather [hbm4b:s22+s5], $0x200, s5, s5, $0xb8;
	[tilespmem:$0x1E280] =	vst v63  }
0x59: {  	_ =	swait.ge [sflag:s8], $0xA000  }
0x5a: {  	s0 =	sadd.s32 $0x185200, s23;
	[sflag:s8] =	ssyncset.done $0x0  }
0x5b: {  	s23 =	sadd.s32 s0, s24;
	[sflag:s8] =	ssyncadd.s32 $0xFFFF6000  }
0x5c: {  	[hbm4b:s23+s2] =	stream.linear.scatter [tilespmem:s6], [sflag:$0x4], $0xA000, $0x38;
	[tilespmem:$0x1E280] =	vst v63  }
0x5d: {  	_ = 	snop  }
0x5e: {  	[tilespmem:s10], [sflag:$0x3] =	stream.indirect.gather [hbm4b:s22+s5], $0x200, s9, s5, $0xb8;
	[tilespmem:$0x1E280] =	vst v63  }
0x5f: {  	_ =	swait.ge [sflag:s11], $0xA000  }
0x60: {  	[sflag:s11] =	ssyncset.done $0x0  }
0x61: {  	s24 =	sadd.s32 s0, s31;
	[sflag:s11] =	ssyncadd.s32 $0xFFFF6000  }
0x62: {  	[hbm4b:s24+s2] =	stream.linear.scatter [tilespmem:s7], [sflag:$0x5], $0xA000, $0x38;
	[tilespmem:$0x1E280] =	vst v63  }
0x63: {  	_ =	swait.ge [sflag:s12], $0xA000  }
0x64: {  	[sflag:s12] =	ssyncset.done $0x0  }
0x65: {  	[sflag:s12] =	ssyncadd.s32 $0xFFFF6000  }
0x66: {  	[tilespmem:s6], [sflag:$0x1] =	stream.indirect.gather [hbm4b:s22+s5], $0x200, s13, s5, $0xb8;
	[tilespmem:$0x1E280] =	vst v63  }
0x67: {  	_ =	swait.ge [sflag:s14], $0xA000  }
0x68: {  	[sflag:s14] =	ssyncset.done $0x0  }
0x69: {  	s25 =	sadd.s32 s0, s25;
	[sflag:s14] =	ssyncadd.s32 $0xFFFF6000  }
0x6a: {  	[hbm4b:s25+s2] =	stream.linear.scatter [tilespmem:s10], [sflag:$0x6], $0xA000, $0x38;
	[tilespmem:$0x1E280] =	vst v63  }
0x6b: {  	_ =	swait.ge [sflag:s15], $0xA000  }
0x6c: {  	[sflag:s15] =	ssyncset.done $0x0  }
0x6d: {  	[sflag:s15] =	ssyncadd.s32 $0xFFFF6000  }
0x6e: {  	[tilespmem:s7], [sflag:$0x2] =	stream.indirect.gather [hbm4b:s22+s5], $0x200, s16, s5, $0xb8;
	[tilespmem:$0x1E280] =	vst v63  }
0x6f: {  	_ =	swait.ge [sflag:s8], $0xA000  }
0x70: {  	[sflag:s8] =	ssyncset.done $0x0  }
0x71: {  	s26 =	sadd.s32 s0, s26;
	[sflag:s8] =	ssyncadd.s32 $0xFFFF6000  }
0x72: {  	[hbm4b:s26+s2] =	stream.linear.scatter [tilespmem:s6], [sflag:$0x4], $0xA000, $0x38;
	[tilespmem:$0x1E280] =	vst v63  }
0x73: {  	_ =	swait.ge [sflag:s17], $0xA000  }
0x74: {  	[sflag:s17] =	ssyncset.done $0x0  }
0x75: {  	[sflag:s17] =	ssyncadd.s32 $0xFFFF6000  }
0x76: {  	[tilespmem:s10], [sflag:$0x3] =	stream.indirect.gather [hbm4b:s22+s5], $0x200, s18, s5, $0xb8;
	[tilespmem:$0x1E280] =	vst v63  }
0x77: {  	_ =	swait.ge [sflag:s11], $0xA000  }
0x78: {  	[sflag:s11] =	ssyncset.done $0x0  }
0x79: {  	s28 =	sadd.s32 s0, s28;
	[sflag:s11] =	ssyncadd.s32 $0xFFFF6000  }
0x7a: {  	[hbm4b:s28+s2] =	stream.linear.scatter [tilespmem:s7], [sflag:$0x5], $0xA000, $0x38;
	[tilespmem:$0x1E280] =	vst v63  }
0x7b: {  	_ =	swait.ge [sflag:s12], $0xA000  }
0x7c: {  	[sflag:s12] =	ssyncset.done $0x0  }
0x7d: {  	[sflag:s12] =	ssyncadd.s32 $0xFFFF6000  }
0x7e: {  	[tilespmem:s6], [sflag:$0x1] =	stream.indirect.gather [hbm4b:s22+s5], $0x200, s19, s5, $0xb8;
	[tilespmem:$0x1E280] =	vst v63  }
0x7f: {  	_ =	swait.ge [sflag:s14], $0xA000  }
0x80: {  	[sflag:s14] =	ssyncset.done $0x0  }
0x81: {  	s29 =	sadd.s32 s0, s29;
	[sflag:s14] =	ssyncadd.s32 $0xFFFF6000  }
0x82: {  	[hbm4b:s29+s2] =	stream.linear.scatter [tilespmem:s10], [sflag:$0x6], $0xA000, $0x38;
	[tilespmem:$0x1E280] =	vst v63  }
0x83: {  	_ =	swait.ge [sflag:s15], $0xA000  }
0x84: {  	[sflag:s15] =	ssyncset.done $0x0  }
0x85: {  	[sflag:s15] =	ssyncadd.s32 $0xFFFF6000  }
0x86: {  	[tilespmem:s7], [sflag:$0x2] =	stream.indirect.gather [hbm4b:s22+s5], $0x200, s20, s5, $0xb8;
	[tilespmem:$0x1E280] =	vst v63  }
0x87: {  	_ =	swait.ge [sflag:s8], $0xA000  }
0x88: {  	[sflag:s8] =	ssyncset.done $0x0  }
0x89: {  	s30 =	sadd.s32 s0, s30;
	[sflag:s8] =	ssyncadd.s32 $0xFFFF6000  }
0x8a: {  	[hbm4b:s30+s2] =	stream.linear.scatter [tilespmem:s6], [sflag:$0x4], $0xA000, $0x38;
	[tilespmem:$0x1E280] =	vst v63  }
0x8b: {  	_ =	swait.ge [sflag:s11], $0xA000  }
0x8c: {  	[sflag:s11] =	ssyncset.done $0x0  }
0x8d: {  	s31 =	sadd.s32 s0, s1;
	[sflag:s11] =	ssyncadd.s32 $0xFFFF6000  }
0x8e: {  	[hbm4b:s31+s2] =	stream.linear.scatter [tilespmem:s7], [sflag:$0x5], $0xA000, $0x38;
	[tilespmem:$0x1E280] =	vst v63  }
0x8f: {  	_ =	swait.ge [sflag:s17], $0xA000  }
0x90: {  	s1 =	rddreg [dreg:$0xb]  }
0x91: {  	s0 =	ssub.s32 $0x2, s1  }
0x92: {  	s1 =	sshrl.u32 s0, $0x1  }
0x93: {  	s0 =	ssub.s32 s0, s1  }
0x94: {  	s0 =	smax.u32 s0, $0x1  }
0x95: {  	[sflag:s17] =	ssyncset.done $0x0;
	p0 =	sne.s32 s0, $0x1  }
.Ltmp0:
0x96: {  	[sflag:s17] =	ssyncadd.s32 $0xFFFF6000;
	(pc) =	sbr.rel @!p0 .LBB2_2-.Ltmp0, $4  }
0x97: {  	_ =	swait.ge [sflag:s12], $0xA000  }
0x98: {  	[sflag:s12] =	ssyncset.done $0x0  }
0x99: {  	[sflag:s12] =	ssyncadd.s32 $0xFFFF6000  }
0x9a: {  	s1 =	sadd.s32 $0xFFFFFFFF, s0;
	_ =	swait.ge [sflag:s15], $0xA000  }
.LBB2_1:
0x9b: {  	[sflag:s15] =	ssyncset.done $0x0  }
0x9c: {  	s0 =	rddreg [dreg:$0x3];
	[sflag:s15] =	ssyncadd.s32 $0xFFFF6000  }
0x9d: {  	[tilespmem:s2], [sflag:$0x7] =	stream.linear.gather [hbm4b:s0+s2], $0x280, $0x38;
	[tilespmem:$0x1E280] =	vst v63  }
0x9e: {  	_ =	swait.ge [sflag:s3], $0x280  }
0x9f: {  	[sflag:s3] =	ssyncset.done $0x0  }
0xa0: {  	[sflag:s3] =	ssyncadd.s32 $0xFFFFFD80  }
0xa1: {  	[tilespmem:s6], [sflag:$0x1] =	stream.indirect.gather [hbm4b:s4+s5], $0x200, s2, s5, $0xb8;
	[tilespmem:$0x1E280] =	vst v63  }
0xa2: {  	_ = 	snop  }
0xa3: {  	[tilespmem:s7], [sflag:$0x2] =	stream.indirect.gather [hbm4b:s4+s5], $0x200, s5, s5, $0xb8;
	[tilespmem:$0x1E280] =	vst v63  }
0xa4: {  	_ =	swait.ge [sflag:s8], $0xA000  }
0xa5: {  	[sflag:s8] =	ssyncset.done $0x0  }
0xa6: {  	s0 =	rddreg [dreg:$0x4];
	[sflag:s8] =	ssyncadd.s32 $0xFFFF6000  }
0xa7: {  	[hbm4b:s0+s2] =	stream.linear.scatter [tilespmem:s6], [sflag:$0x4], $0xA000, $0x38;
	[tilespmem:$0x1E280] =	vst v63  }
0xa8: {  	_ = 	snop  }
0xa9: {  	[tilespmem:s10], [sflag:$0x3] =	stream.indirect.gather [hbm4b:s4+s5], $0x200, s9, s5, $0xb8;
	[tilespmem:$0x1E280] =	vst v63  }
0xaa: {  	_ =	swait.ge [sflag:s11], $0xA000  }
0xab: {  	[sflag:s11] =	ssyncset.done $0x0  }
0xac: {  	s0 =	rddreg [dreg:$0x5];
	[sflag:s11] =	ssyncadd.s32 $0xFFFF6000  }
0xad: {  	[hbm4b:s0+s2] =	stream.linear.scatter [tilespmem:s7], [sflag:$0x5], $0xA000, $0x38;
	[tilespmem:$0x1E280] =	vst v63  }
0xae: {  	_ =	swait.ge [sflag:s12], $0xA000  }
0xaf: {  	[sflag:s12] =	ssyncset.done $0x0  }
0xb0: {  	[sflag:s12] =	ssyncadd.s32 $0xFFFF6000  }
0xb1: {  	[tilespmem:s6], [sflag:$0x1] =	stream.indirect.gather [hbm4b:s4+s5], $0x200, s13, s5, $0xb8;
	[tilespmem:$0x1E280] =	vst v63  }
0xb2: {  	_ =	swait.ge [sflag:s14], $0xA000  }
0xb3: {  	[sflag:s14] =	ssyncset.done $0x0  }
0xb4: {  	s0 =	rddreg [dreg:$0x6];
	[sflag:s14] =	ssyncadd.s32 $0xFFFF6000  }
0xb5: {  	[hbm4b:s0+s2] =	stream.linear.scatter [tilespmem:s10], [sflag:$0x6], $0xA000, $0x38;
	[tilespmem:$0x1E280] =	vst v63  }
0xb6: {  	_ =	swait.ge [sflag:s15], $0xA000  }
0xb7: {  	[sflag:s15] =	ssyncset.done $0x0  }
0xb8: {  	[sflag:s15] =	ssyncadd.s32 $0xFFFF6000  }
0xb9: {  	[tilespmem:s7], [sflag:$0x2] =	stream.indirect.gather [hbm4b:s4+s5], $0x200, s16, s5, $0xb8;
	[tilespmem:$0x1E280] =	vst v63  }
0xba: {  	_ =	swait.ge [sflag:s8], $0xA000  }
0xbb: {  	[sflag:s8] =	ssyncset.done $0x0  }
0xbc: {  	s0 =	rddreg [dreg:$0x7];
	[sflag:s8] =	ssyncadd.s32 $0xFFFF6000  }
0xbd: {  	[hbm4b:s0+s2] =	stream.linear.scatter [tilespmem:s6], [sflag:$0x4], $0xA000, $0x38;
	[tilespmem:$0x1E280] =	vst v63  }
0xbe: {  	_ =	swait.ge [sflag:s17], $0xA000  }
0xbf: {  	[sflag:s17] =	ssyncset.done $0x0  }
0xc0: {  	[sflag:s17] =	ssyncadd.s32 $0xFFFF6000  }
0xc1: {  	[tilespmem:s10], [sflag:$0x3] =	stream.indirect.gather [hbm4b:s4+s5], $0x200, s18, s5, $0xb8;
	[tilespmem:$0x1E280] =	vst v63  }
0xc2: {  	_ =	swait.ge [sflag:s11], $0xA000  }
0xc3: {  	[sflag:s11] =	ssyncset.done $0x0  }
0xc4: {  	s0 =	rddreg [dreg:$0x8];
	[sflag:s11] =	ssyncadd.s32 $0xFFFF6000  }
0xc5: {  	[hbm4b:s0+s2] =	stream.linear.scatter [tilespmem:s7], [sflag:$0x5], $0xA000, $0x38;
	[tilespmem:$0x1E280] =	vst v63  }
0xc6: {  	_ =	swait.ge [sflag:s12], $0xA000  }
0xc7: {  	[sflag:s12] =	ssyncset.done $0x0  }
0xc8: {  	[sflag:s12] =	ssyncadd.s32 $0xFFFF6000  }
0xc9: {  	[tilespmem:s6], [sflag:$0x1] =	stream.indirect.gather [hbm4b:s4+s5], $0x200, s19, s5, $0xb8;
	[tilespmem:$0x1E280] =	vst v63  }
0xca: {  	_ =	swait.ge [sflag:s14], $0xA000  }
0xcb: {  	[sflag:s14] =	ssyncset.done $0x0  }
0xcc: {  	s0 =	rddreg [dreg:$0x9];
	[sflag:s14] =	ssyncadd.s32 $0xFFFF6000  }
0xcd: {  	[hbm4b:s0+s2] =	stream.linear.scatter [tilespmem:s10], [sflag:$0x6], $0xA000, $0x38;
	[tilespmem:$0x1E280] =	vst v63  }
0xce: {  	_ =	swait.ge [sflag:s15], $0xA000  }
0xcf: {  	[sflag:s15] =	ssyncset.done $0x0  }
0xd0: {  	[sflag:s15] =	ssyncadd.s32 $0xFFFF6000  }
0xd1: {  	[tilespmem:s7], [sflag:$0x2] =	stream.indirect.gather [hbm4b:s4+s5], $0x200, s20, s5, $0xb8;
	[tilespmem:$0x1E280] =	vst v63  }
0xd2: {  	_ =	swait.ge [sflag:s8], $0xA000  }
0xd3: {  	[sflag:s8] =	ssyncset.done $0x0  }
0xd4: {  	s0 =	rddreg [dreg:$0xa];
	[sflag:s8] =	ssyncadd.s32 $0xFFFF6000  }
0xd5: {  	[hbm4b:s0+s2] =	stream.linear.scatter [tilespmem:s6], [sflag:$0x4], $0xA000, $0x38;
	[tilespmem:$0x1E280] =	vst v63  }
0xd6: {  	_ =	swait.ge [sflag:s11], $0xA000  }
0xd7: {  	[sflag:s11] =	ssyncset.done $0x0  }
0xd8: {  	[sflag:s11] =	ssyncadd.s32 $0xFFFF6000  }
0xd9: {  	[hbm4b:s21+s2] =	stream.linear.scatter [tilespmem:s7], [sflag:$0x5], $0xA000, $0x38;
	[tilespmem:$0x1E280] =	vst v63  }
0xda: {  	_ =	swait.ge [sflag:s17], $0xA000  }
0xdb: {  	[sflag:s17] =	ssyncset.done $0x0  }
0xdc: {  	[sflag:s17] =	ssyncadd.s32 $0xFFFF6000  }
0xdd: {  	_ =	swait.ge [sflag:s12], $0xA000  }
0xde: {  	[sflag:s12] =	ssyncset.done $0x0  }
0xdf: {  	[sflag:s12] =	ssyncadd.s32 $0xFFFF6000  }
0xe0: {  	_ =	swait.ge [sflag:s15], $0xA000  }
0xe1: {  	[sflag:s15] =	ssyncset.done $0x0  }
0xe2: {  	[sflag:s15] =	ssyncadd.s32 $0xFFFF6000  }
0xe3: {  	[tilespmem:s6], [sflag:$0x1] =	stream.indirect.gather [hbm4b:s22+s5], $0x200, s2, s5, $0xb8;
	[tilespmem:$0x1E280] =	vst v63  }
0xe4: {  	_ = 	snop  }
0xe5: {  	[tilespmem:s7], [sflag:$0x2] =	stream.indirect.gather [hbm4b:s22+s5], $0x200, s5, s5, $0xb8;
	[tilespmem:$0x1E280] =	vst v63  }
0xe6: {  	_ =	swait.ge [sflag:s8], $0xA000  }
0xe7: {  	[sflag:s8] =	ssyncset.done $0x0  }
0xe8: {  	[sflag:s8] =	ssyncadd.s32 $0xFFFF6000  }
0xe9: {  	[hbm4b:s23+s2] =	stream.linear.scatter [tilespmem:s6], [sflag:$0x4], $0xA000, $0x38;
	[tilespmem:$0x1E280] =	vst v63  }
0xea: {  	_ = 	snop  }
0xeb: {  	[tilespmem:s10], [sflag:$0x3] =	stream.indirect.gather [hbm4b:s22+s5], $0x200, s9, s5, $0xb8;
	[tilespmem:$0x1E280] =	vst v63  }
0xec: {  	_ =	swait.ge [sflag:s11], $0xA000  }
0xed: {  	[sflag:s11] =	ssyncset.done $0x0  }
0xee: {  	[sflag:s11] =	ssyncadd.s32 $0xFFFF6000  }
0xef: {  	[hbm4b:s24+s2] =	stream.linear.scatter [tilespmem:s7], [sflag:$0x5], $0xA000, $0x38;
	[tilespmem:$0x1E280] =	vst v63  }
0xf0: {  	_ =	swait.ge [sflag:s12], $0xA000  }
0xf1: {  	[sflag:s12] =	ssyncset.done $0x0  }
0xf2: {  	[sflag:s12] =	ssyncadd.s32 $0xFFFF6000  }
0xf3: {  	[tilespmem:s6], [sflag:$0x1] =	stream.indirect.gather [hbm4b:s22+s5], $0x200, s13, s5, $0xb8;
	[tilespmem:$0x1E280] =	vst v63  }
0xf4: {  	_ =	swait.ge [sflag:s14], $0xA000  }
0xf5: {  	[sflag:s14] =	ssyncset.done $0x0  }
0xf6: {  	[sflag:s14] =	ssyncadd.s32 $0xFFFF6000  }
0xf7: {  	[hbm4b:s25+s2] =	stream.linear.scatter [tilespmem:s10], [sflag:$0x6], $0xA000, $0x38;
	[tilespmem:$0x1E280] =	vst v63  }
0xf8: {  	_ =	swait.ge [sflag:s15], $0xA000  }
0xf9: {  	[sflag:s15] =	ssyncset.done $0x0  }
0xfa: {  	[sflag:s15] =	ssyncadd.s32 $0xFFFF6000  }
0xfb: {  	[tilespmem:s7], [sflag:$0x2] =	stream.indirect.gather [hbm4b:s22+s5], $0x200, s16, s5, $0xb8;
	[tilespmem:$0x1E280] =	vst v63  }
0xfc: {  	_ =	swait.ge [sflag:s8], $0xA000  }
0xfd: {  	[sflag:s8] =	ssyncset.done $0x0  }
0xfe: {  	[sflag:s8] =	ssyncadd.s32 $0xFFFF6000  }
0xff: {  	[hbm4b:s26+s2] =	stream.linear.scatter [tilespmem:s6], [sflag:$0x4], $0xA000, $0x38;
	[tilespmem:$0x1E280] =	vst v63  }
0x100: {  	_ =	swait.ge [sflag:s17], $0xA000  }
0x101: {  	[sflag:s17] =	ssyncset.done $0x0  }
0x102: {  	[sflag:s17] =	ssyncadd.s32 $0xFFFF6000  }
0x103: {  	[tilespmem:s10], [sflag:$0x3] =	stream.indirect.gather [hbm4b:s22+s5], $0x200, s18, s5, $0xb8;
	[tilespmem:$0x1E280] =	vst v63  }
0x104: {  	_ =	swait.ge [sflag:s11], $0xA000  }
0x105: {  	[sflag:s11] =	ssyncset.done $0x0  }
0x106: {  	[sflag:s11] =	ssyncadd.s32 $0xFFFF6000  }
0x107: {  	[hbm4b:s28+s2] =	stream.linear.scatter [tilespmem:s7], [sflag:$0x5], $0xA000, $0x38;
	[tilespmem:$0x1E280] =	vst v63  }
0x108: {  	_ =	swait.ge [sflag:s12], $0xA000  }
0x109: {  	[sflag:s12] =	ssyncset.done $0x0  }
0x10a: {  	[sflag:s12] =	ssyncadd.s32 $0xFFFF6000  }
0x10b: {  	[tilespmem:s6], [sflag:$0x1] =	stream.indirect.gather [hbm4b:s22+s5], $0x200, s19, s5, $0xb8;
	[tilespmem:$0x1E280] =	vst v63  }
0x10c: {  	_ =	swait.ge [sflag:s14], $0xA000  }
0x10d: {  	[sflag:s14] =	ssyncset.done $0x0  }
0x10e: {  	[sflag:s14] =	ssyncadd.s32 $0xFFFF6000  }
0x10f: {  	[hbm4b:s29+s2] =	stream.linear.scatter [tilespmem:s10], [sflag:$0x6], $0xA000, $0x38;
	[tilespmem:$0x1E280] =	vst v63  }
0x110: {  	_ =	swait.ge [sflag:s15], $0xA000  }
0x111: {  	[sflag:s15] =	ssyncset.done $0x0  }
0x112: {  	[sflag:s15] =	ssyncadd.s32 $0xFFFF6000  }
0x113: {  	[tilespmem:s7], [sflag:$0x2] =	stream.indirect.gather [hbm4b:s22+s5], $0x200, s20, s5, $0xb8;
	[tilespmem:$0x1E280] =	vst v63  }
0x114: {  	_ =	swait.ge [sflag:s8], $0xA000  }
0x115: {  	[sflag:s8] =	ssyncset.done $0x0  }
0x116: {  	[sflag:s8] =	ssyncadd.s32 $0xFFFF6000  }
0x117: {  	[hbm4b:s30+s2] =	stream.linear.scatter [tilespmem:s6], [sflag:$0x4], $0xA000, $0x38;
	[tilespmem:$0x1E280] =	vst v63  }
0x118: {  	_ =	swait.ge [sflag:s11], $0xA000  }
0x119: {  	[sflag:s11] =	ssyncset.done $0x0  }
0x11a: {  	[sflag:s11] =	ssyncadd.s32 $0xFFFF6000  }
0x11b: {  	[hbm4b:s31+s2] =	stream.linear.scatter [tilespmem:s7], [sflag:$0x5], $0xA000, $0x38;
	[tilespmem:$0x1E280] =	vst v63  }
0x11c: {  	_ =	swait.ge [sflag:s17], $0xA000  }
0x11d: {  	p0 =	sne.s32 s1, $0x1;
	[sflag:s17] =	ssyncset.done $0x0  }
.Ltmp1:
0x11e: {  	[sflag:s17] =	ssyncadd.s32 $0xFFFF6000;
	(pc) =	sbr.rel @p0 .LBB2_1-.Ltmp1, $4  }
0x11f: {  	_ =	swait.ge [sflag:s12], $0xA000  }
0x120: {  	[sflag:s12] =	ssyncset.done $0x0  }
0x121: {  	[sflag:s12] =	ssyncadd.s32 $0xFFFF6000  }
0x122: {  	s1 =	sadd.s32 $0xFFFFFFFF, s1;
	_ =	swait.ge [sflag:s15], $0xA000  }
.LBB2_2:
0x123: {  	[sflag:s15] =	ssyncset.done $0x0  }
0x124: {  	[sflag:s15] =	ssyncadd.s32 $0xFFFF6000  }
0x125: {  	_ =	sfence.sel $0x180000  }
0x126: {  	[bflag:$0x0] =	sbarrier.arrive $0xFFFF  }
0x127: {  	_ =	strace $0x90000047  }
0x128: {  	s0 =	stileid.u32;
	[bflag:$0x2] =	sbarrier.arrive $0xFFFF  }
0x129: {  	p0 =	sne.s32 s0, $0x0;
	s0 =	rddreg [dreg:$0x2]  }
0x12a: {  	s0 =	sadd.s32 @!p0 $0x100000, s0  }
0x12b: {  	[sflag:s0] =	ssyncadd.tile.s32 @!p0 $0x1;
	_ =	shalt  }
.Lfunc_end2:
_tile_overlayer_lowered:
.L_overlay_start_2:
0x12c: {  	(tag) =	ssettag $0x2  }
0x12d: {  	s0 =	rddreg [dreg:$0x0];
	s2 =	stileid.u32  }
0x12e: {  	s1 =	rddreg [dreg:$0x1];
	p0 =	sne.s32 s2, $0x0  }
0x12f: {  	s3 =	rddreg [dreg:$0x2];
	[bflag:$0x3] =	sbarrier.arrive $0xFFFF;
	s2 =	simm.s32 @!p0 $0x1C07  }
0x130: {  	[timem:s3], [sflag:s2] =	dma.local @!p0 [hbm:s0], s1  }
0x131: {  	s0 =	simm.s32 @!p0 $0x7  }
0x132: {  	_ =	swait.ge @!p0 [sflag:s0], s1  }
0x133: {  	s1 =	ssub.s32 @!p0 $0x0, s1;
	[sflag:s0] =	ssyncset.done @!p0 $0x0  }
0x134: {  	[sflag:s0] =	ssyncadd.s32 @!p0 s1  }
0x135: {  	[bflag:$0x3] =	sbarrier.arrive $0xFFFF  }
0x136: {  	_ =	shalt  }

</sc_bundles>
